<compile_context>
chip_gen: v7x
topology: tpu7x:2x2x1
jax: 0.10.2.dev20260603
libtpu: 0.0.44.dev20260713+nightly
codegen_flags: <defaults>
</compile_context>

<pallas_src>
import functools

import jax
import jax.numpy as jnp
from jax import lax
from jax.experimental import pallas as pl
from jax.experimental.pallas import tpu as pltpu
from jax.experimental.pallas import tpu_sc as plsc

VOCAB = 100000
D = 128
W = 5
B = 16384

NC = 2
NS = 16
NW = NC * NS
BPW = B // NW
CH = 64
NBUF = BPW // CH
IPB = 128 // CH
NPAIR = NBUF // IPB
LANES = 16
GROUPS = D // LANES


def _mesh():
    return plsc.VectorSubcoreMesh(core_axis_name="c", subcore_axis_name="s")


@functools.partial(
    pl.kernel,
    out_type=jax.ShapeDtypeStruct((B, D), jnp.float32),
    mesh=_mesh(),
    scratch_types=[
        pltpu.VMEM((NPAIR, W, IPB * CH), jnp.int32),
        pltpu.VMEM((NBUF, CH, D), jnp.float32),
        pltpu.VMEM((W, D), jnp.float32),
        pltpu.SemaphoreType.DMA,
        pltpu.SemaphoreType.DMA,
        pltpu.SemaphoreType.DMA,
        pltpu.SemaphoreType.DMA,
        pltpu.SemaphoreType.DMA,
        pltpu.SemaphoreType.DMA,
        pltpu.SemaphoreType.DMA,
        pltpu.SemaphoreType.DMA,
        pltpu.SemaphoreType.DMA,
        pltpu.SemaphoreType.DMA,
    ],
)
def _word_encode(word_hbm, table_hbm, pos_hbm, out_hbm,
                 idx_v, acc_v, pos_v, isem,
                 g0, g1, g2, g3, g4, g5, g6, g7, osem):
    wid = lax.axis_index("s") * NC + lax.axis_index("c")
    base = wid * BPW
    gsem = [g0, g1, g2, g3, g4, g5, g6, g7]

    idx_descs = [
        pltpu.async_copy(word_hbm.at[:, pl.ds(base + p * IPB * CH, IPB * CH)],
                         idx_v.at[p], isem)
        for p in range(NPAIR)
    ]

    pltpu.sync_copy(pos_hbm, pos_v)
    possum = []
    for c in range(GROUPS):
        sl = pl.ds(c * LANES, LANES)
        s = (pos_v[0, sl] + pos_v[1, sl]) + (pos_v[2, sl] + pos_v[3, sl])
        possum.append(s + pos_v[4, sl])

    for dsc in idx_descs:
        dsc.wait()

    def idx_slice(j, r):
        return idx_v.at[j // IPB, r, pl.ds((j % IPB) * CH, CH)]

    descs = {}
    for j in range(NBUF):
        def build(r, ps, j=j):
            for c in range(GROUPS):
                acc_v[j, r, pl.ds(c * LANES, LANES)] = ps[c]
            return ps

        lax.fori_loop(0, CH, build, tuple(possum))
        descs[(j, 0)] = pltpu.async_copy(
            table_hbm.at[idx_slice(j, 0)], acc_v.at[j], gsem[j], add=True)

    for r in range(1, W):
        for j in range(NBUF):
            descs[(j, r - 1)].wait()
            descs[(j, r)] = pltpu.async_copy(
                table_hbm.at[idx_slice(j, r)], acc_v.at[j], gsem[j], add=True)

    outs = []
    for j in range(NBUF):
        descs[(j, W - 1)].wait()
        outs.append(pltpu.async_copy(
            acc_v.at[j], out_hbm.at[pl.ds(base + j * CH, CH), :], osem))
    for dsc in outs:
        dsc.wait()


def kernel(word, letter_table, pos_table):
    word = word.astype(jnp.int32)
    return _word_encode(word, letter_table, pos_table)

# --- scband reference (transcript-rebuilt; emitter-appended) ---
"""Pipeline reference for scband-word-encoder-63814624084477 (READ-ONLY COPY).

The authoritative reference and input builder live on the scoring server;
editing this copy changes nothing except your own understanding.
"""

import jax, jax.numpy as jnp
import numpy as np

VOCAB = 100000
EMBED_DIM = 128
WORD_LEN = 5
BATCH = 16384


def setup_inputs(seed: int = 0) -> dict:
    key = jax.random.key(seed)
    k1, k2, k3 = jax.random.split(key, 3)
    word = jax.random.randint(k1, (WORD_LEN, BATCH), 0, VOCAB, dtype=jnp.int64)
    letter_table = jax.random.normal(k2, (VOCAB, EMBED_DIM), dtype=jnp.float32) * 0.02
    pos_table = jax.random.normal(k3, (WORD_LEN, EMBED_DIM), dtype=jnp.float32) * 0.02
    return {"word": word, "letter_table": letter_table, "pos_table": pos_table}


def reference(word, letter_table, pos_table):
    # letter_embeds = stack([letter_encoder(c) for c in word], dim=0)
    # gather: [WORD_LEN, BATCH, EMBED_DIM]
    letter_embeds = jnp.take(letter_table, word, axis=0)
    # positional embeddings for positions 0..4
    position_ids = jnp.arange(WORD_LEN)
    pos_embeds = jnp.take(pos_table, position_ids, axis=0)  # [WORD_LEN, EMBED_DIM]
    embeddings = letter_embeds + pos_embeds[:, None, :]
    # sum over letter positions -> [BATCH, EMBED_DIM]
    word_embed = embeddings.sum(axis=0)
    return word_embed

if __name__ == "__main__":
    import jax
    _d = setup_inputs()
    print(jax.jit(kernel)(*tuple(_d.values())))

</pallas_src>

<mosaic_0001>
#map = affine_map<(d0, d1) -> (0, 0)>
module attributes {stable_mosaic.version = 14 : i64} {
  func.func @_word_encode(%arg0: i32, %arg1: i32, %arg2: memref<5x16384xi32, #tpu.memory_space<hbm>>, %arg3: memref<100000x128xf32, #tpu.memory_space<hbm>>, %arg4: memref<5x128xf32, #tpu.memory_space<hbm>>, %arg5: memref<16384x128xf32, #tpu.memory_space<hbm>>, %arg6: memref<4x5x128xi32, #tpu.memory_space<vmem>>, %arg7: memref<8x64x128xf32, #tpu.memory_space<vmem>>, %arg8: memref<5x128xf32, #tpu.memory_space<vmem>>, %arg9: memref<!tpu.dma_semaphore, #tpu.memory_space<semaphore_mem>>, %arg10: memref<!tpu.dma_semaphore, #tpu.memory_space<semaphore_mem>>, %arg11: memref<!tpu.dma_semaphore, #tpu.memory_space<semaphore_mem>>, %arg12: memref<!tpu.dma_semaphore, #tpu.memory_space<semaphore_mem>>, %arg13: memref<!tpu.dma_semaphore, #tpu.memory_space<semaphore_mem>>, %arg14: memref<!tpu.dma_semaphore, #tpu.memory_space<semaphore_mem>>, %arg15: memref<!tpu.dma_semaphore, #tpu.memory_space<semaphore_mem>>, %arg16: memref<!tpu.dma_semaphore, #tpu.memory_space<semaphore_mem>>, %arg17: memref<!tpu.dma_semaphore, #tpu.memory_space<semaphore_mem>>, %arg18: memref<!tpu.dma_semaphore, #tpu.memory_space<semaphore_mem>>) attributes {dimension_semantics = [#tpu.dimension_semantics<core_parallel>, #tpu.dimension_semantics<subcore_parallel>], iteration_bounds = array<i64: 2, 16>, scalar_prefetch = 0 : i64, scratch_operands = 13 : i64, tpu.core_type = #tpu.core_type<sc_vector_subcore>, window_params = [{transform_indices = #map}, {transform_indices = #map}, {transform_indices = #map}, {transform_indices = #map}]} {
    %mul3A = arith.constant 2 : i32
    %mul3A_0 = arith.muli %arg1, %mul3A : i32
    %add3A = arith.addi %mul3A_0, %arg0 : i32
    %mul3A_1 = arith.constant 512 : i32
    %mul3A_2 = arith.muli %add3A, %mul3A_1 : i32
    %add3A_3 = arith.constant 0 : i32
    %add3A_4 = arith.addi %mul3A_2, %add3A_3 : i32
    %dma_start3A = arith.constant 0 : i32
    %dma_start3A_5 = arith.constant 0 : i32
    %dma_start3A_6 = arith.constant 0 : i32
    %dma_start3A_7 = tpu.memref_slice %arg6[%dma_start3A, %dma_start3A_5, %dma_start3A_6] : memref<4x5x128xi32, #tpu.memory_space<vmem>> -> memref<1x5x128xi32, #tpu.memory_space<vmem>>
    %dma_start3A_8 = tpu.memref_squeeze %dma_start3A_7 : memref<1x5x128xi32, #tpu.memory_space<vmem>> -> memref<5x128xi32, #tpu.memory_space<vmem>>
    %dma_start3A_9 = arith.constant 0 : i32
    %dma_start3A_10 = tpu.memref_slice %arg2[%dma_start3A_9, %add3A_4] : memref<5x16384xi32, #tpu.memory_space<hbm>> -> memref<5x128xi32, #tpu.memory_space<hbm>>
    %dma_start3A_11 = arith.constant 0 : i32
    %dma_start3A_12 = arith.constant 0 : i32
    %dma_start3A_13 = tpu.memref_slice %arg6[%dma_start3A, %dma_start3A_11, %dma_start3A_12] : memref<4x5x128xi32, #tpu.memory_space<vmem>> -> memref<1x5x128xi32, #tpu.memory_space<vmem>>
    %dma_start3A_14 = tpu.memref_squeeze %dma_start3A_13 : memref<1x5x128xi32, #tpu.memory_space<vmem>> -> memref<5x128xi32, #tpu.memory_space<vmem>>
    %dma_start3A_15 = arith.constant 0 : i32
    %dma_start3A_16 = tpu.memref_slice %arg2[%dma_start3A_15, %add3A_4] : memref<5x16384xi32, #tpu.memory_space<hbm>> -> memref<5x128xi32, #tpu.memory_space<hbm>>
    tpu.enqueue_dma source(%dma_start3A_16 : memref<5x128xi32, #tpu.memory_space<hbm>>) target(%dma_start3A_14 : memref<5x128xi32, #tpu.memory_space<vmem>>) target_semaphore(%arg9 : memref<!tpu.dma_semaphore, #tpu.memory_space<semaphore_mem>>)
    %add3A_17 = arith.constant 128 : i32
    %add3A_18 = arith.addi %mul3A_2, %add3A_17 : i32
    %dma_start3A_19 = arith.constant 1 : i32
    %dma_start3A_20 = arith.constant 0 : i32
    %dma_start3A_21 = arith.constant 0 : i32
    %dma_start3A_22 = tpu.memref_slice %arg6[%dma_start3A_19, %dma_start3A_20, %dma_start3A_21] : memref<4x5x128xi32, #tpu.memory_space<vmem>> -> memref<1x5x128xi32, #tpu.memory_space<vmem>>
    %dma_start3A_23 = tpu.memref_squeeze %dma_start3A_22 : memref<1x5x128xi32, #tpu.memory_space<vmem>> -> memref<5x128xi32, #tpu.memory_space<vmem>>
    %dma_start3A_24 = arith.constant 0 : i32
    %dma_start3A_25 = tpu.memref_slice %arg2[%dma_start3A_24, %add3A_18] : memref<5x16384xi32, #tpu.memory_space<hbm>> -> memref<5x128xi32, #tpu.memory_space<hbm>>
    %dma_start3A_26 = arith.constant 0 : i32
    %dma_start3A_27 = arith.constant 0 : i32
    %dma_start3A_28 = tpu.memref_slice %arg6[%dma_start3A_19, %dma_start3A_26, %dma_start3A_27] : memref<4x5x128xi32, #tpu.memory_space<vmem>> -> memref<1x5x128xi32, #tpu.memory_space<vmem>>
    %dma_start3A_29 = tpu.memref_squeeze %dma_start3A_28 : memref<1x5x128xi32, #tpu.memory_space<vmem>> -> memref<5x128xi32, #tpu.memory_space<vmem>>
    %dma_start3A_30 = arith.constant 0 : i32
    %dma_start3A_31 = tpu.memref_slice %arg2[%dma_start3A_30, %add3A_18] : memref<5x16384xi32, #tpu.memory_space<hbm>> -> memref<5x128xi32, #tpu.memory_space<hbm>>
    tpu.enqueue_dma source(%dma_start3A_31 : memref<5x128xi32, #tpu.memory_space<hbm>>) target(%dma_start3A_29 : memref<5x128xi32, #tpu.memory_space<vmem>>) target_semaphore(%arg9 : memref<!tpu.dma_semaphore, #tpu.memory_space<semaphore_mem>>)
    %add3A_32 = arith.constant 256 : i32
    %add3A_33 = arith.addi %mul3A_2, %add3A_32 : i32
    %dma_start3A_34 = arith.constant 2 : i32
    %dma_start3A_35 = arith.constant 0 : i32
    %dma_start3A_36 = arith.constant 0 : i32
    %dma_start3A_37 = tpu.memref_slice %arg6[%dma_start3A_34, %dma_start3A_35, %dma_start3A_36] : memref<4x5x128xi32, #tpu.memory_space<vmem>> -> memref<1x5x128xi32, #tpu.memory_space<vmem>>
    %dma_start3A_38 = tpu.memref_squeeze %dma_start3A_37 : memref<1x5x128xi32, #tpu.memory_space<vmem>> -> memref<5x128xi32, #tpu.memory_space<vmem>>
    %dma_start3A_39 = arith.constant 0 : i32
    %dma_start3A_40 = tpu.memref_slice %arg2[%dma_start3A_39, %add3A_33] : memref<5x16384xi32, #tpu.memory_space<hbm>> -> memref<5x128xi32, #tpu.memory_space<hbm>>
    %dma_start3A_41 = arith.constant 0 : i32
    %dma_start3A_42 = arith.constant 0 : i32
    %dma_start3A_43 = tpu.memref_slice %arg6[%dma_start3A_34, %dma_start3A_41, %dma_start3A_42] : memref<4x5x128xi32, #tpu.memory_space<vmem>> -> memref<1x5x128xi32, #tpu.memory_space<vmem>>
    %dma_start3A_44 = tpu.memref_squeeze %dma_start3A_43 : memref<1x5x128xi32, #tpu.memory_space<vmem>> -> memref<5x128xi32, #tpu.memory_space<vmem>>
    %dma_start3A_45 = arith.constant 0 : i32
    %dma_start3A_46 = tpu.memref_slice %arg2[%dma_start3A_45, %add3A_33] : memref<5x16384xi32, #tpu.memory_space<hbm>> -> memref<5x128xi32, #tpu.memory_space<hbm>>
    tpu.enqueue_dma source(%dma_start3A_46 : memref<5x128xi32, #tpu.memory_space<hbm>>) target(%dma_start3A_44 : memref<5x128xi32, #tpu.memory_space<vmem>>) target_semaphore(%arg9 : memref<!tpu.dma_semaphore, #tpu.memory_space<semaphore_mem>>)
    %add3A_47 = arith.constant 384 : i32
    %add3A_48 = arith.addi %mul3A_2, %add3A_47 : i32
    %dma_start3A_49 = arith.constant 3 : i32
    %dma_start3A_50 = arith.constant 0 : i32
    %dma_start3A_51 = arith.constant 0 : i32
    %dma_start3A_52 = tpu.memref_slice %arg6[%dma_start3A_49, %dma_start3A_50, %dma_start3A_51] : memref<4x5x128xi32, #tpu.memory_space<vmem>> -> memref<1x5x128xi32, #tpu.memory_space<vmem>>
    %dma_start3A_53 = tpu.memref_squeeze %dma_start3A_52 : memref<1x5x128xi32, #tpu.memory_space<vmem>> -> memref<5x128xi32, #tpu.memory_space<vmem>>
    %dma_start3A_54 = arith.constant 0 : i32
    %dma_start3A_55 = tpu.memref_slice %arg2[%dma_start3A_54, %add3A_48] : memref<5x16384xi32, #tpu.memory_space<hbm>> -> memref<5x128xi32, #tpu.memory_space<hbm>>
    %dma_start3A_56 = arith.constant 0 : i32
    %dma_start3A_57 = arith.constant 0 : i32
    %dma_start3A_58 = tpu.memref_slice %arg6[%dma_start3A_49, %dma_start3A_56, %dma_start3A_57] : memref<4x5x128xi32, #tpu.memory_space<vmem>> -> memref<1x5x128xi32, #tpu.memory_space<vmem>>
    %dma_start3A_59 = tpu.memref_squeeze %dma_start3A_58 : memref<1x5x128xi32, #tpu.memory_space<vmem>> -> memref<5x128xi32, #tpu.memory_space<vmem>>
    %dma_start3A_60 = arith.constant 0 : i32
    %dma_start3A_61 = tpu.memref_slice %arg2[%dma_start3A_60, %add3A_48] : memref<5x16384xi32, #tpu.memory_space<hbm>> -> memref<5x128xi32, #tpu.memory_space<hbm>>
    tpu.enqueue_dma source(%dma_start3A_61 : memref<5x128xi32, #tpu.memory_space<hbm>>) target(%dma_start3A_59 : memref<5x128xi32, #tpu.memory_space<vmem>>) target_semaphore(%arg9 : memref<!tpu.dma_semaphore, #tpu.memory_space<semaphore_mem>>)
    "tpu.region"() ({
      %run_scoped3A = tpu.sem_alloc : memref<!tpu.dma_semaphore, #tpu.memory_space<semaphore_mem>>
      tpu.enqueue_dma source(%arg4 : memref<5x128xf32, #tpu.memory_space<hbm>>) target(%arg8 : memref<5x128xf32, #tpu.memory_space<vmem>>) target_semaphore(%run_scoped3A : memref<!tpu.dma_semaphore, #tpu.memory_space<semaphore_mem>>)
      tpu.wait_dma2 semaphore(%run_scoped3A : memref<!tpu.dma_semaphore, #tpu.memory_space<semaphore_mem>>) src(%arg4 : memref<5x128xf32, #tpu.memory_space<hbm>>) dst(%arg8 : memref<5x128xf32, #tpu.memory_space<vmem>>)
      tpu.yield
    }) : () -> ()
    %get3A = arith.constant 0 : i32
    %get3A_62 = arith.index_cast %get3A : i32 to index
    %get3A_63 = arith.constant 0 : index
    %get3A_64 = tpu.vector_load %arg8[%get3A_62, %get3A_63] {strides = array<i32>} : memref<5x128xf32, #tpu.memory_space<vmem>>, vector<1x16xf32>,
    %get3A_65 = vector.shape_cast %get3A_64 : vector<1x16xf32> to vector<16xf32>
    %get3A_66 = arith.constant 1 : i32
    %get3A_67 = arith.index_cast %get3A_66 : i32 to index
    %get3A_68 = arith.constant 0 : index
    %get3A_69 = tpu.vector_load %arg8[%get3A_67, %get3A_68] {strides = array<i32>} : memref<5x128xf32, #tpu.memory_space<vmem>>, vector<1x16xf32>,
    %get3A_70 = vector.shape_cast %get3A_69 : vector<1x16xf32> to vector<16xf32>
    %add3A_71 = arith.addf %get3A_65, %get3A_70 : vector<16xf32>
    %get3A_72 = arith.constant 2 : i32
    %get3A_73 = arith.index_cast %get3A_72 : i32 to index
    %get3A_74 = arith.constant 0 : index
    %get3A_75 = tpu.vector_load %arg8[%get3A_73, %get3A_74] {strides = array<i32>} : memref<5x128xf32, #tpu.memory_space<vmem>>, vector<1x16xf32>,
    %get3A_76 = vector.shape_cast %get3A_75 : vector<1x16xf32> to vector<16xf32>
    %get3A_77 = arith.constant 3 : i32
    %get3A_78 = arith.index_cast %get3A_77 : i32 to index
    %get3A_79 = arith.constant 0 : index
    %get3A_80 = tpu.vector_load %arg8[%get3A_78, %get3A_79] {strides = array<i32>} : memref<5x128xf32, #tpu.memory_space<vmem>>, vector<1x16xf32>,
    %get3A_81 = vector.shape_cast %get3A_80 : vector<1x16xf32> to vector<16xf32>
    %add3A_82 = arith.addf %get3A_76, %get3A_81 : vector<16xf32>
    %add3A_83 = arith.addf %add3A_71, %add3A_82 : vector<16xf32>
    %get3A_84 = arith.constant 4 : i32
    %get3A_85 = arith.index_cast %get3A_84 : i32 to index
    %get3A_86 = arith.constant 0 : index
    %get3A_87 = tpu.vector_load %arg8[%get3A_85, %get3A_86] {strides = array<i32>} : memref<5x128xf32, #tpu.memory_space<vmem>>, vector<1x16xf32>,
    %get3A_88 = vector.shape_cast %get3A_87 : vector<1x16xf32> to vector<16xf32>
    %add3A_89 = arith.addf %add3A_83, %get3A_88 : vector<16xf32>
    %get3A_90 = arith.constant 0 : i32
    %get3A_91 = arith.index_cast %get3A_90 : i32 to index
    %get3A_92 = arith.constant 16 : index
    %get3A_93 = tpu.vector_load %arg8[%get3A_91, %get3A_92] {strides = array<i32>} : memref<5x128xf32, #tpu.memory_space<vmem>>, vector<1x16xf32>,
    %get3A_94 = vector.shape_cast %get3A_93 : vector<1x16xf32> to vector<16xf32>
    %get3A_95 = arith.constant 1 : i32
    %get3A_96 = arith.index_cast %get3A_95 : i32 to index
    %get3A_97 = arith.constant 16 : index
    %get3A_98 = tpu.vector_load %arg8[%get3A_96, %get3A_97] {strides = array<i32>} : memref<5x128xf32, #tpu.memory_space<vmem>>, vector<1x16xf32>,
    %get3A_99 = vector.shape_cast %get3A_98 : vector<1x16xf32> to vector<16xf32>
    %add3A_100 = arith.addf %get3A_94, %get3A_99 : vector<16xf32>
    %get3A_101 = arith.constant 2 : i32
    %get3A_102 = arith.index_cast %get3A_101 : i32 to index
    %get3A_103 = arith.constant 16 : index
    %get3A_104 = tpu.vector_load %arg8[%get3A_102, %get3A_103] {strides = array<i32>} : memref<5x128xf32, #tpu.memory_space<vmem>>, vector<1x16xf32>,
    %get3A_105 = vector.shape_cast %get3A_104 : vector<1x16xf32> to vector<16xf32>
    %get3A_106 = arith.constant 3 : i32
    %get3A_107 = arith.index_cast %get3A_106 : i32 to index
    %get3A_108 = arith.constant 16 : index
    %get3A_109 = tpu.vector_load %arg8[%get3A_107, %get3A_108] {strides = array<i32>} : memref<5x128xf32, #tpu.memory_space<vmem>>, vector<1x16xf32>,
    %get3A_110 = vector.shape_cast %get3A_109 : vector<1x16xf32> to vector<16xf32>
    %add3A_111 = arith.addf %get3A_105, %get3A_110 : vector<16xf32>
    %add3A_112 = arith.addf %add3A_100, %add3A_111 : vector<16xf32>
    %get3A_113 = arith.constant 4 : i32
    %get3A_114 = arith.index_cast %get3A_113 : i32 to index
    %get3A_115 = arith.constant 16 : index
    %get3A_116 = tpu.vector_load %arg8[%get3A_114, %get3A_115] {strides = array<i32>} : memref<5x128xf32, #tpu.memory_space<vmem>>, vector<1x16xf32>,
    %get3A_117 = vector.shape_cast %get3A_116 : vector<1x16xf32> to vector<16xf32>
    %add3A_118 = arith.addf %add3A_112, %get3A_117 : vector<16xf32>
    %get3A_119 = arith.constant 0 : i32
    %get3A_120 = arith.index_cast %get3A_119 : i32 to index
    %get3A_121 = arith.constant 32 : index
    %get3A_122 = tpu.vector_load %arg8[%get3A_120, %get3A_121] {strides = array<i32>} : memref<5x128xf32, #tpu.memory_space<vmem>>, vector<1x16xf32>,
    %get3A_123 = vector.shape_cast %get3A_122 : vector<1x16xf32> to vector<16xf32>
    %get3A_124 = arith.constant 1 : i32
    %get3A_125 = arith.index_cast %get3A_124 : i32 to index
    %get3A_126 = arith.constant 32 : index
    %get3A_127 = tpu.vector_load %arg8[%get3A_125, %get3A_126] {strides = array<i32>} : memref<5x128xf32, #tpu.memory_space<vmem>>, vector<1x16xf32>,
    %get3A_128 = vector.shape_cast %get3A_127 : vector<1x16xf32> to vector<16xf32>
    %add3A_129 = arith.addf %get3A_123, %get3A_128 : vector<16xf32>
    %get3A_130 = arith.constant 2 : i32
    %get3A_131 = arith.index_cast %get3A_130 : i32 to index
    %get3A_132 = arith.constant 32 : index
    %get3A_133 = tpu.vector_load %arg8[%get3A_131, %get3A_132] {strides = array<i32>} : memref<5x128xf32, #tpu.memory_space<vmem>>, vector<1x16xf32>,
    %get3A_134 = vector.shape_cast %get3A_133 : vector<1x16xf32> to vector<16xf32>
    %get3A_135 = arith.constant 3 : i32
    %get3A_136 = arith.index_cast %get3A_135 : i32 to index
    %get3A_137 = arith.constant 32 : index
    %get3A_138 = tpu.vector_load %arg8[%get3A_136, %get3A_137] {strides = array<i32>} : memref<5x128xf32, #tpu.memory_space<vmem>>, vector<1x16xf32>,
    %get3A_139 = vector.shape_cast %get3A_138 : vector<1x16xf32> to vector<16xf32>
    %add3A_140 = arith.addf %get3A_134, %get3A_139 : vector<16xf32>
    %add3A_141 = arith.addf %add3A_129, %add3A_140 : vector<16xf32>
    %get3A_142 = arith.constant 4 : i32
    %get3A_143 = arith.index_cast %get3A_142 : i32 to index
    %get3A_144 = arith.constant 32 : index
    %get3A_145 = tpu.vector_load %arg8[%get3A_143, %get3A_144] {strides = array<i32>} : memref<5x128xf32, #tpu.memory_space<vmem>>, vector<1x16xf32>,
    %get3A_146 = vector.shape_cast %get3A_145 : vector<1x16xf32> to vector<16xf32>
    %add3A_147 = arith.addf %add3A_141, %get3A_146 : vector<16xf32>
    %get3A_148 = arith.constant 0 : i32
    %get3A_149 = arith.index_cast %get3A_148 : i32 to index
    %get3A_150 = arith.constant 48 : index
    %get3A_151 = tpu.vector_load %arg8[%get3A_149, %get3A_150] {strides = array<i32>} : memref<5x128xf32, #tpu.memory_space<vmem>>, vector<1x16xf32>,
    %get3A_152 = vector.shape_cast %get3A_151 : vector<1x16xf32> to vector<16xf32>
    %get3A_153 = arith.constant 1 : i32
    %get3A_154 = arith.index_cast %get3A_153 : i32 to index
    %get3A_155 = arith.constant 48 : index
    %get3A_156 = tpu.vector_load %arg8[%get3A_154, %get3A_155] {strides = array<i32>} : memref<5x128xf32, #tpu.memory_space<vmem>>, vector<1x16xf32>,
    %get3A_157 = vector.shape_cast %get3A_156 : vector<1x16xf32> to vector<16xf32>
    %add3A_158 = arith.addf %get3A_152, %get3A_157 : vector<16xf32>
    %get3A_159 = arith.constant 2 : i32
    %get3A_160 = arith.index_cast %get3A_159 : i32 to index
    %get3A_161 = arith.constant 48 : index
    %get3A_162 = tpu.vector_load %arg8[%get3A_160, %get3A_161] {strides = array<i32>} : memref<5x128xf32, #tpu.memory_space<vmem>>, vector<1x16xf32>,
    %get3A_163 = vector.shape_cast %get3A_162 : vector<1x16xf32> to vector<16xf32>
    %get3A_164 = arith.constant 3 : i32
    %get3A_165 = arith.index_cast %get3A_164 : i32 to index
    %get3A_166 = arith.constant 48 : index
    %get3A_167 = tpu.vector_load %arg8[%get3A_165, %get3A_166] {strides = array<i32>} : memref<5x128xf32, #tpu.memory_space<vmem>>, vector<1x16xf32>,
    %get3A_168 = vector.shape_cast %get3A_167 : vector<1x16xf32> to vector<16xf32>
    %add3A_169 = arith.addf %get3A_163, %get3A_168 : vector<16xf32>
    %add3A_170 = arith.addf %add3A_158, %add3A_169 : vector<16xf32>
    %get3A_171 = arith.constant 4 : i32
    %get3A_172 = arith.index_cast %get3A_171 : i32 to index
    %get3A_173 = arith.constant 48 : index
    %get3A_174 = tpu.vector_load %arg8[%get3A_172, %get3A_173] {strides = array<i32>} : memref<5x128xf32, #tpu.memory_space<vmem>>, vector<1x16xf32>,
    %get3A_175 = vector.shape_cast %get3A_174 : vector<1x16xf32> to vector<16xf32>
    %add3A_176 = arith.addf %add3A_170, %get3A_175 : vector<16xf32>
    %get3A_177 = arith.constant 0 : i32
    %get3A_178 = arith.index_cast %get3A_177 : i32 to index
    %get3A_179 = arith.constant 64 : index
    %get3A_180 = tpu.vector_load %arg8[%get3A_178, %get3A_179] {strides = array<i32>} : memref<5x128xf32, #tpu.memory_space<vmem>>, vector<1x16xf32>,
    %get3A_181 = vector.shape_cast %get3A_180 : vector<1x16xf32> to vector<16xf32>
    %get3A_182 = arith.constant 1 : i32
    %get3A_183 = arith.index_cast %get3A_182 : i32 to index
    %get3A_184 = arith.constant 64 : index
    %get3A_185 = tpu.vector_load %arg8[%get3A_183, %get3A_184] {strides = array<i32>} : memref<5x128xf32, #tpu.memory_space<vmem>>, vector<1x16xf32>,
    %get3A_186 = vector.shape_cast %get3A_185 : vector<1x16xf32> to vector<16xf32>
    %add3A_187 = arith.addf %get3A_181, %get3A_186 : vector<16xf32>
    %get3A_188 = arith.constant 2 : i32
    %get3A_189 = arith.index_cast %get3A_188 : i32 to index
    %get3A_190 = arith.constant 64 : index
    %get3A_191 = tpu.vector_load %arg8[%get3A_189, %get3A_190] {strides = array<i32>} : memref<5x128xf32, #tpu.memory_space<vmem>>, vector<1x16xf32>,
    %get3A_192 = vector.shape_cast %get3A_191 : vector<1x16xf32> to vector<16xf32>
    %get3A_193 = arith.constant 3 : i32
    %get3A_194 = arith.index_cast %get3A_193 : i32 to index
    %get3A_195 = arith.constant 64 : index
    %get3A_196 = tpu.vector_load %arg8[%get3A_194, %get3A_195] {strides = array<i32>} : memref<5x128xf32, #tpu.memory_space<vmem>>, vector<1x16xf32>,
    %get3A_197 = vector.shape_cast %get3A_196 : vector<1x16xf32> to vector<16xf32>
    %add3A_198 = arith.addf %get3A_192, %get3A_197 : vector<16xf32>
    %add3A_199 = arith.addf %add3A_187, %add3A_198 : vector<16xf32>
    %get3A_200 = arith.constant 4 : i32
    %get3A_201 = arith.index_cast %get3A_200 : i32 to index
    %get3A_202 = arith.constant 64 : index
    %get3A_203 = tpu.vector_load %arg8[%get3A_201, %get3A_202] {strides = array<i32>} : memref<5x128xf32, #tpu.memory_space<vmem>>, vector<1x16xf32>,
    %get3A_204 = vector.shape_cast %get3A_203 : vector<1x16xf32> to vector<16xf32>
    %add3A_205 = arith.addf %add3A_199, %get3A_204 : vector<16xf32>
    %get3A_206 = arith.constant 0 : i32
    %get3A_207 = arith.index_cast %get3A_206 : i32 to index
    %get3A_208 = arith.constant 80 : index
    %get3A_209 = tpu.vector_load %arg8[%get3A_207, %get3A_208] {strides = array<i32>} : memref<5x128xf32, #tpu.memory_space<vmem>>, vector<1x16xf32>,
    %get3A_210 = vector.shape_cast %get3A_209 : vector<1x16xf32> to vector<16xf32>
    %get3A_211 = arith.constant 1 : i32
    %get3A_212 = arith.index_cast %get3A_211 : i32 to index
    %get3A_213 = arith.constant 80 : index
    %get3A_214 = tpu.vector_load %arg8[%get3A_212, %get3A_213] {strides = array<i32>} : memref<5x128xf32, #tpu.memory_space<vmem>>, vector<1x16xf32>,
    %get3A_215 = vector.shape_cast %get3A_214 : vector<1x16xf32> to vector<16xf32>
    %add3A_216 = arith.addf %get3A_210, %get3A_215 : vector<16xf32>
    %get3A_217 = arith.constant 2 : i32
    %get3A_218 = arith.index_cast %get3A_217 : i32 to index
    %get3A_219 = arith.constant 80 : index
    %get3A_220 = tpu.vector_load %arg8[%get3A_218, %get3A_219] {strides = array<i32>} : memref<5x128xf32, #tpu.memory_space<vmem>>, vector<1x16xf32>,
    %get3A_221 = vector.shape_cast %get3A_220 : vector<1x16xf32> to vector<16xf32>
    %get3A_222 = arith.constant 3 : i32
    %get3A_223 = arith.index_cast %get3A_222 : i32 to index
    %get3A_224 = arith.constant 80 : index
    %get3A_225 = tpu.vector_load %arg8[%get3A_223, %get3A_224] {strides = array<i32>} : memref<5x128xf32, #tpu.memory_space<vmem>>, vector<1x16xf32>,
    %get3A_226 = vector.shape_cast %get3A_225 : vector<1x16xf32> to vector<16xf32>
    %add3A_227 = arith.addf %get3A_221, %get3A_226 : vector<16xf32>
    %add3A_228 = arith.addf %add3A_216, %add3A_227 : vector<16xf32>
    %get3A_229 = arith.constant 4 : i32
    %get3A_230 = arith.index_cast %get3A_229 : i32 to index
    %get3A_231 = arith.constant 80 : index
    %get3A_232 = tpu.vector_load %arg8[%get3A_230, %get3A_231] {strides = array<i32>} : memref<5x128xf32, #tpu.memory_space<vmem>>, vector<1x16xf32>,
    %get3A_233 = vector.shape_cast %get3A_232 : vector<1x16xf32> to vector<16xf32>
    %add3A_234 = arith.addf %add3A_228, %get3A_233 : vector<16xf32>
    %get3A_235 = arith.constant 0 : i32
    %get3A_236 = arith.index_cast %get3A_235 : i32 to index
    %get3A_237 = arith.constant 96 : index
    %get3A_238 = tpu.vector_load %arg8[%get3A_236, %get3A_237] {strides = array<i32>} : memref<5x128xf32, #tpu.memory_space<vmem>>, vector<1x16xf32>,
    %get3A_239 = vector.shape_cast %get3A_238 : vector<1x16xf32> to vector<16xf32>
    %get3A_240 = arith.constant 1 : i32
    %get3A_241 = arith.index_cast %get3A_240 : i32 to index
    %get3A_242 = arith.constant 96 : index
    %get3A_243 = tpu.vector_load %arg8[%get3A_241, %get3A_242] {strides = array<i32>} : memref<5x128xf32, #tpu.memory_space<vmem>>, vector<1x16xf32>,
    %get3A_244 = vector.shape_cast %get3A_243 : vector<1x16xf32> to vector<16xf32>
    %add3A_245 = arith.addf %get3A_239, %get3A_244 : vector<16xf32>
    %get3A_246 = arith.constant 2 : i32
    %get3A_247 = arith.index_cast %get3A_246 : i32 to index
    %get3A_248 = arith.constant 96 : index
    %get3A_249 = tpu.vector_load %arg8[%get3A_247, %get3A_248] {strides = array<i32>} : memref<5x128xf32, #tpu.memory_space<vmem>>, vector<1x16xf32>,
    %get3A_250 = vector.shape_cast %get3A_249 : vector<1x16xf32> to vector<16xf32>
    %get3A_251 = arith.constant 3 : i32
    %get3A_252 = arith.index_cast %get3A_251 : i32 to index
    %get3A_253 = arith.constant 96 : index
    %get3A_254 = tpu.vector_load %arg8[%get3A_252, %get3A_253] {strides = array<i32>} : memref<5x128xf32, #tpu.memory_space<vmem>>, vector<1x16xf32>,
    %get3A_255 = vector.shape_cast %get3A_254 : vector<1x16xf32> to vector<16xf32>
    %add3A_256 = arith.addf %get3A_250, %get3A_255 : vector<16xf32>
    %add3A_257 = arith.addf %add3A_245, %add3A_256 : vector<16xf32>
    %get3A_258 = arith.constant 4 : i32
    %get3A_259 = arith.index_cast %get3A_258 : i32 to index
    %get3A_260 = arith.constant 96 : index
    %get3A_261 = tpu.vector_load %arg8[%get3A_259, %get3A_260] {strides = array<i32>} : memref<5x128xf32, #tpu.memory_space<vmem>>, vector<1x16xf32>,
    %get3A_262 = vector.shape_cast %get3A_261 : vector<1x16xf32> to vector<16xf32>
    %add3A_263 = arith.addf %add3A_257, %get3A_262 : vector<16xf32>
    %get3A_264 = arith.constant 0 : i32
    %get3A_265 = arith.index_cast %get3A_264 : i32 to index
    %get3A_266 = arith.constant 112 : index
    %get3A_267 = tpu.vector_load %arg8[%get3A_265, %get3A_266] {strides = array<i32>} : memref<5x128xf32, #tpu.memory_space<vmem>>, vector<1x16xf32>,
    %get3A_268 = vector.shape_cast %get3A_267 : vector<1x16xf32> to vector<16xf32>
    %get3A_269 = arith.constant 1 : i32
    %get3A_270 = arith.index_cast %get3A_269 : i32 to index
    %get3A_271 = arith.constant 112 : index
    %get3A_272 = tpu.vector_load %arg8[%get3A_270, %get3A_271] {strides = array<i32>} : memref<5x128xf32, #tpu.memory_space<vmem>>, vector<1x16xf32>,
    %get3A_273 = vector.shape_cast %get3A_272 : vector<1x16xf32> to vector<16xf32>
    %add3A_274 = arith.addf %get3A_268, %get3A_273 : vector<16xf32>
    %get3A_275 = arith.constant 2 : i32
    %get3A_276 = arith.index_cast %get3A_275 : i32 to index
    %get3A_277 = arith.constant 112 : index
    %get3A_278 = tpu.vector_load %arg8[%get3A_276, %get3A_277] {strides = array<i32>} : memref<5x128xf32, #tpu.memory_space<vmem>>, vector<1x16xf32>,
    %get3A_279 = vector.shape_cast %get3A_278 : vector<1x16xf32> to vector<16xf32>
    %get3A_280 = arith.constant 3 : i32
    %get3A_281 = arith.index_cast %get3A_280 : i32 to index
    %get3A_282 = arith.constant 112 : index
    %get3A_283 = tpu.vector_load %arg8[%get3A_281, %get3A_282] {strides = array<i32>} : memref<5x128xf32, #tpu.memory_space<vmem>>, vector<1x16xf32>,
    %get3A_284 = vector.shape_cast %get3A_283 : vector<1x16xf32> to vector<16xf32>
    %add3A_285 = arith.addf %get3A_279, %get3A_284 : vector<16xf32>
    %add3A_286 = arith.addf %add3A_274, %add3A_285 : vector<16xf32>
    %get3A_287 = arith.constant 4 : i32
    %get3A_288 = arith.index_cast %get3A_287 : i32 to index
    %get3A_289 = arith.constant 112 : index
    %get3A_290 = tpu.vector_load %arg8[%get3A_288, %get3A_289] {strides = array<i32>} : memref<5x128xf32, #tpu.memory_space<vmem>>, vector<1x16xf32>,
    %get3A_291 = vector.shape_cast %get3A_290 : vector<1x16xf32> to vector<16xf32>
    %add3A_292 = arith.addf %add3A_286, %get3A_291 : vector<16xf32>
    %dma_wait3A = arith.constant 0 : i32
    %dma_wait3A_293 = arith.constant 0 : i32
    %dma_wait3A_294 = arith.constant 0 : i32
    %dma_wait3A_295 = tpu.memref_slice %arg6[%dma_wait3A, %dma_wait3A_293, %dma_wait3A_294] : memref<4x5x128xi32, #tpu.memory_space<vmem>> -> memref<1x5x128xi32, #tpu.memory_space<vmem>>
    %dma_wait3A_296 = tpu.memref_squeeze %dma_wait3A_295 : memref<1x5x128xi32, #tpu.memory_space<vmem>> -> memref<5x128xi32, #tpu.memory_space<vmem>>
    %dma_wait3A_297 = arith.constant 0 : i32
    %dma_wait3A_298 = tpu.memref_slice %arg2[%dma_wait3A_297, %add3A_4] : memref<5x16384xi32, #tpu.memory_space<hbm>> -> memref<5x128xi32, #tpu.memory_space<hbm>>
    %dma_wait3A_299 = arith.constant 0 : i32
    %dma_wait3A_300 = arith.constant 0 : i32
    %dma_wait3A_301 = tpu.memref_slice %arg6[%dma_wait3A, %dma_wait3A_299, %dma_wait3A_300] : memref<4x5x128xi32, #tpu.memory_space<vmem>> -> memref<1x5x128xi32, #tpu.memory_space<vmem>>
    %dma_wait3A_302 = tpu.memref_squeeze %dma_wait3A_301 : memref<1x5x128xi32, #tpu.memory_space<vmem>> -> memref<5x128xi32, #tpu.memory_space<vmem>>
    %dma_wait3A_303 = arith.constant 0 : i32
    %dma_wait3A_304 = tpu.memref_slice %arg2[%dma_wait3A_303, %add3A_4] : memref<5x16384xi32, #tpu.memory_space<hbm>> -> memref<5x128xi32, #tpu.memory_space<hbm>>
    tpu.wait_dma2 semaphore(%arg9 : memref<!tpu.dma_semaphore, #tpu.memory_space<semaphore_mem>>) src(%dma_wait3A_304 : memref<5x128xi32, #tpu.memory_space<hbm>>) dst(%dma_wait3A_302 : memref<5x128xi32, #tpu.memory_space<vmem>>)
    %dma_wait3A_305 = arith.constant 1 : i32
    %dma_wait3A_306 = arith.constant 0 : i32
    %dma_wait3A_307 = arith.constant 0 : i32
    %dma_wait3A_308 = tpu.memref_slice %arg6[%dma_wait3A_305, %dma_wait3A_306, %dma_wait3A_307] : memref<4x5x128xi32, #tpu.memory_space<vmem>> -> memref<1x5x128xi32, #tpu.memory_space<vmem>>
    %dma_wait3A_309 = tpu.memref_squeeze %dma_wait3A_308 : memref<1x5x128xi32, #tpu.memory_space<vmem>> -> memref<5x128xi32, #tpu.memory_space<vmem>>
    %dma_wait3A_310 = arith.constant 0 : i32
    %dma_wait3A_311 = tpu.memref_slice %arg2[%dma_wait3A_310, %add3A_18] : memref<5x16384xi32, #tpu.memory_space<hbm>> -> memref<5x128xi32, #tpu.memory_space<hbm>>
    %dma_wait3A_312 = arith.constant 0 : i32
    %dma_wait3A_313 = arith.constant 0 : i32
    %dma_wait3A_314 = tpu.memref_slice %arg6[%dma_wait3A_305, %dma_wait3A_312, %dma_wait3A_313] : memref<4x5x128xi32, #tpu.memory_space<vmem>> -> memref<1x5x128xi32, #tpu.memory_space<vmem>>
    %dma_wait3A_315 = tpu.memref_squeeze %dma_wait3A_314 : memref<1x5x128xi32, #tpu.memory_space<vmem>> -> memref<5x128xi32, #tpu.memory_space<vmem>>
    %dma_wait3A_316 = arith.constant 0 : i32
    %dma_wait3A_317 = tpu.memref_slice %arg2[%dma_wait3A_316, %add3A_18] : memref<5x16384xi32, #tpu.memory_space<hbm>> -> memref<5x128xi32, #tpu.memory_space<hbm>>
    tpu.wait_dma2 semaphore(%arg9 : memref<!tpu.dma_semaphore, #tpu.memory_space<semaphore_mem>>) src(%dma_wait3A_317 : memref<5x128xi32, #tpu.memory_space<hbm>>) dst(%dma_wait3A_315 : memref<5x128xi32, #tpu.memory_space<vmem>>)
    %dma_wait3A_318 = arith.constant 2 : i32
    %dma_wait3A_319 = arith.constant 0 : i32
    %dma_wait3A_320 = arith.constant 0 : i32
    %dma_wait3A_321 = tpu.memref_slice %arg6[%dma_wait3A_318, %dma_wait3A_319, %dma_wait3A_320] : memref<4x5x128xi32, #tpu.memory_space<vmem>> -> memref<1x5x128xi32, #tpu.memory_space<vmem>>
    %dma_wait3A_322 = tpu.memref_squeeze %dma_wait3A_321 : memref<1x5x128xi32, #tpu.memory_space<vmem>> -> memref<5x128xi32, #tpu.memory_space<vmem>>
    %dma_wait3A_323 = arith.constant 0 : i32
    %dma_wait3A_324 = tpu.memref_slice %arg2[%dma_wait3A_323, %add3A_33] : memref<5x16384xi32, #tpu.memory_space<hbm>> -> memref<5x128xi32, #tpu.memory_space<hbm>>
    %dma_wait3A_325 = arith.constant 0 : i32
    %dma_wait3A_326 = arith.constant 0 : i32
    %dma_wait3A_327 = tpu.memref_slice %arg6[%dma_wait3A_318, %dma_wait3A_325, %dma_wait3A_326] : memref<4x5x128xi32, #tpu.memory_space<vmem>> -> memref<1x5x128xi32, #tpu.memory_space<vmem>>
    %dma_wait3A_328 = tpu.memref_squeeze %dma_wait3A_327 : memref<1x5x128xi32, #tpu.memory_space<vmem>> -> memref<5x128xi32, #tpu.memory_space<vmem>>
    %dma_wait3A_329 = arith.constant 0 : i32
    %dma_wait3A_330 = tpu.memref_slice %arg2[%dma_wait3A_329, %add3A_33] : memref<5x16384xi32, #tpu.memory_space<hbm>> -> memref<5x128xi32, #tpu.memory_space<hbm>>
    tpu.wait_dma2 semaphore(%arg9 : memref<!tpu.dma_semaphore, #tpu.memory_space<semaphore_mem>>) src(%dma_wait3A_330 : memref<5x128xi32, #tpu.memory_space<hbm>>) dst(%dma_wait3A_328 : memref<5x128xi32, #tpu.memory_space<vmem>>)
    %dma_wait3A_331 = arith.constant 3 : i32
    %dma_wait3A_332 = arith.constant 0 : i32
    %dma_wait3A_333 = arith.constant 0 : i32
    %dma_wait3A_334 = tpu.memref_slice %arg6[%dma_wait3A_331, %dma_wait3A_332, %dma_wait3A_333] : memref<4x5x128xi32, #tpu.memory_space<vmem>> -> memref<1x5x128xi32, #tpu.memory_space<vmem>>
    %dma_wait3A_335 = tpu.memref_squeeze %dma_wait3A_334 : memref<1x5x128xi32, #tpu.memory_space<vmem>> -> memref<5x128xi32, #tpu.memory_space<vmem>>
    %dma_wait3A_336 = arith.constant 0 : i32
    %dma_wait3A_337 = tpu.memref_slice %arg2[%dma_wait3A_336, %add3A_48] : memref<5x16384xi32, #tpu.memory_space<hbm>> -> memref<5x128xi32, #tpu.memory_space<hbm>>
    %dma_wait3A_338 = arith.constant 0 : i32
    %dma_wait3A_339 = arith.constant 0 : i32
    %dma_wait3A_340 = tpu.memref_slice %arg6[%dma_wait3A_331, %dma_wait3A_338, %dma_wait3A_339] : memref<4x5x128xi32, #tpu.memory_space<vmem>> -> memref<1x5x128xi32, #tpu.memory_space<vmem>>
    %dma_wait3A_341 = tpu.memref_squeeze %dma_wait3A_340 : memref<1x5x128xi32, #tpu.memory_space<vmem>> -> memref<5x128xi32, #tpu.memory_space<vmem>>
    %dma_wait3A_342 = arith.constant 0 : i32
    %dma_wait3A_343 = tpu.memref_slice %arg2[%dma_wait3A_342, %add3A_48] : memref<5x16384xi32, #tpu.memory_space<hbm>> -> memref<5x128xi32, #tpu.memory_space<hbm>>
    tpu.wait_dma2 semaphore(%arg9 : memref<!tpu.dma_semaphore, #tpu.memory_space<semaphore_mem>>) src(%dma_wait3A_343 : memref<5x128xi32, #tpu.memory_space<hbm>>) dst(%dma_wait3A_341 : memref<5x128xi32, #tpu.memory_space<vmem>>)
    %scan3A = arith.constant 0 : i32
    %scan3A_344 = arith.constant 64 : i32
    %scan3A_345 = arith.addi %scan3A, %scan3A_344 : i32
    %scan3A_346 = arith.constant 1 : i32
    scf.for %scan3A_1647 = %scan3A to %scan3A_345 step %scan3A_346  : i32 {
      %swap3A = arith.constant 0 : i32
      %swap3A_1648 = arith.index_cast %swap3A : i32 to index
      %swap3A_1649 = arith.index_cast %scan3A_1647 : i32 to index
      %swap3A_1650 = arith.constant 0 : index
      %swap3A_1651 = tpu.vector_load %arg7[%swap3A_1648, %swap3A_1649, %swap3A_1650] {strides = array<i32>} : memref<8x64x128xf32, #tpu.memory_space<vmem>>, vector<1x1x16xf32>,
      %swap3A_1652 = vector.shape_cast %swap3A_1651 : vector<1x1x16xf32> to vector<16xf32>
      %swap3A_1653 = vector.shape_cast %add3A_89 : vector<16xf32> to vector<1x1x16xf32>
      tpu.vector_store %arg7[%swap3A_1648, %swap3A_1649, %swap3A_1650], %swap3A_1653 {strides = array<i32>} : memref<8x64x128xf32, #tpu.memory_space<vmem>>, vector<1x1x16xf32>,
      %swap3A_1654 = arith.constant 0 : i32
      %swap3A_1655 = arith.index_cast %swap3A_1654 : i32 to index
      %swap3A_1656 = arith.index_cast %scan3A_1647 : i32 to index
      %swap3A_1657 = arith.constant 16 : index
      %swap3A_1658 = tpu.vector_load %arg7[%swap3A_1655, %swap3A_1656, %swap3A_1657] {strides = array<i32>} : memref<8x64x128xf32, #tpu.memory_space<vmem>>, vector<1x1x16xf32>,
      %swap3A_1659 = vector.shape_cast %swap3A_1658 : vector<1x1x16xf32> to vector<16xf32>
      %swap3A_1660 = vector.shape_cast %add3A_118 : vector<16xf32> to vector<1x1x16xf32>
      tpu.vector_store %arg7[%swap3A_1655, %swap3A_1656, %swap3A_1657], %swap3A_1660 {strides = array<i32>} : memref<8x64x128xf32, #tpu.memory_space<vmem>>, vector<1x1x16xf32>,
      %swap3A_1661 = arith.constant 0 : i32
      %swap3A_1662 = arith.index_cast %swap3A_1661 : i32 to index
      %swap3A_1663 = arith.index_cast %scan3A_1647 : i32 to index
      %swap3A_1664 = arith.constant 32 : index
      %swap3A_1665 = tpu.vector_load %arg7[%swap3A_1662, %swap3A_1663, %swap3A_1664] {strides = array<i32>} : memref<8x64x128xf32, #tpu.memory_space<vmem>>, vector<1x1x16xf32>,
      %swap3A_1666 = vector.shape_cast %swap3A_1665 : vector<1x1x16xf32> to vector<16xf32>
      %swap3A_1667 = vector.shape_cast %add3A_147 : vector<16xf32> to vector<1x1x16xf32>
      tpu.vector_store %arg7[%swap3A_1662, %swap3A_1663, %swap3A_1664], %swap3A_1667 {strides = array<i32>} : memref<8x64x128xf32, #tpu.memory_space<vmem>>, vector<1x1x16xf32>,
      %swap3A_1668 = arith.constant 0 : i32
      %swap3A_1669 = arith.index_cast %swap3A_1668 : i32 to index
      %swap3A_1670 = arith.index_cast %scan3A_1647 : i32 to index
      %swap3A_1671 = arith.constant 48 : index
      %swap3A_1672 = tpu.vector_load %arg7[%swap3A_1669, %swap3A_1670, %swap3A_1671] {strides = array<i32>} : memref<8x64x128xf32, #tpu.memory_space<vmem>>, vector<1x1x16xf32>,
      %swap3A_1673 = vector.shape_cast %swap3A_1672 : vector<1x1x16xf32> to vector<16xf32>
      %swap3A_1674 = vector.shape_cast %add3A_176 : vector<16xf32> to vector<1x1x16xf32>
      tpu.vector_store %arg7[%swap3A_1669, %swap3A_1670, %swap3A_1671], %swap3A_1674 {strides = array<i32>} : memref<8x64x128xf32, #tpu.memory_space<vmem>>, vector<1x1x16xf32>,
      %swap3A_1675 = arith.constant 0 : i32
      %swap3A_1676 = arith.index_cast %swap3A_1675 : i32 to index
      %swap3A_1677 = arith.index_cast %scan3A_1647 : i32 to index
      %swap3A_1678 = arith.constant 64 : index
      %swap3A_1679 = tpu.vector_load %arg7[%swap3A_1676, %swap3A_1677, %swap3A_1678] {strides = array<i32>} : memref<8x64x128xf32, #tpu.memory_space<vmem>>, vector<1x1x16xf32>,
      %swap3A_1680 = vector.shape_cast %swap3A_1679 : vector<1x1x16xf32> to vector<16xf32>
      %swap3A_1681 = vector.shape_cast %add3A_205 : vector<16xf32> to vector<1x1x16xf32>
      tpu.vector_store %arg7[%swap3A_1676, %swap3A_1677, %swap3A_1678], %swap3A_1681 {strides = array<i32>} : memref<8x64x128xf32, #tpu.memory_space<vmem>>, vector<1x1x16xf32>,
      %swap3A_1682 = arith.constant 0 : i32
      %swap3A_1683 = arith.index_cast %swap3A_1682 : i32 to index
      %swap3A_1684 = arith.index_cast %scan3A_1647 : i32 to index
      %swap3A_1685 = arith.constant 80 : index
      %swap3A_1686 = tpu.vector_load %arg7[%swap3A_1683, %swap3A_1684, %swap3A_1685] {strides = array<i32>} : memref<8x64x128xf32, #tpu.memory_space<vmem>>, vector<1x1x16xf32>,
      %swap3A_1687 = vector.shape_cast %swap3A_1686 : vector<1x1x16xf32> to vector<16xf32>
      %swap3A_1688 = vector.shape_cast %add3A_234 : vector<16xf32> to vector<1x1x16xf32>
      tpu.vector_store %arg7[%swap3A_1683, %swap3A_1684, %swap3A_1685], %swap3A_1688 {strides = array<i32>} : memref<8x64x128xf32, #tpu.memory_space<vmem>>, vector<1x1x16xf32>,
      %swap3A_1689 = arith.constant 0 : i32
      %swap3A_1690 = arith.index_cast %swap3A_1689 : i32 to index
      %swap3A_1691 = arith.index_cast %scan3A_1647 : i32 to index
      %swap3A_1692 = arith.constant 96 : index
      %swap3A_1693 = tpu.vector_load %arg7[%swap3A_1690, %swap3A_1691, %swap3A_1692] {strides = array<i32>} : memref<8x64x128xf32, #tpu.memory_space<vmem>>, vector<1x1x16xf32>,
      %swap3A_1694 = vector.shape_cast %swap3A_1693 : vector<1x1x16xf32> to vector<16xf32>
      %swap3A_1695 = vector.shape_cast %add3A_263 : vector<16xf32> to vector<1x1x16xf32>
      tpu.vector_store %arg7[%swap3A_1690, %swap3A_1691, %swap3A_1692], %swap3A_1695 {strides = array<i32>} : memref<8x64x128xf32, #tpu.memory_space<vmem>>, vector<1x1x16xf32>,
      %swap3A_1696 = arith.constant 0 : i32
      %swap3A_1697 = arith.index_cast %swap3A_1696 : i32 to index
      %swap3A_1698 = arith.index_cast %scan3A_1647 : i32 to index
      %swap3A_1699 = arith.constant 112 : index
      %swap3A_1700 = tpu.vector_load %arg7[%swap3A_1697, %swap3A_1698, %swap3A_1699] {strides = array<i32>} : memref<8x64x128xf32, #tpu.memory_space<vmem>>, vector<1x1x16xf32>,
      %swap3A_1701 = vector.shape_cast %swap3A_1700 : vector<1x1x16xf32> to vector<16xf32>
      %swap3A_1702 = vector.shape_cast %add3A_292 : vector<16xf32> to vector<1x1x16xf32>
      tpu.vector_store %arg7[%swap3A_1697, %swap3A_1698, %swap3A_1699], %swap3A_1702 {strides = array<i32>} : memref<8x64x128xf32, #tpu.memory_space<vmem>>, vector<1x1x16xf32>,
    }
    %scan3A_347 = arith.constant 64 : i32
    %dma_start3A_348 = arith.constant 0 : i32
    %dma_start3A_349 = arith.constant 0 : i32
    %dma_start3A_350 = arith.constant 0 : i32
    %dma_start3A_351 = arith.constant 0 : i32
    %dma_start3A_352 = arith.constant 0 : i32
    %dma_start3A_353 = tpu.memref_slice %arg7[%dma_start3A_350, %dma_start3A_351, %dma_start3A_352] : memref<8x64x128xf32, #tpu.memory_space<vmem>> -> memref<1x64x128xf32, #tpu.memory_space<vmem>>
    %dma_start3A_354 = tpu.memref_squeeze %dma_start3A_353 : memref<1x64x128xf32, #tpu.memory_space<vmem>> -> memref<64x128xf32, #tpu.memory_space<vmem>>
    %dma_start3A_355 = arith.constant 0 : i32
    %dma_start3A_356 = tpu.memref_slice %arg6[%dma_start3A_348, %dma_start3A_349, %dma_start3A_355] : memref<4x5x128xi32, #tpu.memory_space<vmem>> -> memref<1x1x64xi32, #tpu.memory_space<vmem>>
    %dma_start3A_357 = tpu.memref_squeeze %dma_start3A_356 : memref<1x1x64xi32, #tpu.memory_space<vmem>> -> memref<64xi32, #tpu.memory_space<vmem>>
    %dma_start3A_358 = arith.constant 0 : i32
    %dma_start3A_359 = arith.constant 0 : i32
    %dma_start3A_360 = tpu.memref_slice %arg3[%dma_start3A_358, %dma_start3A_359] : memref<100000x128xf32, #tpu.memory_space<hbm>> -> memref<100000x128xf32, #tpu.memory_space<hbm>>
    tpu.enqueue_indirect_dma source(%dma_start3A_360 : memref<100000x128xf32, #tpu.memory_space<hbm>>) target(%dma_start3A_354 : memref<64x128xf32, #tpu.memory_space<vmem>>) offsets(%dma_start3A_357 : memref<64xi32, #tpu.memory_space<vmem>>) semaphore(%arg10 : memref<!tpu.dma_semaphore, #tpu.memory_space<semaphore_mem>>) {add = true}
    %scan3A_361 = arith.constant 0 : i32
    %scan3A_362 = arith.constant 64 : i32
    %scan3A_363 = arith.addi %scan3A_361, %scan3A_362 : i32
    %scan3A_364 = arith.constant 1 : i32
    scf.for %scan3A_1647 = %scan3A_361 to %scan3A_363 step %scan3A_364  : i32 {
      %swap3A = arith.constant 1 : i32
      %swap3A_1648 = arith.index_cast %swap3A : i32 to index
      %swap3A_1649 = arith.index_cast %scan3A_1647 : i32 to index
      %swap3A_1650 = arith.constant 0 : index
      %swap3A_1651 = tpu.vector_load %arg7[%swap3A_1648, %swap3A_1649, %swap3A_1650] {strides = array<i32>} : memref<8x64x128xf32, #tpu.memory_space<vmem>>, vector<1x1x16xf32>,
      %swap3A_1652 = vector.shape_cast %swap3A_1651 : vector<1x1x16xf32> to vector<16xf32>
      %swap3A_1653 = vector.shape_cast %add3A_89 : vector<16xf32> to vector<1x1x16xf32>
      tpu.vector_store %arg7[%swap3A_1648, %swap3A_1649, %swap3A_1650], %swap3A_1653 {strides = array<i32>} : memref<8x64x128xf32, #tpu.memory_space<vmem>>, vector<1x1x16xf32>,
      %swap3A_1654 = arith.constant 1 : i32
      %swap3A_1655 = arith.index_cast %swap3A_1654 : i32 to index
      %swap3A_1656 = arith.index_cast %scan3A_1647 : i32 to index
      %swap3A_1657 = arith.constant 16 : index
      %swap3A_1658 = tpu.vector_load %arg7[%swap3A_1655, %swap3A_1656, %swap3A_1657] {strides = array<i32>} : memref<8x64x128xf32, #tpu.memory_space<vmem>>, vector<1x1x16xf32>,
      %swap3A_1659 = vector.shape_cast %swap3A_1658 : vector<1x1x16xf32> to vector<16xf32>
      %swap3A_1660 = vector.shape_cast %add3A_118 : vector<16xf32> to vector<1x1x16xf32>
      tpu.vector_store %arg7[%swap3A_1655, %swap3A_1656, %swap3A_1657], %swap3A_1660 {strides = array<i32>} : memref<8x64x128xf32, #tpu.memory_space<vmem>>, vector<1x1x16xf32>,
      %swap3A_1661 = arith.constant 1 : i32
      %swap3A_1662 = arith.index_cast %swap3A_1661 : i32 to index
      %swap3A_1663 = arith.index_cast %scan3A_1647 : i32 to index
      %swap3A_1664 = arith.constant 32 : index
      %swap3A_1665 = tpu.vector_load %arg7[%swap3A_1662, %swap3A_1663, %swap3A_1664] {strides = array<i32>} : memref<8x64x128xf32, #tpu.memory_space<vmem>>, vector<1x1x16xf32>,
      %swap3A_1666 = vector.shape_cast %swap3A_1665 : vector<1x1x16xf32> to vector<16xf32>
      %swap3A_1667 = vector.shape_cast %add3A_147 : vector<16xf32> to vector<1x1x16xf32>
      tpu.vector_store %arg7[%swap3A_1662, %swap3A_1663, %swap3A_1664], %swap3A_1667 {strides = array<i32>} : memref<8x64x128xf32, #tpu.memory_space<vmem>>, vector<1x1x16xf32>,
      %swap3A_1668 = arith.constant 1 : i32
      %swap3A_1669 = arith.index_cast %swap3A_1668 : i32 to index
      %swap3A_1670 = arith.index_cast %scan3A_1647 : i32 to index
      %swap3A_1671 = arith.constant 48 : index
      %swap3A_1672 = tpu.vector_load %arg7[%swap3A_1669, %swap3A_1670, %swap3A_1671] {strides = array<i32>} : memref<8x64x128xf32, #tpu.memory_space<vmem>>, vector<1x1x16xf32>,
      %swap3A_1673 = vector.shape_cast %swap3A_1672 : vector<1x1x16xf32> to vector<16xf32>
      %swap3A_1674 = vector.shape_cast %add3A_176 : vector<16xf32> to vector<1x1x16xf32>
      tpu.vector_store %arg7[%swap3A_1669, %swap3A_1670, %swap3A_1671], %swap3A_1674 {strides = array<i32>} : memref<8x64x128xf32, #tpu.memory_space<vmem>>, vector<1x1x16xf32>,
      %swap3A_1675 = arith.constant 1 : i32
      %swap3A_1676 = arith.index_cast %swap3A_1675 : i32 to index
      %swap3A_1677 = arith.index_cast %scan3A_1647 : i32 to index
      %swap3A_1678 = arith.constant 64 : index
      %swap3A_1679 = tpu.vector_load %arg7[%swap3A_1676, %swap3A_1677, %swap3A_1678] {strides = array<i32>} : memref<8x64x128xf32, #tpu.memory_space<vmem>>, vector<1x1x16xf32>,
      %swap3A_1680 = vector.shape_cast %swap3A_1679 : vector<1x1x16xf32> to vector<16xf32>
      %swap3A_1681 = vector.shape_cast %add3A_205 : vector<16xf32> to vector<1x1x16xf32>
      tpu.vector_store %arg7[%swap3A_1676, %swap3A_1677, %swap3A_1678], %swap3A_1681 {strides = array<i32>} : memref<8x64x128xf32, #tpu.memory_space<vmem>>, vector<1x1x16xf32>,
      %swap3A_1682 = arith.constant 1 : i32
      %swap3A_1683 = arith.index_cast %swap3A_1682 : i32 to index
      %swap3A_1684 = arith.index_cast %scan3A_1647 : i32 to index
      %swap3A_1685 = arith.constant 80 : index
      %swap3A_1686 = tpu.vector_load %arg7[%swap3A_1683, %swap3A_1684, %swap3A_1685] {strides = array<i32>} : memref<8x64x128xf32, #tpu.memory_space<vmem>>, vector<1x1x16xf32>,
      %swap3A_1687 = vector.shape_cast %swap3A_1686 : vector<1x1x16xf32> to vector<16xf32>
      %swap3A_1688 = vector.shape_cast %add3A_234 : vector<16xf32> to vector<1x1x16xf32>
      tpu.vector_store %arg7[%swap3A_1683, %swap3A_1684, %swap3A_1685], %swap3A_1688 {strides = array<i32>} : memref<8x64x128xf32, #tpu.memory_space<vmem>>, vector<1x1x16xf32>,
      %swap3A_1689 = arith.constant 1 : i32
      %swap3A_1690 = arith.index_cast %swap3A_1689 : i32 to index
      %swap3A_1691 = arith.index_cast %scan3A_1647 : i32 to index
      %swap3A_1692 = arith.constant 96 : index
      %swap3A_1693 = tpu.vector_load %arg7[%swap3A_1690, %swap3A_1691, %swap3A_1692] {strides = array<i32>} : memref<8x64x128xf32, #tpu.memory_space<vmem>>, vector<1x1x16xf32>,
      %swap3A_1694 = vector.shape_cast %swap3A_1693 : vector<1x1x16xf32> to vector<16xf32>
      %swap3A_1695 = vector.shape_cast %add3A_263 : vector<16xf32> to vector<1x1x16xf32>
      tpu.vector_store %arg7[%swap3A_1690, %swap3A_1691, %swap3A_1692], %swap3A_1695 {strides = array<i32>} : memref<8x64x128xf32, #tpu.memory_space<vmem>>, vector<1x1x16xf32>,
      %swap3A_1696 = arith.constant 1 : i32
      %swap3A_1697 = arith.index_cast %swap3A_1696 : i32 to index
      %swap3A_1698 = arith.index_cast %scan3A_1647 : i32 to index
      %swap3A_1699 = arith.constant 112 : index
      %swap3A_1700 = tpu.vector_load %arg7[%swap3A_1697, %swap3A_1698, %swap3A_1699] {strides = array<i32>} : memref<8x64x128xf32, #tpu.memory_space<vmem>>, vector<1x1x16xf32>,
      %swap3A_1701 = vector.shape_cast %swap3A_1700 : vector<1x1x16xf32> to vector<16xf32>
      %swap3A_1702 = vector.shape_cast %add3A_292 : vector<16xf32> to vector<1x1x16xf32>
      tpu.vector_store %arg7[%swap3A_1697, %swap3A_1698, %swap3A_1699], %swap3A_1702 {strides = array<i32>} : memref<8x64x128xf32, #tpu.memory_space<vmem>>, vector<1x1x16xf32>,
    }
    %scan3A_365 = arith.constant 64 : i32
    %dma_start3A_366 = arith.constant 0 : i32
    %dma_start3A_367 = arith.constant 0 : i32
    %dma_start3A_368 = arith.constant 1 : i32
    %dma_start3A_369 = arith.constant 0 : i32
    %dma_start3A_370 = arith.constant 0 : i32
    %dma_start3A_371 = tpu.memref_slice %arg7[%dma_start3A_368, %dma_start3A_369, %dma_start3A_370] : memref<8x64x128xf32, #tpu.memory_space<vmem>> -> memref<1x64x128xf32, #tpu.memory_space<vmem>>
    %dma_start3A_372 = tpu.memref_squeeze %dma_start3A_371 : memref<1x64x128xf32, #tpu.memory_space<vmem>> -> memref<64x128xf32, #tpu.memory_space<vmem>>
    %dma_start3A_373 = arith.constant 64 : i32
    %dma_start3A_374 = tpu.memref_slice %arg6[%dma_start3A_366, %dma_start3A_367, %dma_start3A_373] : memref<4x5x128xi32, #tpu.memory_space<vmem>> -> memref<1x1x64xi32, #tpu.memory_space<vmem>>
    %dma_start3A_375 = tpu.memref_squeeze %dma_start3A_374 : memref<1x1x64xi32, #tpu.memory_space<vmem>> -> memref<64xi32, #tpu.memory_space<vmem>>
    %dma_start3A_376 = arith.constant 0 : i32
    %dma_start3A_377 = arith.constant 0 : i32
    %dma_start3A_378 = tpu.memref_slice %arg3[%dma_start3A_376, %dma_start3A_377] : memref<100000x128xf32, #tpu.memory_space<hbm>> -> memref<100000x128xf32, #tpu.memory_space<hbm>>
    tpu.enqueue_indirect_dma source(%dma_start3A_378 : memref<100000x128xf32, #tpu.memory_space<hbm>>) target(%dma_start3A_372 : memref<64x128xf32, #tpu.memory_space<vmem>>) offsets(%dma_start3A_375 : memref<64xi32, #tpu.memory_space<vmem>>) semaphore(%arg11 : memref<!tpu.dma_semaphore, #tpu.memory_space<semaphore_mem>>) {add = true}
    %scan3A_379 = arith.constant 0 : i32
    %scan3A_380 = arith.constant 64 : i32
    %scan3A_381 = arith.addi %scan3A_379, %scan3A_380 : i32
    %scan3A_382 = arith.constant 1 : i32
    scf.for %scan3A_1647 = %scan3A_379 to %scan3A_381 step %scan3A_382  : i32 {
      %swap3A = arith.constant 2 : i32
      %swap3A_1648 = arith.index_cast %swap3A : i32 to index
      %swap3A_1649 = arith.index_cast %scan3A_1647 : i32 to index
      %swap3A_1650 = arith.constant 0 : index
      %swap3A_1651 = tpu.vector_load %arg7[%swap3A_1648, %swap3A_1649, %swap3A_1650] {strides = array<i32>} : memref<8x64x128xf32, #tpu.memory_space<vmem>>, vector<1x1x16xf32>,
      %swap3A_1652 = vector.shape_cast %swap3A_1651 : vector<1x1x16xf32> to vector<16xf32>
      %swap3A_1653 = vector.shape_cast %add3A_89 : vector<16xf32> to vector<1x1x16xf32>
      tpu.vector_store %arg7[%swap3A_1648, %swap3A_1649, %swap3A_1650], %swap3A_1653 {strides = array<i32>} : memref<8x64x128xf32, #tpu.memory_space<vmem>>, vector<1x1x16xf32>,
      %swap3A_1654 = arith.constant 2 : i32
      %swap3A_1655 = arith.index_cast %swap3A_1654 : i32 to index
      %swap3A_1656 = arith.index_cast %scan3A_1647 : i32 to index
      %swap3A_1657 = arith.constant 16 : index
      %swap3A_1658 = tpu.vector_load %arg7[%swap3A_1655, %swap3A_1656, %swap3A_1657] {strides = array<i32>} : memref<8x64x128xf32, #tpu.memory_space<vmem>>, vector<1x1x16xf32>,
      %swap3A_1659 = vector.shape_cast %swap3A_1658 : vector<1x1x16xf32> to vector<16xf32>
      %swap3A_1660 = vector.shape_cast %add3A_118 : vector<16xf32> to vector<1x1x16xf32>
      tpu.vector_store %arg7[%swap3A_1655, %swap3A_1656, %swap3A_1657], %swap3A_1660 {strides = array<i32>} : memref<8x64x128xf32, #tpu.memory_space<vmem>>, vector<1x1x16xf32>,
      %swap3A_1661 = arith.constant 2 : i32
      %swap3A_1662 = arith.index_cast %swap3A_1661 : i32 to index
      %swap3A_1663 = arith.index_cast %scan3A_1647 : i32 to index
      %swap3A_1664 = arith.constant 32 : index
      %swap3A_1665 = tpu.vector_load %arg7[%swap3A_1662, %swap3A_1663, %swap3A_1664] {strides = array<i32>} : memref<8x64x128xf32, #tpu.memory_space<vmem>>, vector<1x1x16xf32>,
      %swap3A_1666 = vector.shape_cast %swap3A_1665 : vector<1x1x16xf32> to vector<16xf32>
      %swap3A_1667 = vector.shape_cast %add3A_147 : vector<16xf32> to vector<1x1x16xf32>
      tpu.vector_store %arg7[%swap3A_1662, %swap3A_1663, %swap3A_1664], %swap3A_1667 {strides = array<i32>} : memref<8x64x128xf32, #tpu.memory_space<vmem>>, vector<1x1x16xf32>,
      %swap3A_1668 = arith.constant 2 : i32
      %swap3A_1669 = arith.index_cast %swap3A_1668 : i32 to index
      %swap3A_1670 = arith.index_cast %scan3A_1647 : i32 to index
      %swap3A_1671 = arith.constant 48 : index
      %swap3A_1672 = tpu.vector_load %arg7[%swap3A_1669, %swap3A_1670, %swap3A_1671] {strides = array<i32>} : memref<8x64x128xf32, #tpu.memory_space<vmem>>, vector<1x1x16xf32>,
      %swap3A_1673 = vector.shape_cast %swap3A_1672 : vector<1x1x16xf32> to vector<16xf32>
      %swap3A_1674 = vector.shape_cast %add3A_176 : vector<16xf32> to vector<1x1x16xf32>
      tpu.vector_store %arg7[%swap3A_1669, %swap3A_1670, %swap3A_1671], %swap3A_1674 {strides = array<i32>} : memref<8x64x128xf32, #tpu.memory_space<vmem>>, vector<1x1x16xf32>,
      %swap3A_1675 = arith.constant 2 : i32
      %swap3A_1676 = arith.index_cast %swap3A_1675 : i32 to index
      %swap3A_1677 = arith.index_cast %scan3A_1647 : i32 to index
      %swap3A_1678 = arith.constant 64 : index
      %swap3A_1679 = tpu.vector_load %arg7[%swap3A_1676, %swap3A_1677, %swap3A_1678] {strides = array<i32>} : memref<8x64x128xf32, #tpu.memory_space<vmem>>, vector<1x1x16xf32>,
      %swap3A_1680 = vector.shape_cast %swap3A_1679 : vector<1x1x16xf32> to vector<16xf32>
      %swap3A_1681 = vector.shape_cast %add3A_205 : vector<16xf32> to vector<1x1x16xf32>
      tpu.vector_store %arg7[%swap3A_1676, %swap3A_1677, %swap3A_1678], %swap3A_1681 {strides = array<i32>} : memref<8x64x128xf32, #tpu.memory_space<vmem>>, vector<1x1x16xf32>,
      %swap3A_1682 = arith.constant 2 : i32
      %swap3A_1683 = arith.index_cast %swap3A_1682 : i32 to index
      %swap3A_1684 = arith.index_cast %scan3A_1647 : i32 to index
      %swap3A_1685 = arith.constant 80 : index
      %swap3A_1686 = tpu.vector_load %arg7[%swap3A_1683, %swap3A_1684, %swap3A_1685] {strides = array<i32>} : memref<8x64x128xf32, #tpu.memory_space<vmem>>, vector<1x1x16xf32>,
      %swap3A_1687 = vector.shape_cast %swap3A_1686 : vector<1x1x16xf32> to vector<16xf32>
      %swap3A_1688 = vector.shape_cast %add3A_234 : vector<16xf32> to vector<1x1x16xf32>
      tpu.vector_store %arg7[%swap3A_1683, %swap3A_1684, %swap3A_1685], %swap3A_1688 {strides = array<i32>} : memref<8x64x128xf32, #tpu.memory_space<vmem>>, vector<1x1x16xf32>,
      %swap3A_1689 = arith.constant 2 : i32
      %swap3A_1690 = arith.index_cast %swap3A_1689 : i32 to index
      %swap3A_1691 = arith.index_cast %scan3A_1647 : i32 to index
      %swap3A_1692 = arith.constant 96 : index
      %swap3A_1693 = tpu.vector_load %arg7[%swap3A_1690, %swap3A_1691, %swap3A_1692] {strides = array<i32>} : memref<8x64x128xf32, #tpu.memory_space<vmem>>, vector<1x1x16xf32>,
      %swap3A_1694 = vector.shape_cast %swap3A_1693 : vector<1x1x16xf32> to vector<16xf32>
      %swap3A_1695 = vector.shape_cast %add3A_263 : vector<16xf32> to vector<1x1x16xf32>
      tpu.vector_store %arg7[%swap3A_1690, %swap3A_1691, %swap3A_1692], %swap3A_1695 {strides = array<i32>} : memref<8x64x128xf32, #tpu.memory_space<vmem>>, vector<1x1x16xf32>,
      %swap3A_1696 = arith.constant 2 : i32
      %swap3A_1697 = arith.index_cast %swap3A_1696 : i32 to index
      %swap3A_1698 = arith.index_cast %scan3A_1647 : i32 to index
      %swap3A_1699 = arith.constant 112 : index
      %swap3A_1700 = tpu.vector_load %arg7[%swap3A_1697, %swap3A_1698, %swap3A_1699] {strides = array<i32>} : memref<8x64x128xf32, #tpu.memory_space<vmem>>, vector<1x1x16xf32>,
      %swap3A_1701 = vector.shape_cast %swap3A_1700 : vector<1x1x16xf32> to vector<16xf32>
      %swap3A_1702 = vector.shape_cast %add3A_292 : vector<16xf32> to vector<1x1x16xf32>
      tpu.vector_store %arg7[%swap3A_1697, %swap3A_1698, %swap3A_1699], %swap3A_1702 {strides = array<i32>} : memref<8x64x128xf32, #tpu.memory_space<vmem>>, vector<1x1x16xf32>,
    }
    %scan3A_383 = arith.constant 64 : i32
    %dma_start3A_384 = arith.constant 1 : i32
    %dma_start3A_385 = arith.constant 0 : i32
    %dma_start3A_386 = arith.constant 2 : i32
    %dma_start3A_387 = arith.constant 0 : i32
    %dma_start3A_388 = arith.constant 0 : i32
    %dma_start3A_389 = tpu.memref_slice %arg7[%dma_start3A_386, %dma_start3A_387, %dma_start3A_388] : memref<8x64x128xf32, #tpu.memory_space<vmem>> -> memref<1x64x128xf32, #tpu.memory_space<vmem>>
    %dma_start3A_390 = tpu.memref_squeeze %dma_start3A_389 : memref<1x64x128xf32, #tpu.memory_space<vmem>> -> memref<64x128xf32, #tpu.memory_space<vmem>>
    %dma_start3A_391 = arith.constant 0 : i32
    %dma_start3A_392 = tpu.memref_slice %arg6[%dma_start3A_384, %dma_start3A_385, %dma_start3A_391] : memref<4x5x128xi32, #tpu.memory_space<vmem>> -> memref<1x1x64xi32, #tpu.memory_space<vmem>>
    %dma_start3A_393 = tpu.memref_squeeze %dma_start3A_392 : memref<1x1x64xi32, #tpu.memory_space<vmem>> -> memref<64xi32, #tpu.memory_space<vmem>>
    %dma_start3A_394 = arith.constant 0 : i32
    %dma_start3A_395 = arith.constant 0 : i32
    %dma_start3A_396 = tpu.memref_slice %arg3[%dma_start3A_394, %dma_start3A_395] : memref<100000x128xf32, #tpu.memory_space<hbm>> -> memref<100000x128xf32, #tpu.memory_space<hbm>>
    tpu.enqueue_indirect_dma source(%dma_start3A_396 : memref<100000x128xf32, #tpu.memory_space<hbm>>) target(%dma_start3A_390 : memref<64x128xf32, #tpu.memory_space<vmem>>) offsets(%dma_start3A_393 : memref<64xi32, #tpu.memory_space<vmem>>) semaphore(%arg12 : memref<!tpu.dma_semaphore, #tpu.memory_space<semaphore_mem>>) {add = true}
    %scan3A_397 = arith.constant 0 : i32
    %scan3A_398 = arith.constant 64 : i32
    %scan3A_399 = arith.addi %scan3A_397, %scan3A_398 : i32
    %scan3A_400 = arith.constant 1 : i32
    scf.for %scan3A_1647 = %scan3A_397 to %scan3A_399 step %scan3A_400  : i32 {
      %swap3A = arith.constant 3 : i32
      %swap3A_1648 = arith.index_cast %swap3A : i32 to index
      %swap3A_1649 = arith.index_cast %scan3A_1647 : i32 to index
      %swap3A_1650 = arith.constant 0 : index
      %swap3A_1651 = tpu.vector_load %arg7[%swap3A_1648, %swap3A_1649, %swap3A_1650] {strides = array<i32>} : memref<8x64x128xf32, #tpu.memory_space<vmem>>, vector<1x1x16xf32>,
      %swap3A_1652 = vector.shape_cast %swap3A_1651 : vector<1x1x16xf32> to vector<16xf32>
      %swap3A_1653 = vector.shape_cast %add3A_89 : vector<16xf32> to vector<1x1x16xf32>
      tpu.vector_store %arg7[%swap3A_1648, %swap3A_1649, %swap3A_1650], %swap3A_1653 {strides = array<i32>} : memref<8x64x128xf32, #tpu.memory_space<vmem>>, vector<1x1x16xf32>,
      %swap3A_1654 = arith.constant 3 : i32
      %swap3A_1655 = arith.index_cast %swap3A_1654 : i32 to index
      %swap3A_1656 = arith.index_cast %scan3A_1647 : i32 to index
      %swap3A_1657 = arith.constant 16 : index
      %swap3A_1658 = tpu.vector_load %arg7[%swap3A_1655, %swap3A_1656, %swap3A_1657] {strides = array<i32>} : memref<8x64x128xf32, #tpu.memory_space<vmem>>, vector<1x1x16xf32>,
      %swap3A_1659 = vector.shape_cast %swap3A_1658 : vector<1x1x16xf32> to vector<16xf32>
      %swap3A_1660 = vector.shape_cast %add3A_118 : vector<16xf32> to vector<1x1x16xf32>
      tpu.vector_store %arg7[%swap3A_1655, %swap3A_1656, %swap3A_1657], %swap3A_1660 {strides = array<i32>} : memref<8x64x128xf32, #tpu.memory_space<vmem>>, vector<1x1x16xf32>,
      %swap3A_1661 = arith.constant 3 : i32
      %swap3A_1662 = arith.index_cast %swap3A_1661 : i32 to index
      %swap3A_1663 = arith.index_cast %scan3A_1647 : i32 to index
      %swap3A_1664 = arith.constant 32 : index
      %swap3A_1665 = tpu.vector_load %arg7[%swap3A_1662, %swap3A_1663, %swap3A_1664] {strides = array<i32>} : memref<8x64x128xf32, #tpu.memory_space<vmem>>, vector<1x1x16xf32>,
      %swap3A_1666 = vector.shape_cast %swap3A_1665 : vector<1x1x16xf32> to vector<16xf32>
      %swap3A_1667 = vector.shape_cast %add3A_147 : vector<16xf32> to vector<1x1x16xf32>
      tpu.vector_store %arg7[%swap3A_1662, %swap3A_1663, %swap3A_1664], %swap3A_1667 {strides = array<i32>} : memref<8x64x128xf32, #tpu.memory_space<vmem>>, vector<1x1x16xf32>,
      %swap3A_1668 = arith.constant 3 : i32
      %swap3A_1669 = arith.index_cast %swap3A_1668 : i32 to index
      %swap3A_1670 = arith.index_cast %scan3A_1647 : i32 to index
      %swap3A_1671 = arith.constant 48 : index
      %swap3A_1672 = tpu.vector_load %arg7[%swap3A_1669, %swap3A_1670, %swap3A_1671] {strides = array<i32>} : memref<8x64x128xf32, #tpu.memory_space<vmem>>, vector<1x1x16xf32>,
      %swap3A_1673 = vector.shape_cast %swap3A_1672 : vector<1x1x16xf32> to vector<16xf32>
      %swap3A_1674 = vector.shape_cast %add3A_176 : vector<16xf32> to vector<1x1x16xf32>
      tpu.vector_store %arg7[%swap3A_1669, %swap3A_1670, %swap3A_1671], %swap3A_1674 {strides = array<i32>} : memref<8x64x128xf32, #tpu.memory_space<vmem>>, vector<1x1x16xf32>,
      %swap3A_1675 = arith.constant 3 : i32
      %swap3A_1676 = arith.index_cast %swap3A_1675 : i32 to index
      %swap3A_1677 = arith.index_cast %scan3A_1647 : i32 to index
      %swap3A_1678 = arith.constant 64 : index
      %swap3A_1679 = tpu.vector_load %arg7[%swap3A_1676, %swap3A_1677, %swap3A_1678] {strides = array<i32>} : memref<8x64x128xf32, #tpu.memory_space<vmem>>, vector<1x1x16xf32>,
      %swap3A_1680 = vector.shape_cast %swap3A_1679 : vector<1x1x16xf32> to vector<16xf32>
      %swap3A_1681 = vector.shape_cast %add3A_205 : vector<16xf32> to vector<1x1x16xf32>
      tpu.vector_store %arg7[%swap3A_1676, %swap3A_1677, %swap3A_1678], %swap3A_1681 {strides = array<i32>} : memref<8x64x128xf32, #tpu.memory_space<vmem>>, vector<1x1x16xf32>,
      %swap3A_1682 = arith.constant 3 : i32
      %swap3A_1683 = arith.index_cast %swap3A_1682 : i32 to index
      %swap3A_1684 = arith.index_cast %scan3A_1647 : i32 to index
      %swap3A_1685 = arith.constant 80 : index
      %swap3A_1686 = tpu.vector_load %arg7[%swap3A_1683, %swap3A_1684, %swap3A_1685] {strides = array<i32>} : memref<8x64x128xf32, #tpu.memory_space<vmem>>, vector<1x1x16xf32>,
      %swap3A_1687 = vector.shape_cast %swap3A_1686 : vector<1x1x16xf32> to vector<16xf32>
      %swap3A_1688 = vector.shape_cast %add3A_234 : vector<16xf32> to vector<1x1x16xf32>
      tpu.vector_store %arg7[%swap3A_1683, %swap3A_1684, %swap3A_1685], %swap3A_1688 {strides = array<i32>} : memref<8x64x128xf32, #tpu.memory_space<vmem>>, vector<1x1x16xf32>,
      %swap3A_1689 = arith.constant 3 : i32
      %swap3A_1690 = arith.index_cast %swap3A_1689 : i32 to index
      %swap3A_1691 = arith.index_cast %scan3A_1647 : i32 to index
      %swap3A_1692 = arith.constant 96 : index
      %swap3A_1693 = tpu.vector_load %arg7[%swap3A_1690, %swap3A_1691, %swap3A_1692] {strides = array<i32>} : memref<8x64x128xf32, #tpu.memory_space<vmem>>, vector<1x1x16xf32>,
      %swap3A_1694 = vector.shape_cast %swap3A_1693 : vector<1x1x16xf32> to vector<16xf32>
      %swap3A_1695 = vector.shape_cast %add3A_263 : vector<16xf32> to vector<1x1x16xf32>
      tpu.vector_store %arg7[%swap3A_1690, %swap3A_1691, %swap3A_1692], %swap3A_1695 {strides = array<i32>} : memref<8x64x128xf32, #tpu.memory_space<vmem>>, vector<1x1x16xf32>,
      %swap3A_1696 = arith.constant 3 : i32
      %swap3A_1697 = arith.index_cast %swap3A_1696 : i32 to index
      %swap3A_1698 = arith.index_cast %scan3A_1647 : i32 to index
      %swap3A_1699 = arith.constant 112 : index
      %swap3A_1700 = tpu.vector_load %arg7[%swap3A_1697, %swap3A_1698, %swap3A_1699] {strides = array<i32>} : memref<8x64x128xf32, #tpu.memory_space<vmem>>, vector<1x1x16xf32>,
      %swap3A_1701 = vector.shape_cast %swap3A_1700 : vector<1x1x16xf32> to vector<16xf32>
      %swap3A_1702 = vector.shape_cast %add3A_292 : vector<16xf32> to vector<1x1x16xf32>
      tpu.vector_store %arg7[%swap3A_1697, %swap3A_1698, %swap3A_1699], %swap3A_1702 {strides = array<i32>} : memref<8x64x128xf32, #tpu.memory_space<vmem>>, vector<1x1x16xf32>,
    }
    %scan3A_401 = arith.constant 64 : i32
    %dma_start3A_402 = arith.constant 1 : i32
    %dma_start3A_403 = arith.constant 0 : i32
    %dma_start3A_404 = arith.constant 3 : i32
    %dma_start3A_405 = arith.constant 0 : i32
    %dma_start3A_406 = arith.constant 0 : i32
    %dma_start3A_407 = tpu.memref_slice %arg7[%dma_start3A_404, %dma_start3A_405, %dma_start3A_406] : memref<8x64x128xf32, #tpu.memory_space<vmem>> -> memref<1x64x128xf32, #tpu.memory_space<vmem>>
    %dma_start3A_408 = tpu.memref_squeeze %dma_start3A_407 : memref<1x64x128xf32, #tpu.memory_space<vmem>> -> memref<64x128xf32, #tpu.memory_space<vmem>>
    %dma_start3A_409 = arith.constant 64 : i32
    %dma_start3A_410 = tpu.memref_slice %arg6[%dma_start3A_402, %dma_start3A_403, %dma_start3A_409] : memref<4x5x128xi32, #tpu.memory_space<vmem>> -> memref<1x1x64xi32, #tpu.memory_space<vmem>>
    %dma_start3A_411 = tpu.memref_squeeze %dma_start3A_410 : memref<1x1x64xi32, #tpu.memory_space<vmem>> -> memref<64xi32, #tpu.memory_space<vmem>>
    %dma_start3A_412 = arith.constant 0 : i32
    %dma_start3A_413 = arith.constant 0 : i32
    %dma_start3A_414 = tpu.memref_slice %arg3[%dma_start3A_412, %dma_start3A_413] : memref<100000x128xf32, #tpu.memory_space<hbm>> -> memref<100000x128xf32, #tpu.memory_space<hbm>>
    tpu.enqueue_indirect_dma source(%dma_start3A_414 : memref<100000x128xf32, #tpu.memory_space<hbm>>) target(%dma_start3A_408 : memref<64x128xf32, #tpu.memory_space<vmem>>) offsets(%dma_start3A_411 : memref<64xi32, #tpu.memory_space<vmem>>) semaphore(%arg13 : memref<!tpu.dma_semaphore, #tpu.memory_space<semaphore_mem>>) {add = true}
    %scan3A_415 = arith.constant 0 : i32
    %scan3A_416 = arith.constant 64 : i32
    %scan3A_417 = arith.addi %scan3A_415, %scan3A_416 : i32
    %scan3A_418 = arith.constant 1 : i32
    scf.for %scan3A_1647 = %scan3A_415 to %scan3A_417 step %scan3A_418  : i32 {
      %swap3A = arith.constant 4 : i32
      %swap3A_1648 = arith.index_cast %swap3A : i32 to index
      %swap3A_1649 = arith.index_cast %scan3A_1647 : i32 to index
      %swap3A_1650 = arith.constant 0 : index
      %swap3A_1651 = tpu.vector_load %arg7[%swap3A_1648, %swap3A_1649, %swap3A_1650] {strides = array<i32>} : memref<8x64x128xf32, #tpu.memory_space<vmem>>, vector<1x1x16xf32>,
      %swap3A_1652 = vector.shape_cast %swap3A_1651 : vector<1x1x16xf32> to vector<16xf32>
      %swap3A_1653 = vector.shape_cast %add3A_89 : vector<16xf32> to vector<1x1x16xf32>
      tpu.vector_store %arg7[%swap3A_1648, %swap3A_1649, %swap3A_1650], %swap3A_1653 {strides = array<i32>} : memref<8x64x128xf32, #tpu.memory_space<vmem>>, vector<1x1x16xf32>,
      %swap3A_1654 = arith.constant 4 : i32
      %swap3A_1655 = arith.index_cast %swap3A_1654 : i32 to index
      %swap3A_1656 = arith.index_cast %scan3A_1647 : i32 to index
      %swap3A_1657 = arith.constant 16 : index
      %swap3A_1658 = tpu.vector_load %arg7[%swap3A_1655, %swap3A_1656, %swap3A_1657] {strides = array<i32>} : memref<8x64x128xf32, #tpu.memory_space<vmem>>, vector<1x1x16xf32>,
      %swap3A_1659 = vector.shape_cast %swap3A_1658 : vector<1x1x16xf32> to vector<16xf32>
      %swap3A_1660 = vector.shape_cast %add3A_118 : vector<16xf32> to vector<1x1x16xf32>
      tpu.vector_store %arg7[%swap3A_1655, %swap3A_1656, %swap3A_1657], %swap3A_1660 {strides = array<i32>} : memref<8x64x128xf32, #tpu.memory_space<vmem>>, vector<1x1x16xf32>,
      %swap3A_1661 = arith.constant 4 : i32
      %swap3A_1662 = arith.index_cast %swap3A_1661 : i32 to index
      %swap3A_1663 = arith.index_cast %scan3A_1647 : i32 to index
      %swap3A_1664 = arith.constant 32 : index
      %swap3A_1665 = tpu.vector_load %arg7[%swap3A_1662, %swap3A_1663, %swap3A_1664] {strides = array<i32>} : memref<8x64x128xf32, #tpu.memory_space<vmem>>, vector<1x1x16xf32>,
      %swap3A_1666 = vector.shape_cast %swap3A_1665 : vector<1x1x16xf32> to vector<16xf32>
      %swap3A_1667 = vector.shape_cast %add3A_147 : vector<16xf32> to vector<1x1x16xf32>
      tpu.vector_store %arg7[%swap3A_1662, %swap3A_1663, %swap3A_1664], %swap3A_1667 {strides = array<i32>} : memref<8x64x128xf32, #tpu.memory_space<vmem>>, vector<1x1x16xf32>,
      %swap3A_1668 = arith.constant 4 : i32
      %swap3A_1669 = arith.index_cast %swap3A_1668 : i32 to index
      %swap3A_1670 = arith.index_cast %scan3A_1647 : i32 to index
      %swap3A_1671 = arith.constant 48 : index
      %swap3A_1672 = tpu.vector_load %arg7[%swap3A_1669, %swap3A_1670, %swap3A_1671] {strides = array<i32>} : memref<8x64x128xf32, #tpu.memory_space<vmem>>, vector<1x1x16xf32>,
      %swap3A_1673 = vector.shape_cast %swap3A_1672 : vector<1x1x16xf32> to vector<16xf32>
      %swap3A_1674 = vector.shape_cast %add3A_176 : vector<16xf32> to vector<1x1x16xf32>
      tpu.vector_store %arg7[%swap3A_1669, %swap3A_1670, %swap3A_1671], %swap3A_1674 {strides = array<i32>} : memref<8x64x128xf32, #tpu.memory_space<vmem>>, vector<1x1x16xf32>,
      %swap3A_1675 = arith.constant 4 : i32
      %swap3A_1676 = arith.index_cast %swap3A_1675 : i32 to index
      %swap3A_1677 = arith.index_cast %scan3A_1647 : i32 to index
      %swap3A_1678 = arith.constant 64 : index
      %swap3A_1679 = tpu.vector_load %arg7[%swap3A_1676, %swap3A_1677, %swap3A_1678] {strides = array<i32>} : memref<8x64x128xf32, #tpu.memory_space<vmem>>, vector<1x1x16xf32>,
      %swap3A_1680 = vector.shape_cast %swap3A_1679 : vector<1x1x16xf32> to vector<16xf32>
      %swap3A_1681 = vector.shape_cast %add3A_205 : vector<16xf32> to vector<1x1x16xf32>
      tpu.vector_store %arg7[%swap3A_1676, %swap3A_1677, %swap3A_1678], %swap3A_1681 {strides = array<i32>} : memref<8x64x128xf32, #tpu.memory_space<vmem>>, vector<1x1x16xf32>,
      %swap3A_1682 = arith.constant 4 : i32
      %swap3A_1683 = arith.index_cast %swap3A_1682 : i32 to index
      %swap3A_1684 = arith.index_cast %scan3A_1647 : i32 to index
      %swap3A_1685 = arith.constant 80 : index
      %swap3A_1686 = tpu.vector_load %arg7[%swap3A_1683, %swap3A_1684, %swap3A_1685] {strides = array<i32>} : memref<8x64x128xf32, #tpu.memory_space<vmem>>, vector<1x1x16xf32>,
      %swap3A_1687 = vector.shape_cast %swap3A_1686 : vector<1x1x16xf32> to vector<16xf32>
      %swap3A_1688 = vector.shape_cast %add3A_234 : vector<16xf32> to vector<1x1x16xf32>
      tpu.vector_store %arg7[%swap3A_1683, %swap3A_1684, %swap3A_1685], %swap3A_1688 {strides = array<i32>} : memref<8x64x128xf32, #tpu.memory_space<vmem>>, vector<1x1x16xf32>,
      %swap3A_1689 = arith.constant 4 : i32
      %swap3A_1690 = arith.index_cast %swap3A_1689 : i32 to index
      %swap3A_1691 = arith.index_cast %scan3A_1647 : i32 to index
      %swap3A_1692 = arith.constant 96 : index
      %swap3A_1693 = tpu.vector_load %arg7[%swap3A_1690, %swap3A_1691, %swap3A_1692] {strides = array<i32>} : memref<8x64x128xf32, #tpu.memory_space<vmem>>, vector<1x1x16xf32>,
      %swap3A_1694 = vector.shape_cast %swap3A_1693 : vector<1x1x16xf32> to vector<16xf32>
      %swap3A_1695 = vector.shape_cast %add3A_263 : vector<16xf32> to vector<1x1x16xf32>
      tpu.vector_store %arg7[%swap3A_1690, %swap3A_1691, %swap3A_1692], %swap3A_1695 {strides = array<i32>} : memref<8x64x128xf32, #tpu.memory_space<vmem>>, vector<1x1x16xf32>,
      %swap3A_1696 = arith.constant 4 : i32
      %swap3A_1697 = arith.index_cast %swap3A_1696 : i32 to index
      %swap3A_1698 = arith.index_cast %scan3A_1647 : i32 to index
      %swap3A_1699 = arith.constant 112 : index
      %swap3A_1700 = tpu.vector_load %arg7[%swap3A_1697, %swap3A_1698, %swap3A_1699] {strides = array<i32>} : memref<8x64x128xf32, #tpu.memory_space<vmem>>, vector<1x1x16xf32>,
      %swap3A_1701 = vector.shape_cast %swap3A_1700 : vector<1x1x16xf32> to vector<16xf32>
      %swap3A_1702 = vector.shape_cast %add3A_292 : vector<16xf32> to vector<1x1x16xf32>
      tpu.vector_store %arg7[%swap3A_1697, %swap3A_1698, %swap3A_1699], %swap3A_1702 {strides = array<i32>} : memref<8x64x128xf32, #tpu.memory_space<vmem>>, vector<1x1x16xf32>,
    }
    %scan3A_419 = arith.constant 64 : i32
    %dma_start3A_420 = arith.constant 2 : i32
    %dma_start3A_421 = arith.constant 0 : i32
    %dma_start3A_422 = arith.constant 4 : i32
    %dma_start3A_423 = arith.constant 0 : i32
    %dma_start3A_424 = arith.constant 0 : i32
    %dma_start3A_425 = tpu.memref_slice %arg7[%dma_start3A_422, %dma_start3A_423, %dma_start3A_424] : memref<8x64x128xf32, #tpu.memory_space<vmem>> -> memref<1x64x128xf32, #tpu.memory_space<vmem>>
    %dma_start3A_426 = tpu.memref_squeeze %dma_start3A_425 : memref<1x64x128xf32, #tpu.memory_space<vmem>> -> memref<64x128xf32, #tpu.memory_space<vmem>>
    %dma_start3A_427 = arith.constant 0 : i32
    %dma_start3A_428 = tpu.memref_slice %arg6[%dma_start3A_420, %dma_start3A_421, %dma_start3A_427] : memref<4x5x128xi32, #tpu.memory_space<vmem>> -> memref<1x1x64xi32, #tpu.memory_space<vmem>>
    %dma_start3A_429 = tpu.memref_squeeze %dma_start3A_428 : memref<1x1x64xi32, #tpu.memory_space<vmem>> -> memref<64xi32, #tpu.memory_space<vmem>>
    %dma_start3A_430 = arith.constant 0 : i32
    %dma_start3A_431 = arith.constant 0 : i32
    %dma_start3A_432 = tpu.memref_slice %arg3[%dma_start3A_430, %dma_start3A_431] : memref<100000x128xf32, #tpu.memory_space<hbm>> -> memref<100000x128xf32, #tpu.memory_space<hbm>>
    tpu.enqueue_indirect_dma source(%dma_start3A_432 : memref<100000x128xf32, #tpu.memory_space<hbm>>) target(%dma_start3A_426 : memref<64x128xf32, #tpu.memory_space<vmem>>) offsets(%dma_start3A_429 : memref<64xi32, #tpu.memory_space<vmem>>) semaphore(%arg14 : memref<!tpu.dma_semaphore, #tpu.memory_space<semaphore_mem>>) {add = true}
    %scan3A_433 = arith.constant 0 : i32
    %scan3A_434 = arith.constant 64 : i32
    %scan3A_435 = arith.addi %scan3A_433, %scan3A_434 : i32
    %scan3A_436 = arith.constant 1 : i32
    scf.for %scan3A_1647 = %scan3A_433 to %scan3A_435 step %scan3A_436  : i32 {
      %swap3A = arith.constant 5 : i32
      %swap3A_1648 = arith.index_cast %swap3A : i32 to index
      %swap3A_1649 = arith.index_cast %scan3A_1647 : i32 to index
      %swap3A_1650 = arith.constant 0 : index
      %swap3A_1651 = tpu.vector_load %arg7[%swap3A_1648, %swap3A_1649, %swap3A_1650] {strides = array<i32>} : memref<8x64x128xf32, #tpu.memory_space<vmem>>, vector<1x1x16xf32>,
      %swap3A_1652 = vector.shape_cast %swap3A_1651 : vector<1x1x16xf32> to vector<16xf32>
      %swap3A_1653 = vector.shape_cast %add3A_89 : vector<16xf32> to vector<1x1x16xf32>
      tpu.vector_store %arg7[%swap3A_1648, %swap3A_1649, %swap3A_1650], %swap3A_1653 {strides = array<i32>} : memref<8x64x128xf32, #tpu.memory_space<vmem>>, vector<1x1x16xf32>,
      %swap3A_1654 = arith.constant 5 : i32
      %swap3A_1655 = arith.index_cast %swap3A_1654 : i32 to index
      %swap3A_1656 = arith.index_cast %scan3A_1647 : i32 to index
      %swap3A_1657 = arith.constant 16 : index
      %swap3A_1658 = tpu.vector_load %arg7[%swap3A_1655, %swap3A_1656, %swap3A_1657] {strides = array<i32>} : memref<8x64x128xf32, #tpu.memory_space<vmem>>, vector<1x1x16xf32>,
      %swap3A_1659 = vector.shape_cast %swap3A_1658 : vector<1x1x16xf32> to vector<16xf32>
      %swap3A_1660 = vector.shape_cast %add3A_118 : vector<16xf32> to vector<1x1x16xf32>
      tpu.vector_store %arg7[%swap3A_1655, %swap3A_1656, %swap3A_1657], %swap3A_1660 {strides = array<i32>} : memref<8x64x128xf32, #tpu.memory_space<vmem>>, vector<1x1x16xf32>,
      %swap3A_1661 = arith.constant 5 : i32
      %swap3A_1662 = arith.index_cast %swap3A_1661 : i32 to index
      %swap3A_1663 = arith.index_cast %scan3A_1647 : i32 to index
      %swap3A_1664 = arith.constant 32 : index
      %swap3A_1665 = tpu.vector_load %arg7[%swap3A_1662, %swap3A_1663, %swap3A_1664] {strides = array<i32>} : memref<8x64x128xf32, #tpu.memory_space<vmem>>, vector<1x1x16xf32>,
      %swap3A_1666 = vector.shape_cast %swap3A_1665 : vector<1x1x16xf32> to vector<16xf32>
      %swap3A_1667 = vector.shape_cast %add3A_147 : vector<16xf32> to vector<1x1x16xf32>
      tpu.vector_store %arg7[%swap3A_1662, %swap3A_1663, %swap3A_1664], %swap3A_1667 {strides = array<i32>} : memref<8x64x128xf32, #tpu.memory_space<vmem>>, vector<1x1x16xf32>,
      %swap3A_1668 = arith.constant 5 : i32
      %swap3A_1669 = arith.index_cast %swap3A_1668 : i32 to index
      %swap3A_1670 = arith.index_cast %scan3A_1647 : i32 to index
      %swap3A_1671 = arith.constant 48 : index
      %swap3A_1672 = tpu.vector_load %arg7[%swap3A_1669, %swap3A_1670, %swap3A_1671] {strides = array<i32>} : memref<8x64x128xf32, #tpu.memory_space<vmem>>, vector<1x1x16xf32>,
      %swap3A_1673 = vector.shape_cast %swap3A_1672 : vector<1x1x16xf32> to vector<16xf32>
      %swap3A_1674 = vector.shape_cast %add3A_176 : vector<16xf32> to vector<1x1x16xf32>
      tpu.vector_store %arg7[%swap3A_1669, %swap3A_1670, %swap3A_1671], %swap3A_1674 {strides = array<i32>} : memref<8x64x128xf32, #tpu.memory_space<vmem>>, vector<1x1x16xf32>,
      %swap3A_1675 = arith.constant 5 : i32
      %swap3A_1676 = arith.index_cast %swap3A_1675 : i32 to index
      %swap3A_1677 = arith.index_cast %scan3A_1647 : i32 to index
      %swap3A_1678 = arith.constant 64 : index
      %swap3A_1679 = tpu.vector_load %arg7[%swap3A_1676, %swap3A_1677, %swap3A_1678] {strides = array<i32>} : memref<8x64x128xf32, #tpu.memory_space<vmem>>, vector<1x1x16xf32>,
      %swap3A_1680 = vector.shape_cast %swap3A_1679 : vector<1x1x16xf32> to vector<16xf32>
      %swap3A_1681 = vector.shape_cast %add3A_205 : vector<16xf32> to vector<1x1x16xf32>
      tpu.vector_store %arg7[%swap3A_1676, %swap3A_1677, %swap3A_1678], %swap3A_1681 {strides = array<i32>} : memref<8x64x128xf32, #tpu.memory_space<vmem>>, vector<1x1x16xf32>,
      %swap3A_1682 = arith.constant 5 : i32
      %swap3A_1683 = arith.index_cast %swap3A_1682 : i32 to index
      %swap3A_1684 = arith.index_cast %scan3A_1647 : i32 to index
      %swap3A_1685 = arith.constant 80 : index
      %swap3A_1686 = tpu.vector_load %arg7[%swap3A_1683, %swap3A_1684, %swap3A_1685] {strides = array<i32>} : memref<8x64x128xf32, #tpu.memory_space<vmem>>, vector<1x1x16xf32>,
      %swap3A_1687 = vector.shape_cast %swap3A_1686 : vector<1x1x16xf32> to vector<16xf32>
      %swap3A_1688 = vector.shape_cast %add3A_234 : vector<16xf32> to vector<1x1x16xf32>
      tpu.vector_store %arg7[%swap3A_1683, %swap3A_1684, %swap3A_1685], %swap3A_1688 {strides = array<i32>} : memref<8x64x128xf32, #tpu.memory_space<vmem>>, vector<1x1x16xf32>,
      %swap3A_1689 = arith.constant 5 : i32
      %swap3A_1690 = arith.index_cast %swap3A_1689 : i32 to index
      %swap3A_1691 = arith.index_cast %scan3A_1647 : i32 to index
      %swap3A_1692 = arith.constant 96 : index
      %swap3A_1693 = tpu.vector_load %arg7[%swap3A_1690, %swap3A_1691, %swap3A_1692] {strides = array<i32>} : memref<8x64x128xf32, #tpu.memory_space<vmem>>, vector<1x1x16xf32>,
      %swap3A_1694 = vector.shape_cast %swap3A_1693 : vector<1x1x16xf32> to vector<16xf32>
      %swap3A_1695 = vector.shape_cast %add3A_263 : vector<16xf32> to vector<1x1x16xf32>
      tpu.vector_store %arg7[%swap3A_1690, %swap3A_1691, %swap3A_1692], %swap3A_1695 {strides = array<i32>} : memref<8x64x128xf32, #tpu.memory_space<vmem>>, vector<1x1x16xf32>,
      %swap3A_1696 = arith.constant 5 : i32
      %swap3A_1697 = arith.index_cast %swap3A_1696 : i32 to index
      %swap3A_1698 = arith.index_cast %scan3A_1647 : i32 to index
      %swap3A_1699 = arith.constant 112 : index
      %swap3A_1700 = tpu.vector_load %arg7[%swap3A_1697, %swap3A_1698, %swap3A_1699] {strides = array<i32>} : memref<8x64x128xf32, #tpu.memory_space<vmem>>, vector<1x1x16xf32>,
      %swap3A_1701 = vector.shape_cast %swap3A_1700 : vector<1x1x16xf32> to vector<16xf32>
      %swap3A_1702 = vector.shape_cast %add3A_292 : vector<16xf32> to vector<1x1x16xf32>
      tpu.vector_store %arg7[%swap3A_1697, %swap3A_1698, %swap3A_1699], %swap3A_1702 {strides = array<i32>} : memref<8x64x128xf32, #tpu.memory_space<vmem>>, vector<1x1x16xf32>,
    }
    %scan3A_437 = arith.constant 64 : i32
    %dma_start3A_438 = arith.constant 2 : i32
    %dma_start3A_439 = arith.constant 0 : i32
    %dma_start3A_440 = arith.constant 5 : i32
    %dma_start3A_441 = arith.constant 0 : i32
    %dma_start3A_442 = arith.constant 0 : i32
    %dma_start3A_443 = tpu.memref_slice %arg7[%dma_start3A_440, %dma_start3A_441, %dma_start3A_442] : memref<8x64x128xf32, #tpu.memory_space<vmem>> -> memref<1x64x128xf32, #tpu.memory_space<vmem>>
    %dma_start3A_444 = tpu.memref_squeeze %dma_start3A_443 : memref<1x64x128xf32, #tpu.memory_space<vmem>> -> memref<64x128xf32, #tpu.memory_space<vmem>>
    %dma_start3A_445 = arith.constant 64 : i32
    %dma_start3A_446 = tpu.memref_slice %arg6[%dma_start3A_438, %dma_start3A_439, %dma_start3A_445] : memref<4x5x128xi32, #tpu.memory_space<vmem>> -> memref<1x1x64xi32, #tpu.memory_space<vmem>>
    %dma_start3A_447 = tpu.memref_squeeze %dma_start3A_446 : memref<1x1x64xi32, #tpu.memory_space<vmem>> -> memref<64xi32, #tpu.memory_space<vmem>>
    %dma_start3A_448 = arith.constant 0 : i32
    %dma_start3A_449 = arith.constant 0 : i32
    %dma_start3A_450 = tpu.memref_slice %arg3[%dma_start3A_448, %dma_start3A_449] : memref<100000x128xf32, #tpu.memory_space<hbm>> -> memref<100000x128xf32, #tpu.memory_space<hbm>>
    tpu.enqueue_indirect_dma source(%dma_start3A_450 : memref<100000x128xf32, #tpu.memory_space<hbm>>) target(%dma_start3A_444 : memref<64x128xf32, #tpu.memory_space<vmem>>) offsets(%dma_start3A_447 : memref<64xi32, #tpu.memory_space<vmem>>) semaphore(%arg15 : memref<!tpu.dma_semaphore, #tpu.memory_space<semaphore_mem>>) {add = true}
    %scan3A_451 = arith.constant 0 : i32
    %scan3A_452 = arith.constant 64 : i32
    %scan3A_453 = arith.addi %scan3A_451, %scan3A_452 : i32
    %scan3A_454 = arith.constant 1 : i32
    scf.for %scan3A_1647 = %scan3A_451 to %scan3A_453 step %scan3A_454  : i32 {
      %swap3A = arith.constant 6 : i32
      %swap3A_1648 = arith.index_cast %swap3A : i32 to index
      %swap3A_1649 = arith.index_cast %scan3A_1647 : i32 to index
      %swap3A_1650 = arith.constant 0 : index
      %swap3A_1651 = tpu.vector_load %arg7[%swap3A_1648, %swap3A_1649, %swap3A_1650] {strides = array<i32>} : memref<8x64x128xf32, #tpu.memory_space<vmem>>, vector<1x1x16xf32>,
      %swap3A_1652 = vector.shape_cast %swap3A_1651 : vector<1x1x16xf32> to vector<16xf32>
      %swap3A_1653 = vector.shape_cast %add3A_89 : vector<16xf32> to vector<1x1x16xf32>
      tpu.vector_store %arg7[%swap3A_1648, %swap3A_1649, %swap3A_1650], %swap3A_1653 {strides = array<i32>} : memref<8x64x128xf32, #tpu.memory_space<vmem>>, vector<1x1x16xf32>,
      %swap3A_1654 = arith.constant 6 : i32
      %swap3A_1655 = arith.index_cast %swap3A_1654 : i32 to index
      %swap3A_1656 = arith.index_cast %scan3A_1647 : i32 to index
      %swap3A_1657 = arith.constant 16 : index
      %swap3A_1658 = tpu.vector_load %arg7[%swap3A_1655, %swap3A_1656, %swap3A_1657] {strides = array<i32>} : memref<8x64x128xf32, #tpu.memory_space<vmem>>, vector<1x1x16xf32>,
      %swap3A_1659 = vector.shape_cast %swap3A_1658 : vector<1x1x16xf32> to vector<16xf32>
      %swap3A_1660 = vector.shape_cast %add3A_118 : vector<16xf32> to vector<1x1x16xf32>
      tpu.vector_store %arg7[%swap3A_1655, %swap3A_1656, %swap3A_1657], %swap3A_1660 {strides = array<i32>} : memref<8x64x128xf32, #tpu.memory_space<vmem>>, vector<1x1x16xf32>,
      %swap3A_1661 = arith.constant 6 : i32
      %swap3A_1662 = arith.index_cast %swap3A_1661 : i32 to index
      %swap3A_1663 = arith.index_cast %scan3A_1647 : i32 to index
      %swap3A_1664 = arith.constant 32 : index
      %swap3A_1665 = tpu.vector_load %arg7[%swap3A_1662, %swap3A_1663, %swap3A_1664] {strides = array<i32>} : memref<8x64x128xf32, #tpu.memory_space<vmem>>, vector<1x1x16xf32>,
      %swap3A_1666 = vector.shape_cast %swap3A_1665 : vector<1x1x16xf32> to vector<16xf32>
      %swap3A_1667 = vector.shape_cast %add3A_147 : vector<16xf32> to vector<1x1x16xf32>
      tpu.vector_store %arg7[%swap3A_1662, %swap3A_1663, %swap3A_1664], %swap3A_1667 {strides = array<i32>} : memref<8x64x128xf32, #tpu.memory_space<vmem>>, vector<1x1x16xf32>,
      %swap3A_1668 = arith.constant 6 : i32
      %swap3A_1669 = arith.index_cast %swap3A_1668 : i32 to index
      %swap3A_1670 = arith.index_cast %scan3A_1647 : i32 to index
      %swap3A_1671 = arith.constant 48 : index
      %swap3A_1672 = tpu.vector_load %arg7[%swap3A_1669, %swap3A_1670, %swap3A_1671] {strides = array<i32>} : memref<8x64x128xf32, #tpu.memory_space<vmem>>, vector<1x1x16xf32>,
      %swap3A_1673 = vector.shape_cast %swap3A_1672 : vector<1x1x16xf32> to vector<16xf32>
      %swap3A_1674 = vector.shape_cast %add3A_176 : vector<16xf32> to vector<1x1x16xf32>
      tpu.vector_store %arg7[%swap3A_1669, %swap3A_1670, %swap3A_1671], %swap3A_1674 {strides = array<i32>} : memref<8x64x128xf32, #tpu.memory_space<vmem>>, vector<1x1x16xf32>,
      %swap3A_1675 = arith.constant 6 : i32
      %swap3A_1676 = arith.index_cast %swap3A_1675 : i32 to index
      %swap3A_1677 = arith.index_cast %scan3A_1647 : i32 to index
      %swap3A_1678 = arith.constant 64 : index
      %swap3A_1679 = tpu.vector_load %arg7[%swap3A_1676, %swap3A_1677, %swap3A_1678] {strides = array<i32>} : memref<8x64x128xf32, #tpu.memory_space<vmem>>, vector<1x1x16xf32>,
      %swap3A_1680 = vector.shape_cast %swap3A_1679 : vector<1x1x16xf32> to vector<16xf32>
      %swap3A_1681 = vector.shape_cast %add3A_205 : vector<16xf32> to vector<1x1x16xf32>
      tpu.vector_store %arg7[%swap3A_1676, %swap3A_1677, %swap3A_1678], %swap3A_1681 {strides = array<i32>} : memref<8x64x128xf32, #tpu.memory_space<vmem>>, vector<1x1x16xf32>,
      %swap3A_1682 = arith.constant 6 : i32
      %swap3A_1683 = arith.index_cast %swap3A_1682 : i32 to index
      %swap3A_1684 = arith.index_cast %scan3A_1647 : i32 to index
      %swap3A_1685 = arith.constant 80 : index
      %swap3A_1686 = tpu.vector_load %arg7[%swap3A_1683, %swap3A_1684, %swap3A_1685] {strides = array<i32>} : memref<8x64x128xf32, #tpu.memory_space<vmem>>, vector<1x1x16xf32>,
      %swap3A_1687 = vector.shape_cast %swap3A_1686 : vector<1x1x16xf32> to vector<16xf32>
      %swap3A_1688 = vector.shape_cast %add3A_234 : vector<16xf32> to vector<1x1x16xf32>
      tpu.vector_store %arg7[%swap3A_1683, %swap3A_1684, %swap3A_1685], %swap3A_1688 {strides = array<i32>} : memref<8x64x128xf32, #tpu.memory_space<vmem>>, vector<1x1x16xf32>,
      %swap3A_1689 = arith.constant 6 : i32
      %swap3A_1690 = arith.index_cast %swap3A_1689 : i32 to index
      %swap3A_1691 = arith.index_cast %scan3A_1647 : i32 to index
      %swap3A_1692 = arith.constant 96 : index
      %swap3A_1693 = tpu.vector_load %arg7[%swap3A_1690, %swap3A_1691, %swap3A_1692] {strides = array<i32>} : memref<8x64x128xf32, #tpu.memory_space<vmem>>, vector<1x1x16xf32>,
      %swap3A_1694 = vector.shape_cast %swap3A_1693 : vector<1x1x16xf32> to vector<16xf32>
      %swap3A_1695 = vector.shape_cast %add3A_263 : vector<16xf32> to vector<1x1x16xf32>
      tpu.vector_store %arg7[%swap3A_1690, %swap3A_1691, %swap3A_1692], %swap3A_1695 {strides = array<i32>} : memref<8x64x128xf32, #tpu.memory_space<vmem>>, vector<1x1x16xf32>,
      %swap3A_1696 = arith.constant 6 : i32
      %swap3A_1697 = arith.index_cast %swap3A_1696 : i32 to index
      %swap3A_1698 = arith.index_cast %scan3A_1647 : i32 to index
      %swap3A_1699 = arith.constant 112 : index
      %swap3A_1700 = tpu.vector_load %arg7[%swap3A_1697, %swap3A_1698, %swap3A_1699] {strides = array<i32>} : memref<8x64x128xf32, #tpu.memory_space<vmem>>, vector<1x1x16xf32>,
      %swap3A_1701 = vector.shape_cast %swap3A_1700 : vector<1x1x16xf32> to vector<16xf32>
      %swap3A_1702 = vector.shape_cast %add3A_292 : vector<16xf32> to vector<1x1x16xf32>
      tpu.vector_store %arg7[%swap3A_1697, %swap3A_1698, %swap3A_1699], %swap3A_1702 {strides = array<i32>} : memref<8x64x128xf32, #tpu.memory_space<vmem>>, vector<1x1x16xf32>,
    }
    %scan3A_455 = arith.constant 64 : i32
    %dma_start3A_456 = arith.constant 3 : i32
    %dma_start3A_457 = arith.constant 0 : i32
    %dma_start3A_458 = arith.constant 6 : i32
    %dma_start3A_459 = arith.constant 0 : i32
    %dma_start3A_460 = arith.constant 0 : i32
    %dma_start3A_461 = tpu.memref_slice %arg7[%dma_start3A_458, %dma_start3A_459, %dma_start3A_460] : memref<8x64x128xf32, #tpu.memory_space<vmem>> -> memref<1x64x128xf32, #tpu.memory_space<vmem>>
    %dma_start3A_462 = tpu.memref_squeeze %dma_start3A_461 : memref<1x64x128xf32, #tpu.memory_space<vmem>> -> memref<64x128xf32, #tpu.memory_space<vmem>>
    %dma_start3A_463 = arith.constant 0 : i32
    %dma_start3A_464 = tpu.memref_slice %arg6[%dma_start3A_456, %dma_start3A_457, %dma_start3A_463] : memref<4x5x128xi32, #tpu.memory_space<vmem>> -> memref<1x1x64xi32, #tpu.memory_space<vmem>>
    %dma_start3A_465 = tpu.memref_squeeze %dma_start3A_464 : memref<1x1x64xi32, #tpu.memory_space<vmem>> -> memref<64xi32, #tpu.memory_space<vmem>>
    %dma_start3A_466 = arith.constant 0 : i32
    %dma_start3A_467 = arith.constant 0 : i32
    %dma_start3A_468 = tpu.memref_slice %arg3[%dma_start3A_466, %dma_start3A_467] : memref<100000x128xf32, #tpu.memory_space<hbm>> -> memref<100000x128xf32, #tpu.memory_space<hbm>>
    tpu.enqueue_indirect_dma source(%dma_start3A_468 : memref<100000x128xf32, #tpu.memory_space<hbm>>) target(%dma_start3A_462 : memref<64x128xf32, #tpu.memory_space<vmem>>) offsets(%dma_start3A_465 : memref<64xi32, #tpu.memory_space<vmem>>) semaphore(%arg16 : memref<!tpu.dma_semaphore, #tpu.memory_space<semaphore_mem>>) {add = true}
    %scan3A_469 = arith.constant 0 : i32
    %scan3A_470 = arith.constant 64 : i32
    %scan3A_471 = arith.addi %scan3A_469, %scan3A_470 : i32
    %scan3A_472 = arith.constant 1 : i32
    scf.for %scan3A_1647 = %scan3A_469 to %scan3A_471 step %scan3A_472  : i32 {
      %swap3A = arith.constant 7 : i32
      %swap3A_1648 = arith.index_cast %swap3A : i32 to index
      %swap3A_1649 = arith.index_cast %scan3A_1647 : i32 to index
      %swap3A_1650 = arith.constant 0 : index
      %swap3A_1651 = tpu.vector_load %arg7[%swap3A_1648, %swap3A_1649, %swap3A_1650] {strides = array<i32>} : memref<8x64x128xf32, #tpu.memory_space<vmem>>, vector<1x1x16xf32>,
      %swap3A_1652 = vector.shape_cast %swap3A_1651 : vector<1x1x16xf32> to vector<16xf32>
      %swap3A_1653 = vector.shape_cast %add3A_89 : vector<16xf32> to vector<1x1x16xf32>
      tpu.vector_store %arg7[%swap3A_1648, %swap3A_1649, %swap3A_1650], %swap3A_1653 {strides = array<i32>} : memref<8x64x128xf32, #tpu.memory_space<vmem>>, vector<1x1x16xf32>,
      %swap3A_1654 = arith.constant 7 : i32
      %swap3A_1655 = arith.index_cast %swap3A_1654 : i32 to index
      %swap3A_1656 = arith.index_cast %scan3A_1647 : i32 to index
      %swap3A_1657 = arith.constant 16 : index
      %swap3A_1658 = tpu.vector_load %arg7[%swap3A_1655, %swap3A_1656, %swap3A_1657] {strides = array<i32>} : memref<8x64x128xf32, #tpu.memory_space<vmem>>, vector<1x1x16xf32>,
      %swap3A_1659 = vector.shape_cast %swap3A_1658 : vector<1x1x16xf32> to vector<16xf32>
      %swap3A_1660 = vector.shape_cast %add3A_118 : vector<16xf32> to vector<1x1x16xf32>
      tpu.vector_store %arg7[%swap3A_1655, %swap3A_1656, %swap3A_1657], %swap3A_1660 {strides = array<i32>} : memref<8x64x128xf32, #tpu.memory_space<vmem>>, vector<1x1x16xf32>,
      %swap3A_1661 = arith.constant 7 : i32
      %swap3A_1662 = arith.index_cast %swap3A_1661 : i32 to index
      %swap3A_1663 = arith.index_cast %scan3A_1647 : i32 to index
      %swap3A_1664 = arith.constant 32 : index
      %swap3A_1665 = tpu.vector_load %arg7[%swap3A_1662, %swap3A_1663, %swap3A_1664] {strides = array<i32>} : memref<8x64x128xf32, #tpu.memory_space<vmem>>, vector<1x1x16xf32>,
      %swap3A_1666 = vector.shape_cast %swap3A_1665 : vector<1x1x16xf32> to vector<16xf32>
      %swap3A_1667 = vector.shape_cast %add3A_147 : vector<16xf32> to vector<1x1x16xf32>
      tpu.vector_store %arg7[%swap3A_1662, %swap3A_1663, %swap3A_1664], %swap3A_1667 {strides = array<i32>} : memref<8x64x128xf32, #tpu.memory_space<vmem>>, vector<1x1x16xf32>,
      %swap3A_1668 = arith.constant 7 : i32
      %swap3A_1669 = arith.index_cast %swap3A_1668 : i32 to index
      %swap3A_1670 = arith.index_cast %scan3A_1647 : i32 to index
      %swap3A_1671 = arith.constant 48 : index
      %swap3A_1672 = tpu.vector_load %arg7[%swap3A_1669, %swap3A_1670, %swap3A_1671] {strides = array<i32>} : memref<8x64x128xf32, #tpu.memory_space<vmem>>, vector<1x1x16xf32>,
      %swap3A_1673 = vector.shape_cast %swap3A_1672 : vector<1x1x16xf32> to vector<16xf32>
      %swap3A_1674 = vector.shape_cast %add3A_176 : vector<16xf32> to vector<1x1x16xf32>
      tpu.vector_store %arg7[%swap3A_1669, %swap3A_1670, %swap3A_1671], %swap3A_1674 {strides = array<i32>} : memref<8x64x128xf32, #tpu.memory_space<vmem>>, vector<1x1x16xf32>,
      %swap3A_1675 = arith.constant 7 : i32
      %swap3A_1676 = arith.index_cast %swap3A_1675 : i32 to index
      %swap3A_1677 = arith.index_cast %scan3A_1647 : i32 to index
      %swap3A_1678 = arith.constant 64 : index
      %swap3A_1679 = tpu.vector_load %arg7[%swap3A_1676, %swap3A_1677, %swap3A_1678] {strides = array<i32>} : memref<8x64x128xf32, #tpu.memory_space<vmem>>, vector<1x1x16xf32>,
      %swap3A_1680 = vector.shape_cast %swap3A_1679 : vector<1x1x16xf32> to vector<16xf32>
      %swap3A_1681 = vector.shape_cast %add3A_205 : vector<16xf32> to vector<1x1x16xf32>
      tpu.vector_store %arg7[%swap3A_1676, %swap3A_1677, %swap3A_1678], %swap3A_1681 {strides = array<i32>} : memref<8x64x128xf32, #tpu.memory_space<vmem>>, vector<1x1x16xf32>,
      %swap3A_1682 = arith.constant 7 : i32
      %swap3A_1683 = arith.index_cast %swap3A_1682 : i32 to index
      %swap3A_1684 = arith.index_cast %scan3A_1647 : i32 to index
      %swap3A_1685 = arith.constant 80 : index
      %swap3A_1686 = tpu.vector_load %arg7[%swap3A_1683, %swap3A_1684, %swap3A_1685] {strides = array<i32>} : memref<8x64x128xf32, #tpu.memory_space<vmem>>, vector<1x1x16xf32>,
      %swap3A_1687 = vector.shape_cast %swap3A_1686 : vector<1x1x16xf32> to vector<16xf32>
      %swap3A_1688 = vector.shape_cast %add3A_234 : vector<16xf32> to vector<1x1x16xf32>
      tpu.vector_store %arg7[%swap3A_1683, %swap3A_1684, %swap3A_1685], %swap3A_1688 {strides = array<i32>} : memref<8x64x128xf32, #tpu.memory_space<vmem>>, vector<1x1x16xf32>,
      %swap3A_1689 = arith.constant 7 : i32
      %swap3A_1690 = arith.index_cast %swap3A_1689 : i32 to index
      %swap3A_1691 = arith.index_cast %scan3A_1647 : i32 to index
      %swap3A_1692 = arith.constant 96 : index
      %swap3A_1693 = tpu.vector_load %arg7[%swap3A_1690, %swap3A_1691, %swap3A_1692] {strides = array<i32>} : memref<8x64x128xf32, #tpu.memory_space<vmem>>, vector<1x1x16xf32>,
      %swap3A_1694 = vector.shape_cast %swap3A_1693 : vector<1x1x16xf32> to vector<16xf32>
      %swap3A_1695 = vector.shape_cast %add3A_263 : vector<16xf32> to vector<1x1x16xf32>
      tpu.vector_store %arg7[%swap3A_1690, %swap3A_1691, %swap3A_1692], %swap3A_1695 {strides = array<i32>} : memref<8x64x128xf32, #tpu.memory_space<vmem>>, vector<1x1x16xf32>,
      %swap3A_1696 = arith.constant 7 : i32
      %swap3A_1697 = arith.index_cast %swap3A_1696 : i32 to index
      %swap3A_1698 = arith.index_cast %scan3A_1647 : i32 to index
      %swap3A_1699 = arith.constant 112 : index
      %swap3A_1700 = tpu.vector_load %arg7[%swap3A_1697, %swap3A_1698, %swap3A_1699] {strides = array<i32>} : memref<8x64x128xf32, #tpu.memory_space<vmem>>, vector<1x1x16xf32>,
      %swap3A_1701 = vector.shape_cast %swap3A_1700 : vector<1x1x16xf32> to vector<16xf32>
      %swap3A_1702 = vector.shape_cast %add3A_292 : vector<16xf32> to vector<1x1x16xf32>
      tpu.vector_store %arg7[%swap3A_1697, %swap3A_1698, %swap3A_1699], %swap3A_1702 {strides = array<i32>} : memref<8x64x128xf32, #tpu.memory_space<vmem>>, vector<1x1x16xf32>,
    }
    %scan3A_473 = arith.constant 64 : i32
    %dma_start3A_474 = arith.constant 3 : i32
    %dma_start3A_475 = arith.constant 0 : i32
    %dma_start3A_476 = arith.constant 7 : i32
    %dma_start3A_477 = arith.constant 0 : i32
    %dma_start3A_478 = arith.constant 0 : i32
    %dma_start3A_479 = tpu.memref_slice %arg7[%dma_start3A_476, %dma_start3A_477, %dma_start3A_478] : memref<8x64x128xf32, #tpu.memory_space<vmem>> -> memref<1x64x128xf32, #tpu.memory_space<vmem>>
    %dma_start3A_480 = tpu.memref_squeeze %dma_start3A_479 : memref<1x64x128xf32, #tpu.memory_space<vmem>> -> memref<64x128xf32, #tpu.memory_space<vmem>>
    %dma_start3A_481 = arith.constant 64 : i32
    %dma_start3A_482 = tpu.memref_slice %arg6[%dma_start3A_474, %dma_start3A_475, %dma_start3A_481] : memref<4x5x128xi32, #tpu.memory_space<vmem>> -> memref<1x1x64xi32, #tpu.memory_space<vmem>>
    %dma_start3A_483 = tpu.memref_squeeze %dma_start3A_482 : memref<1x1x64xi32, #tpu.memory_space<vmem>> -> memref<64xi32, #tpu.memory_space<vmem>>
    %dma_start3A_484 = arith.constant 0 : i32
    %dma_start3A_485 = arith.constant 0 : i32
    %dma_start3A_486 = tpu.memref_slice %arg3[%dma_start3A_484, %dma_start3A_485] : memref<100000x128xf32, #tpu.memory_space<hbm>> -> memref<100000x128xf32, #tpu.memory_space<hbm>>
    tpu.enqueue_indirect_dma source(%dma_start3A_486 : memref<100000x128xf32, #tpu.memory_space<hbm>>) target(%dma_start3A_480 : memref<64x128xf32, #tpu.memory_space<vmem>>) offsets(%dma_start3A_483 : memref<64xi32, #tpu.memory_space<vmem>>) semaphore(%arg17 : memref<!tpu.dma_semaphore, #tpu.memory_space<semaphore_mem>>) {add = true}
    %dma_wait3A_487 = arith.constant 0 : i32
    %dma_wait3A_488 = arith.constant 0 : i32
    %dma_wait3A_489 = arith.constant 0 : i32
    %dma_wait3A_490 = arith.constant 0 : i32
    %dma_wait3A_491 = arith.constant 0 : i32
    %dma_wait3A_492 = tpu.memref_slice %arg7[%dma_wait3A_489, %dma_wait3A_490, %dma_wait3A_491] : memref<8x64x128xf32, #tpu.memory_space<vmem>> -> memref<1x64x128xf32, #tpu.memory_space<vmem>>
    %dma_wait3A_493 = tpu.memref_squeeze %dma_wait3A_492 : memref<1x64x128xf32, #tpu.memory_space<vmem>> -> memref<64x128xf32, #tpu.memory_space<vmem>>
    %dma_wait3A_494 = arith.constant 0 : i32
    %dma_wait3A_495 = tpu.memref_slice %arg6[%dma_wait3A_487, %dma_wait3A_488, %dma_wait3A_494] : memref<4x5x128xi32, #tpu.memory_space<vmem>> -> memref<1x1x64xi32, #tpu.memory_space<vmem>>
    %dma_wait3A_496 = tpu.memref_squeeze %dma_wait3A_495 : memref<1x1x64xi32, #tpu.memory_space<vmem>> -> memref<64xi32, #tpu.memory_space<vmem>>
    %dma_wait3A_497 = arith.constant 0 : i32
    %dma_wait3A_498 = arith.constant 0 : i32
    %dma_wait3A_499 = tpu.memref_slice %arg3[%dma_wait3A_497, %dma_wait3A_498] : memref<100000x128xf32, #tpu.memory_space<hbm>> -> memref<100000x128xf32, #tpu.memory_space<hbm>>
    tpu.wait_indirect_dma semaphore(%arg10 : memref<!tpu.dma_semaphore, #tpu.memory_space<semaphore_mem>>) src(%dma_wait3A_499 : memref<100000x128xf32, #tpu.memory_space<hbm>>) dst(%dma_wait3A_493 : memref<64x128xf32, #tpu.memory_space<vmem>>)
    %dma_start3A_500 = arith.constant 0 : i32
    %dma_start3A_501 = arith.constant 1 : i32
    %dma_start3A_502 = arith.constant 0 : i32
    %dma_start3A_503 = arith.constant 0 : i32
    %dma_start3A_504 = arith.constant 0 : i32
    %dma_start3A_505 = tpu.memref_slice %arg7[%dma_start3A_502, %dma_start3A_503, %dma_start3A_504] : memref<8x64x128xf32, #tpu.memory_space<vmem>> -> memref<1x64x128xf32, #tpu.memory_space<vmem>>
    %dma_start3A_506 = tpu.memref_squeeze %dma_start3A_505 : memref<1x64x128xf32, #tpu.memory_space<vmem>> -> memref<64x128xf32, #tpu.memory_space<vmem>>
    %dma_start3A_507 = arith.constant 0 : i32
    %dma_start3A_508 = tpu.memref_slice %arg6[%dma_start3A_500, %dma_start3A_501, %dma_start3A_507] : memref<4x5x128xi32, #tpu.memory_space<vmem>> -> memref<1x1x64xi32, #tpu.memory_space<vmem>>
    %dma_start3A_509 = tpu.memref_squeeze %dma_start3A_508 : memref<1x1x64xi32, #tpu.memory_space<vmem>> -> memref<64xi32, #tpu.memory_space<vmem>>
    %dma_start3A_510 = arith.constant 0 : i32
    %dma_start3A_511 = arith.constant 0 : i32
    %dma_start3A_512 = tpu.memref_slice %arg3[%dma_start3A_510, %dma_start3A_511] : memref<100000x128xf32, #tpu.memory_space<hbm>> -> memref<100000x128xf32, #tpu.memory_space<hbm>>
    tpu.enqueue_indirect_dma source(%dma_start3A_512 : memref<100000x128xf32, #tpu.memory_space<hbm>>) target(%dma_start3A_506 : memref<64x128xf32, #tpu.memory_space<vmem>>) offsets(%dma_start3A_509 : memref<64xi32, #tpu.memory_space<vmem>>) semaphore(%arg10 : memref<!tpu.dma_semaphore, #tpu.memory_space<semaphore_mem>>) {add = true}
    %dma_wait3A_513 = arith.constant 0 : i32
    %dma_wait3A_514 = arith.constant 0 : i32
    %dma_wait3A_515 = arith.constant 1 : i32
    %dma_wait3A_516 = arith.constant 0 : i32
    %dma_wait3A_517 = arith.constant 0 : i32
    %dma_wait3A_518 = tpu.memref_slice %arg7[%dma_wait3A_515, %dma_wait3A_516, %dma_wait3A_517] : memref<8x64x128xf32, #tpu.memory_space<vmem>> -> memref<1x64x128xf32, #tpu.memory_space<vmem>>
    %dma_wait3A_519 = tpu.memref_squeeze %dma_wait3A_518 : memref<1x64x128xf32, #tpu.memory_space<vmem>> -> memref<64x128xf32, #tpu.memory_space<vmem>>
    %dma_wait3A_520 = arith.constant 64 : i32
    %dma_wait3A_521 = tpu.memref_slice %arg6[%dma_wait3A_513, %dma_wait3A_514, %dma_wait3A_520] : memref<4x5x128xi32, #tpu.memory_space<vmem>> -> memref<1x1x64xi32, #tpu.memory_space<vmem>>
    %dma_wait3A_522 = tpu.memref_squeeze %dma_wait3A_521 : memref<1x1x64xi32, #tpu.memory_space<vmem>> -> memref<64xi32, #tpu.memory_space<vmem>>
    %dma_wait3A_523 = arith.constant 0 : i32
    %dma_wait3A_524 = arith.constant 0 : i32
    %dma_wait3A_525 = tpu.memref_slice %arg3[%dma_wait3A_523, %dma_wait3A_524] : memref<100000x128xf32, #tpu.memory_space<hbm>> -> memref<100000x128xf32, #tpu.memory_space<hbm>>
    tpu.wait_indirect_dma semaphore(%arg11 : memref<!tpu.dma_semaphore, #tpu.memory_space<semaphore_mem>>) src(%dma_wait3A_525 : memref<100000x128xf32, #tpu.memory_space<hbm>>) dst(%dma_wait3A_519 : memref<64x128xf32, #tpu.memory_space<vmem>>)
    %dma_start3A_526 = arith.constant 0 : i32
    %dma_start3A_527 = arith.constant 1 : i32
    %dma_start3A_528 = arith.constant 1 : i32
    %dma_start3A_529 = arith.constant 0 : i32
    %dma_start3A_530 = arith.constant 0 : i32
    %dma_start3A_531 = tpu.memref_slice %arg7[%dma_start3A_528, %dma_start3A_529, %dma_start3A_530] : memref<8x64x128xf32, #tpu.memory_space<vmem>> -> memref<1x64x128xf32, #tpu.memory_space<vmem>>
    %dma_start3A_532 = tpu.memref_squeeze %dma_start3A_531 : memref<1x64x128xf32, #tpu.memory_space<vmem>> -> memref<64x128xf32, #tpu.memory_space<vmem>>
    %dma_start3A_533 = arith.constant 64 : i32
    %dma_start3A_534 = tpu.memref_slice %arg6[%dma_start3A_526, %dma_start3A_527, %dma_start3A_533] : memref<4x5x128xi32, #tpu.memory_space<vmem>> -> memref<1x1x64xi32, #tpu.memory_space<vmem>>
    %dma_start3A_535 = tpu.memref_squeeze %dma_start3A_534 : memref<1x1x64xi32, #tpu.memory_space<vmem>> -> memref<64xi32, #tpu.memory_space<vmem>>
    %dma_start3A_536 = arith.constant 0 : i32
    %dma_start3A_537 = arith.constant 0 : i32
    %dma_start3A_538 = tpu.memref_slice %arg3[%dma_start3A_536, %dma_start3A_537] : memref<100000x128xf32, #tpu.memory_space<hbm>> -> memref<100000x128xf32, #tpu.memory_space<hbm>>
    tpu.enqueue_indirect_dma source(%dma_start3A_538 : memref<100000x128xf32, #tpu.memory_space<hbm>>) target(%dma_start3A_532 : memref<64x128xf32, #tpu.memory_space<vmem>>) offsets(%dma_start3A_535 : memref<64xi32, #tpu.memory_space<vmem>>) semaphore(%arg11 : memref<!tpu.dma_semaphore, #tpu.memory_space<semaphore_mem>>) {add = true}
    %dma_wait3A_539 = arith.constant 1 : i32
    %dma_wait3A_540 = arith.constant 0 : i32
    %dma_wait3A_541 = arith.constant 2 : i32
    %dma_wait3A_542 = arith.constant 0 : i32
    %dma_wait3A_543 = arith.constant 0 : i32
    %dma_wait3A_544 = tpu.memref_slice %arg7[%dma_wait3A_541, %dma_wait3A_542, %dma_wait3A_543] : memref<8x64x128xf32, #tpu.memory_space<vmem>> -> memref<1x64x128xf32, #tpu.memory_space<vmem>>
    %dma_wait3A_545 = tpu.memref_squeeze %dma_wait3A_544 : memref<1x64x128xf32, #tpu.memory_space<vmem>> -> memref<64x128xf32, #tpu.memory_space<vmem>>
    %dma_wait3A_546 = arith.constant 0 : i32
    %dma_wait3A_547 = tpu.memref_slice %arg6[%dma_wait3A_539, %dma_wait3A_540, %dma_wait3A_546] : memref<4x5x128xi32, #tpu.memory_space<vmem>> -> memref<1x1x64xi32, #tpu.memory_space<vmem>>
    %dma_wait3A_548 = tpu.memref_squeeze %dma_wait3A_547 : memref<1x1x64xi32, #tpu.memory_space<vmem>> -> memref<64xi32, #tpu.memory_space<vmem>>
    %dma_wait3A_549 = arith.constant 0 : i32
    %dma_wait3A_550 = arith.constant 0 : i32
    %dma_wait3A_551 = tpu.memref_slice %arg3[%dma_wait3A_549, %dma_wait3A_550] : memref<100000x128xf32, #tpu.memory_space<hbm>> -> memref<100000x128xf32, #tpu.memory_space<hbm>>
    tpu.wait_indirect_dma semaphore(%arg12 : memref<!tpu.dma_semaphore, #tpu.memory_space<semaphore_mem>>) src(%dma_wait3A_551 : memref<100000x128xf32, #tpu.memory_space<hbm>>) dst(%dma_wait3A_545 : memref<64x128xf32, #tpu.memory_space<vmem>>)
    %dma_start3A_552 = arith.constant 1 : i32
    %dma_start3A_553 = arith.constant 1 : i32
    %dma_start3A_554 = arith.constant 2 : i32
    %dma_start3A_555 = arith.constant 0 : i32
    %dma_start3A_556 = arith.constant 0 : i32
    %dma_start3A_557 = tpu.memref_slice %arg7[%dma_start3A_554, %dma_start3A_555, %dma_start3A_556] : memref<8x64x128xf32, #tpu.memory_space<vmem>> -> memref<1x64x128xf32, #tpu.memory_space<vmem>>
    %dma_start3A_558 = tpu.memref_squeeze %dma_start3A_557 : memref<1x64x128xf32, #tpu.memory_space<vmem>> -> memref<64x128xf32, #tpu.memory_space<vmem>>
    %dma_start3A_559 = arith.constant 0 : i32
    %dma_start3A_560 = tpu.memref_slice %arg6[%dma_start3A_552, %dma_start3A_553, %dma_start3A_559] : memref<4x5x128xi32, #tpu.memory_space<vmem>> -> memref<1x1x64xi32, #tpu.memory_space<vmem>>
    %dma_start3A_561 = tpu.memref_squeeze %dma_start3A_560 : memref<1x1x64xi32, #tpu.memory_space<vmem>> -> memref<64xi32, #tpu.memory_space<vmem>>
    %dma_start3A_562 = arith.constant 0 : i32
    %dma_start3A_563 = arith.constant 0 : i32
    %dma_start3A_564 = tpu.memref_slice %arg3[%dma_start3A_562, %dma_start3A_563] : memref<100000x128xf32, #tpu.memory_space<hbm>> -> memref<100000x128xf32, #tpu.memory_space<hbm>>
    tpu.enqueue_indirect_dma source(%dma_start3A_564 : memref<100000x128xf32, #tpu.memory_space<hbm>>) target(%dma_start3A_558 : memref<64x128xf32, #tpu.memory_space<vmem>>) offsets(%dma_start3A_561 : memref<64xi32, #tpu.memory_space<vmem>>) semaphore(%arg12 : memref<!tpu.dma_semaphore, #tpu.memory_space<semaphore_mem>>) {add = true}
    %dma_wait3A_565 = arith.constant 1 : i32
    %dma_wait3A_566 = arith.constant 0 : i32
    %dma_wait3A_567 = arith.constant 3 : i32
    %dma_wait3A_568 = arith.constant 0 : i32
    %dma_wait3A_569 = arith.constant 0 : i32
    %dma_wait3A_570 = tpu.memref_slice %arg7[%dma_wait3A_567, %dma_wait3A_568, %dma_wait3A_569] : memref<8x64x128xf32, #tpu.memory_space<vmem>> -> memref<1x64x128xf32, #tpu.memory_space<vmem>>
    %dma_wait3A_571 = tpu.memref_squeeze %dma_wait3A_570 : memref<1x64x128xf32, #tpu.memory_space<vmem>> -> memref<64x128xf32, #tpu.memory_space<vmem>>
    %dma_wait3A_572 = arith.constant 64 : i32
    %dma_wait3A_573 = tpu.memref_slice %arg6[%dma_wait3A_565, %dma_wait3A_566, %dma_wait3A_572] : memref<4x5x128xi32, #tpu.memory_space<vmem>> -> memref<1x1x64xi32, #tpu.memory_space<vmem>>
    %dma_wait3A_574 = tpu.memref_squeeze %dma_wait3A_573 : memref<1x1x64xi32, #tpu.memory_space<vmem>> -> memref<64xi32, #tpu.memory_space<vmem>>
    %dma_wait3A_575 = arith.constant 0 : i32
    %dma_wait3A_576 = arith.constant 0 : i32
    %dma_wait3A_577 = tpu.memref_slice %arg3[%dma_wait3A_575, %dma_wait3A_576] : memref<100000x128xf32, #tpu.memory_space<hbm>> -> memref<100000x128xf32, #tpu.memory_space<hbm>>
    tpu.wait_indirect_dma semaphore(%arg13 : memref<!tpu.dma_semaphore, #tpu.memory_space<semaphore_mem>>) src(%dma_wait3A_577 : memref<100000x128xf32, #tpu.memory_space<hbm>>) dst(%dma_wait3A_571 : memref<64x128xf32, #tpu.memory_space<vmem>>)
    %dma_start3A_578 = arith.constant 1 : i32
    %dma_start3A_579 = arith.constant 1 : i32
    %dma_start3A_580 = arith.constant 3 : i32
    %dma_start3A_581 = arith.constant 0 : i32
    %dma_start3A_582 = arith.constant 0 : i32
    %dma_start3A_583 = tpu.memref_slice %arg7[%dma_start3A_580, %dma_start3A_581, %dma_start3A_582] : memref<8x64x128xf32, #tpu.memory_space<vmem>> -> memref<1x64x128xf32, #tpu.memory_space<vmem>>
    %dma_start3A_584 = tpu.memref_squeeze %dma_start3A_583 : memref<1x64x128xf32, #tpu.memory_space<vmem>> -> memref<64x128xf32, #tpu.memory_space<vmem>>
    %dma_start3A_585 = arith.constant 64 : i32
    %dma_start3A_586 = tpu.memref_slice %arg6[%dma_start3A_578, %dma_start3A_579, %dma_start3A_585] : memref<4x5x128xi32, #tpu.memory_space<vmem>> -> memref<1x1x64xi32, #tpu.memory_space<vmem>>
    %dma_start3A_587 = tpu.memref_squeeze %dma_start3A_586 : memref<1x1x64xi32, #tpu.memory_space<vmem>> -> memref<64xi32, #tpu.memory_space<vmem>>
    %dma_start3A_588 = arith.constant 0 : i32
    %dma_start3A_589 = arith.constant 0 : i32
    %dma_start3A_590 = tpu.memref_slice %arg3[%dma_start3A_588, %dma_start3A_589] : memref<100000x128xf32, #tpu.memory_space<hbm>> -> memref<100000x128xf32, #tpu.memory_space<hbm>>
    tpu.enqueue_indirect_dma source(%dma_start3A_590 : memref<100000x128xf32, #tpu.memory_space<hbm>>) target(%dma_start3A_584 : memref<64x128xf32, #tpu.memory_space<vmem>>) offsets(%dma_start3A_587 : memref<64xi32, #tpu.memory_space<vmem>>) semaphore(%arg13 : memref<!tpu.dma_semaphore, #tpu.memory_space<semaphore_mem>>) {add = true}
    %dma_wait3A_591 = arith.constant 2 : i32
    %dma_wait3A_592 = arith.constant 0 : i32
    %dma_wait3A_593 = arith.constant 4 : i32
    %dma_wait3A_594 = arith.constant 0 : i32
    %dma_wait3A_595 = arith.constant 0 : i32
    %dma_wait3A_596 = tpu.memref_slice %arg7[%dma_wait3A_593, %dma_wait3A_594, %dma_wait3A_595] : memref<8x64x128xf32, #tpu.memory_space<vmem>> -> memref<1x64x128xf32, #tpu.memory_space<vmem>>
    %dma_wait3A_597 = tpu.memref_squeeze %dma_wait3A_596 : memref<1x64x128xf32, #tpu.memory_space<vmem>> -> memref<64x128xf32, #tpu.memory_space<vmem>>
    %dma_wait3A_598 = arith.constant 0 : i32
    %dma_wait3A_599 = tpu.memref_slice %arg6[%dma_wait3A_591, %dma_wait3A_592, %dma_wait3A_598] : memref<4x5x128xi32, #tpu.memory_space<vmem>> -> memref<1x1x64xi32, #tpu.memory_space<vmem>>
    %dma_wait3A_600 = tpu.memref_squeeze %dma_wait3A_599 : memref<1x1x64xi32, #tpu.memory_space<vmem>> -> memref<64xi32, #tpu.memory_space<vmem>>
    %dma_wait3A_601 = arith.constant 0 : i32
    %dma_wait3A_602 = arith.constant 0 : i32
    %dma_wait3A_603 = tpu.memref_slice %arg3[%dma_wait3A_601, %dma_wait3A_602] : memref<100000x128xf32, #tpu.memory_space<hbm>> -> memref<100000x128xf32, #tpu.memory_space<hbm>>
    tpu.wait_indirect_dma semaphore(%arg14 : memref<!tpu.dma_semaphore, #tpu.memory_space<semaphore_mem>>) src(%dma_wait3A_603 : memref<100000x128xf32, #tpu.memory_space<hbm>>) dst(%dma_wait3A_597 : memref<64x128xf32, #tpu.memory_space<vmem>>)
    %dma_start3A_604 = arith.constant 2 : i32
    %dma_start3A_605 = arith.constant 1 : i32
    %dma_start3A_606 = arith.constant 4 : i32
    %dma_start3A_607 = arith.constant 0 : i32
    %dma_start3A_608 = arith.constant 0 : i32
    %dma_start3A_609 = tpu.memref_slice %arg7[%dma_start3A_606, %dma_start3A_607, %dma_start3A_608] : memref<8x64x128xf32, #tpu.memory_space<vmem>> -> memref<1x64x128xf32, #tpu.memory_space<vmem>>
    %dma_start3A_610 = tpu.memref_squeeze %dma_start3A_609 : memref<1x64x128xf32, #tpu.memory_space<vmem>> -> memref<64x128xf32, #tpu.memory_space<vmem>>
    %dma_start3A_611 = arith.constant 0 : i32
    %dma_start3A_612 = tpu.memref_slice %arg6[%dma_start3A_604, %dma_start3A_605, %dma_start3A_611] : memref<4x5x128xi32, #tpu.memory_space<vmem>> -> memref<1x1x64xi32, #tpu.memory_space<vmem>>
    %dma_start3A_613 = tpu.memref_squeeze %dma_start3A_612 : memref<1x1x64xi32, #tpu.memory_space<vmem>> -> memref<64xi32, #tpu.memory_space<vmem>>
    %dma_start3A_614 = arith.constant 0 : i32
    %dma_start3A_615 = arith.constant 0 : i32
    %dma_start3A_616 = tpu.memref_slice %arg3[%dma_start3A_614, %dma_start3A_615] : memref<100000x128xf32, #tpu.memory_space<hbm>> -> memref<100000x128xf32, #tpu.memory_space<hbm>>
    tpu.enqueue_indirect_dma source(%dma_start3A_616 : memref<100000x128xf32, #tpu.memory_space<hbm>>) target(%dma_start3A_610 : memref<64x128xf32, #tpu.memory_space<vmem>>) offsets(%dma_start3A_613 : memref<64xi32, #tpu.memory_space<vmem>>) semaphore(%arg14 : memref<!tpu.dma_semaphore, #tpu.memory_space<semaphore_mem>>) {add = true}
    %dma_wait3A_617 = arith.constant 2 : i32
    %dma_wait3A_618 = arith.constant 0 : i32
    %dma_wait3A_619 = arith.constant 5 : i32
    %dma_wait3A_620 = arith.constant 0 : i32
    %dma_wait3A_621 = arith.constant 0 : i32
    %dma_wait3A_622 = tpu.memref_slice %arg7[%dma_wait3A_619, %dma_wait3A_620, %dma_wait3A_621] : memref<8x64x128xf32, #tpu.memory_space<vmem>> -> memref<1x64x128xf32, #tpu.memory_space<vmem>>
    %dma_wait3A_623 = tpu.memref_squeeze %dma_wait3A_622 : memref<1x64x128xf32, #tpu.memory_space<vmem>> -> memref<64x128xf32, #tpu.memory_space<vmem>>
    %dma_wait3A_624 = arith.constant 64 : i32
    %dma_wait3A_625 = tpu.memref_slice %arg6[%dma_wait3A_617, %dma_wait3A_618, %dma_wait3A_624] : memref<4x5x128xi32, #tpu.memory_space<vmem>> -> memref<1x1x64xi32, #tpu.memory_space<vmem>>
    %dma_wait3A_626 = tpu.memref_squeeze %dma_wait3A_625 : memref<1x1x64xi32, #tpu.memory_space<vmem>> -> memref<64xi32, #tpu.memory_space<vmem>>
    %dma_wait3A_627 = arith.constant 0 : i32
    %dma_wait3A_628 = arith.constant 0 : i32
    %dma_wait3A_629 = tpu.memref_slice %arg3[%dma_wait3A_627, %dma_wait3A_628] : memref<100000x128xf32, #tpu.memory_space<hbm>> -> memref<100000x128xf32, #tpu.memory_space<hbm>>
    tpu.wait_indirect_dma semaphore(%arg15 : memref<!tpu.dma_semaphore, #tpu.memory_space<semaphore_mem>>) src(%dma_wait3A_629 : memref<100000x128xf32, #tpu.memory_space<hbm>>) dst(%dma_wait3A_623 : memref<64x128xf32, #tpu.memory_space<vmem>>)
    %dma_start3A_630 = arith.constant 2 : i32
    %dma_start3A_631 = arith.constant 1 : i32
    %dma_start3A_632 = arith.constant 5 : i32
    %dma_start3A_633 = arith.constant 0 : i32
    %dma_start3A_634 = arith.constant 0 : i32
    %dma_start3A_635 = tpu.memref_slice %arg7[%dma_start3A_632, %dma_start3A_633, %dma_start3A_634] : memref<8x64x128xf32, #tpu.memory_space<vmem>> -> memref<1x64x128xf32, #tpu.memory_space<vmem>>
    %dma_start3A_636 = tpu.memref_squeeze %dma_start3A_635 : memref<1x64x128xf32, #tpu.memory_space<vmem>> -> memref<64x128xf32, #tpu.memory_space<vmem>>
    %dma_start3A_637 = arith.constant 64 : i32
    %dma_start3A_638 = tpu.memref_slice %arg6[%dma_start3A_630, %dma_start3A_631, %dma_start3A_637] : memref<4x5x128xi32, #tpu.memory_space<vmem>> -> memref<1x1x64xi32, #tpu.memory_space<vmem>>
    %dma_start3A_639 = tpu.memref_squeeze %dma_start3A_638 : memref<1x1x64xi32, #tpu.memory_space<vmem>> -> memref<64xi32, #tpu.memory_space<vmem>>
    %dma_start3A_640 = arith.constant 0 : i32
    %dma_start3A_641 = arith.constant 0 : i32
    %dma_start3A_642 = tpu.memref_slice %arg3[%dma_start3A_640, %dma_start3A_641] : memref<100000x128xf32, #tpu.memory_space<hbm>> -> memref<100000x128xf32, #tpu.memory_space<hbm>>
    tpu.enqueue_indirect_dma source(%dma_start3A_642 : memref<100000x128xf32, #tpu.memory_space<hbm>>) target(%dma_start3A_636 : memref<64x128xf32, #tpu.memory_space<vmem>>) offsets(%dma_start3A_639 : memref<64xi32, #tpu.memory_space<vmem>>) semaphore(%arg15 : memref<!tpu.dma_semaphore, #tpu.memory_space<semaphore_mem>>) {add = true}
    %dma_wait3A_643 = arith.constant 3 : i32
    %dma_wait3A_644 = arith.constant 0 : i32
    %dma_wait3A_645 = arith.constant 6 : i32
    %dma_wait3A_646 = arith.constant 0 : i32
    %dma_wait3A_647 = arith.constant 0 : i32
    %dma_wait3A_648 = tpu.memref_slice %arg7[%dma_wait3A_645, %dma_wait3A_646, %dma_wait3A_647] : memref<8x64x128xf32, #tpu.memory_space<vmem>> -> memref<1x64x128xf32, #tpu.memory_space<vmem>>
    %dma_wait3A_649 = tpu.memref_squeeze %dma_wait3A_648 : memref<1x64x128xf32, #tpu.memory_space<vmem>> -> memref<64x128xf32, #tpu.memory_space<vmem>>
    %dma_wait3A_650 = arith.constant 0 : i32
    %dma_wait3A_651 = tpu.memref_slice %arg6[%dma_wait3A_643, %dma_wait3A_644, %dma_wait3A_650] : memref<4x5x128xi32, #tpu.memory_space<vmem>> -> memref<1x1x64xi32, #tpu.memory_space<vmem>>
    %dma_wait3A_652 = tpu.memref_squeeze %dma_wait3A_651 : memref<1x1x64xi32, #tpu.memory_space<vmem>> -> memref<64xi32, #tpu.memory_space<vmem>>
    %dma_wait3A_653 = arith.constant 0 : i32
    %dma_wait3A_654 = arith.constant 0 : i32
    %dma_wait3A_655 = tpu.memref_slice %arg3[%dma_wait3A_653, %dma_wait3A_654] : memref<100000x128xf32, #tpu.memory_space<hbm>> -> memref<100000x128xf32, #tpu.memory_space<hbm>>
    tpu.wait_indirect_dma semaphore(%arg16 : memref<!tpu.dma_semaphore, #tpu.memory_space<semaphore_mem>>) src(%dma_wait3A_655 : memref<100000x128xf32, #tpu.memory_space<hbm>>) dst(%dma_wait3A_649 : memref<64x128xf32, #tpu.memory_space<vmem>>)
    %dma_start3A_656 = arith.constant 3 : i32
    %dma_start3A_657 = arith.constant 1 : i32
    %dma_start3A_658 = arith.constant 6 : i32
    %dma_start3A_659 = arith.constant 0 : i32
    %dma_start3A_660 = arith.constant 0 : i32
    %dma_start3A_661 = tpu.memref_slice %arg7[%dma_start3A_658, %dma_start3A_659, %dma_start3A_660] : memref<8x64x128xf32, #tpu.memory_space<vmem>> -> memref<1x64x128xf32, #tpu.memory_space<vmem>>
    %dma_start3A_662 = tpu.memref_squeeze %dma_start3A_661 : memref<1x64x128xf32, #tpu.memory_space<vmem>> -> memref<64x128xf32, #tpu.memory_space<vmem>>
    %dma_start3A_663 = arith.constant 0 : i32
    %dma_start3A_664 = tpu.memref_slice %arg6[%dma_start3A_656, %dma_start3A_657, %dma_start3A_663] : memref<4x5x128xi32, #tpu.memory_space<vmem>> -> memref<1x1x64xi32, #tpu.memory_space<vmem>>
    %dma_start3A_665 = tpu.memref_squeeze %dma_start3A_664 : memref<1x1x64xi32, #tpu.memory_space<vmem>> -> memref<64xi32, #tpu.memory_space<vmem>>
    %dma_start3A_666 = arith.constant 0 : i32
    %dma_start3A_667 = arith.constant 0 : i32
    %dma_start3A_668 = tpu.memref_slice %arg3[%dma_start3A_666, %dma_start3A_667] : memref<100000x128xf32, #tpu.memory_space<hbm>> -> memref<100000x128xf32, #tpu.memory_space<hbm>>
    tpu.enqueue_indirect_dma source(%dma_start3A_668 : memref<100000x128xf32, #tpu.memory_space<hbm>>) target(%dma_start3A_662 : memref<64x128xf32, #tpu.memory_space<vmem>>) offsets(%dma_start3A_665 : memref<64xi32, #tpu.memory_space<vmem>>) semaphore(%arg16 : memref<!tpu.dma_semaphore, #tpu.memory_space<semaphore_mem>>) {add = true}
    %dma_wait3A_669 = arith.constant 3 : i32
    %dma_wait3A_670 = arith.constant 0 : i32
    %dma_wait3A_671 = arith.constant 7 : i32
    %dma_wait3A_672 = arith.constant 0 : i32
    %dma_wait3A_673 = arith.constant 0 : i32
    %dma_wait3A_674 = tpu.memref_slice %arg7[%dma_wait3A_671, %dma_wait3A_672, %dma_wait3A_673] : memref<8x64x128xf32, #tpu.memory_space<vmem>> -> memref<1x64x128xf32, #tpu.memory_space<vmem>>
    %dma_wait3A_675 = tpu.memref_squeeze %dma_wait3A_674 : memref<1x64x128xf32, #tpu.memory_space<vmem>> -> memref<64x128xf32, #tpu.memory_space<vmem>>
    %dma_wait3A_676 = arith.constant 64 : i32
    %dma_wait3A_677 = tpu.memref_slice %arg6[%dma_wait3A_669, %dma_wait3A_670, %dma_wait3A_676] : memref<4x5x128xi32, #tpu.memory_space<vmem>> -> memref<1x1x64xi32, #tpu.memory_space<vmem>>
    %dma_wait3A_678 = tpu.memref_squeeze %dma_wait3A_677 : memref<1x1x64xi32, #tpu.memory_space<vmem>> -> memref<64xi32, #tpu.memory_space<vmem>>
    %dma_wait3A_679 = arith.constant 0 : i32
    %dma_wait3A_680 = arith.constant 0 : i32
    %dma_wait3A_681 = tpu.memref_slice %arg3[%dma_wait3A_679, %dma_wait3A_680] : memref<100000x128xf32, #tpu.memory_space<hbm>> -> memref<100000x128xf32, #tpu.memory_space<hbm>>
    tpu.wait_indirect_dma semaphore(%arg17 : memref<!tpu.dma_semaphore, #tpu.memory_space<semaphore_mem>>) src(%dma_wait3A_681 : memref<100000x128xf32, #tpu.memory_space<hbm>>) dst(%dma_wait3A_675 : memref<64x128xf32, #tpu.memory_space<vmem>>)
    %dma_start3A_682 = arith.constant 3 : i32
    %dma_start3A_683 = arith.constant 1 : i32
    %dma_start3A_684 = arith.constant 7 : i32
    %dma_start3A_685 = arith.constant 0 : i32
    %dma_start3A_686 = arith.constant 0 : i32
    %dma_start3A_687 = tpu.memref_slice %arg7[%dma_start3A_684, %dma_start3A_685, %dma_start3A_686] : memref<8x64x128xf32, #tpu.memory_space<vmem>> -> memref<1x64x128xf32, #tpu.memory_space<vmem>>
    %dma_start3A_688 = tpu.memref_squeeze %dma_start3A_687 : memref<1x64x128xf32, #tpu.memory_space<vmem>> -> memref<64x128xf32, #tpu.memory_space<vmem>>
    %dma_start3A_689 = arith.constant 64 : i32
    %dma_start3A_690 = tpu.memref_slice %arg6[%dma_start3A_682, %dma_start3A_683, %dma_start3A_689] : memref<4x5x128xi32, #tpu.memory_space<vmem>> -> memref<1x1x64xi32, #tpu.memory_space<vmem>>
    %dma_start3A_691 = tpu.memref_squeeze %dma_start3A_690 : memref<1x1x64xi32, #tpu.memory_space<vmem>> -> memref<64xi32, #tpu.memory_space<vmem>>
    %dma_start3A_692 = arith.constant 0 : i32
    %dma_start3A_693 = arith.constant 0 : i32
    %dma_start3A_694 = tpu.memref_slice %arg3[%dma_start3A_692, %dma_start3A_693] : memref<100000x128xf32, #tpu.memory_space<hbm>> -> memref<100000x128xf32, #tpu.memory_space<hbm>>
    tpu.enqueue_indirect_dma source(%dma_start3A_694 : memref<100000x128xf32, #tpu.memory_space<hbm>>) target(%dma_start3A_688 : memref<64x128xf32, #tpu.memory_space<vmem>>) offsets(%dma_start3A_691 : memref<64xi32, #tpu.memory_space<vmem>>) semaphore(%arg17 : memref<!tpu.dma_semaphore, #tpu.memory_space<semaphore_mem>>) {add = true}
    %dma_wait3A_695 = arith.constant 0 : i32
    %dma_wait3A_696 = arith.constant 1 : i32
    %dma_wait3A_697 = arith.constant 0 : i32
    %dma_wait3A_698 = arith.constant 0 : i32
    %dma_wait3A_699 = arith.constant 0 : i32
    %dma_wait3A_700 = tpu.memref_slice %arg7[%dma_wait3A_697, %dma_wait3A_698, %dma_wait3A_699] : memref<8x64x128xf32, #tpu.memory_space<vmem>> -> memref<1x64x128xf32, #tpu.memory_space<vmem>>
    %dma_wait3A_701 = tpu.memref_squeeze %dma_wait3A_700 : memref<1x64x128xf32, #tpu.memory_space<vmem>> -> memref<64x128xf32, #tpu.memory_space<vmem>>
    %dma_wait3A_702 = arith.constant 0 : i32
    %dma_wait3A_703 = tpu.memref_slice %arg6[%dma_wait3A_695, %dma_wait3A_696, %dma_wait3A_702] : memref<4x5x128xi32, #tpu.memory_space<vmem>> -> memref<1x1x64xi32, #tpu.memory_space<vmem>>
    %dma_wait3A_704 = tpu.memref_squeeze %dma_wait3A_703 : memref<1x1x64xi32, #tpu.memory_space<vmem>> -> memref<64xi32, #tpu.memory_space<vmem>>
    %dma_wait3A_705 = arith.constant 0 : i32
    %dma_wait3A_706 = arith.constant 0 : i32
    %dma_wait3A_707 = tpu.memref_slice %arg3[%dma_wait3A_705, %dma_wait3A_706] : memref<100000x128xf32, #tpu.memory_space<hbm>> -> memref<100000x128xf32, #tpu.memory_space<hbm>>
    tpu.wait_indirect_dma semaphore(%arg10 : memref<!tpu.dma_semaphore, #tpu.memory_space<semaphore_mem>>) src(%dma_wait3A_707 : memref<100000x128xf32, #tpu.memory_space<hbm>>) dst(%dma_wait3A_701 : memref<64x128xf32, #tpu.memory_space<vmem>>)
    %dma_start3A_708 = arith.constant 0 : i32
    %dma_start3A_709 = arith.constant 2 : i32
    %dma_start3A_710 = arith.constant 0 : i32
    %dma_start3A_711 = arith.constant 0 : i32
    %dma_start3A_712 = arith.constant 0 : i32
    %dma_start3A_713 = tpu.memref_slice %arg7[%dma_start3A_710, %dma_start3A_711, %dma_start3A_712] : memref<8x64x128xf32, #tpu.memory_space<vmem>> -> memref<1x64x128xf32, #tpu.memory_space<vmem>>
    %dma_start3A_714 = tpu.memref_squeeze %dma_start3A_713 : memref<1x64x128xf32, #tpu.memory_space<vmem>> -> memref<64x128xf32, #tpu.memory_space<vmem>>
    %dma_start3A_715 = arith.constant 0 : i32
    %dma_start3A_716 = tpu.memref_slice %arg6[%dma_start3A_708, %dma_start3A_709, %dma_start3A_715] : memref<4x5x128xi32, #tpu.memory_space<vmem>> -> memref<1x1x64xi32, #tpu.memory_space<vmem>>
    %dma_start3A_717 = tpu.memref_squeeze %dma_start3A_716 : memref<1x1x64xi32, #tpu.memory_space<vmem>> -> memref<64xi32, #tpu.memory_space<vmem>>
    %dma_start3A_718 = arith.constant 0 : i32
    %dma_start3A_719 = arith.constant 0 : i32
    %dma_start3A_720 = tpu.memref_slice %arg3[%dma_start3A_718, %dma_start3A_719] : memref<100000x128xf32, #tpu.memory_space<hbm>> -> memref<100000x128xf32, #tpu.memory_space<hbm>>
    tpu.enqueue_indirect_dma source(%dma_start3A_720 : memref<100000x128xf32, #tpu.memory_space<hbm>>) target(%dma_start3A_714 : memref<64x128xf32, #tpu.memory_space<vmem>>) offsets(%dma_start3A_717 : memref<64xi32, #tpu.memory_space<vmem>>) semaphore(%arg10 : memref<!tpu.dma_semaphore, #tpu.memory_space<semaphore_mem>>) {add = true}
    %dma_wait3A_721 = arith.constant 0 : i32
    %dma_wait3A_722 = arith.constant 1 : i32
    %dma_wait3A_723 = arith.constant 1 : i32
    %dma_wait3A_724 = arith.constant 0 : i32
    %dma_wait3A_725 = arith.constant 0 : i32
    %dma_wait3A_726 = tpu.memref_slice %arg7[%dma_wait3A_723, %dma_wait3A_724, %dma_wait3A_725] : memref<8x64x128xf32, #tpu.memory_space<vmem>> -> memref<1x64x128xf32, #tpu.memory_space<vmem>>
    %dma_wait3A_727 = tpu.memref_squeeze %dma_wait3A_726 : memref<1x64x128xf32, #tpu.memory_space<vmem>> -> memref<64x128xf32, #tpu.memory_space<vmem>>
    %dma_wait3A_728 = arith.constant 64 : i32
    %dma_wait3A_729 = tpu.memref_slice %arg6[%dma_wait3A_721, %dma_wait3A_722, %dma_wait3A_728] : memref<4x5x128xi32, #tpu.memory_space<vmem>> -> memref<1x1x64xi32, #tpu.memory_space<vmem>>
    %dma_wait3A_730 = tpu.memref_squeeze %dma_wait3A_729 : memref<1x1x64xi32, #tpu.memory_space<vmem>> -> memref<64xi32, #tpu.memory_space<vmem>>
    %dma_wait3A_731 = arith.constant 0 : i32
    %dma_wait3A_732 = arith.constant 0 : i32
    %dma_wait3A_733 = tpu.memref_slice %arg3[%dma_wait3A_731, %dma_wait3A_732] : memref<100000x128xf32, #tpu.memory_space<hbm>> -> memref<100000x128xf32, #tpu.memory_space<hbm>>
    tpu.wait_indirect_dma semaphore(%arg11 : memref<!tpu.dma_semaphore, #tpu.memory_space<semaphore_mem>>) src(%dma_wait3A_733 : memref<100000x128xf32, #tpu.memory_space<hbm>>) dst(%dma_wait3A_727 : memref<64x128xf32, #tpu.memory_space<vmem>>)
    %dma_start3A_734 = arith.constant 0 : i32
    %dma_start3A_735 = arith.constant 2 : i32
    %dma_start3A_736 = arith.constant 1 : i32
    %dma_start3A_737 = arith.constant 0 : i32
    %dma_start3A_738 = arith.constant 0 : i32
    %dma_start3A_739 = tpu.memref_slice %arg7[%dma_start3A_736, %dma_start3A_737, %dma_start3A_738] : memref<8x64x128xf32, #tpu.memory_space<vmem>> -> memref<1x64x128xf32, #tpu.memory_space<vmem>>
    %dma_start3A_740 = tpu.memref_squeeze %dma_start3A_739 : memref<1x64x128xf32, #tpu.memory_space<vmem>> -> memref<64x128xf32, #tpu.memory_space<vmem>>
    %dma_start3A_741 = arith.constant 64 : i32
    %dma_start3A_742 = tpu.memref_slice %arg6[%dma_start3A_734, %dma_start3A_735, %dma_start3A_741] : memref<4x5x128xi32, #tpu.memory_space<vmem>> -> memref<1x1x64xi32, #tpu.memory_space<vmem>>
    %dma_start3A_743 = tpu.memref_squeeze %dma_start3A_742 : memref<1x1x64xi32, #tpu.memory_space<vmem>> -> memref<64xi32, #tpu.memory_space<vmem>>
    %dma_start3A_744 = arith.constant 0 : i32
    %dma_start3A_745 = arith.constant 0 : i32
    %dma_start3A_746 = tpu.memref_slice %arg3[%dma_start3A_744, %dma_start3A_745] : memref<100000x128xf32, #tpu.memory_space<hbm>> -> memref<100000x128xf32, #tpu.memory_space<hbm>>
    tpu.enqueue_indirect_dma source(%dma_start3A_746 : memref<100000x128xf32, #tpu.memory_space<hbm>>) target(%dma_start3A_740 : memref<64x128xf32, #tpu.memory_space<vmem>>) offsets(%dma_start3A_743 : memref<64xi32, #tpu.memory_space<vmem>>) semaphore(%arg11 : memref<!tpu.dma_semaphore, #tpu.memory_space<semaphore_mem>>) {add = true}
    %dma_wait3A_747 = arith.constant 1 : i32
    %dma_wait3A_748 = arith.constant 1 : i32
    %dma_wait3A_749 = arith.constant 2 : i32
    %dma_wait3A_750 = arith.constant 0 : i32
    %dma_wait3A_751 = arith.constant 0 : i32
    %dma_wait3A_752 = tpu.memref_slice %arg7[%dma_wait3A_749, %dma_wait3A_750, %dma_wait3A_751] : memref<8x64x128xf32, #tpu.memory_space<vmem>> -> memref<1x64x128xf32, #tpu.memory_space<vmem>>
    %dma_wait3A_753 = tpu.memref_squeeze %dma_wait3A_752 : memref<1x64x128xf32, #tpu.memory_space<vmem>> -> memref<64x128xf32, #tpu.memory_space<vmem>>
    %dma_wait3A_754 = arith.constant 0 : i32
    %dma_wait3A_755 = tpu.memref_slice %arg6[%dma_wait3A_747, %dma_wait3A_748, %dma_wait3A_754] : memref<4x5x128xi32, #tpu.memory_space<vmem>> -> memref<1x1x64xi32, #tpu.memory_space<vmem>>
    %dma_wait3A_756 = tpu.memref_squeeze %dma_wait3A_755 : memref<1x1x64xi32, #tpu.memory_space<vmem>> -> memref<64xi32, #tpu.memory_space<vmem>>
    %dma_wait3A_757 = arith.constant 0 : i32
    %dma_wait3A_758 = arith.constant 0 : i32
    %dma_wait3A_759 = tpu.memref_slice %arg3[%dma_wait3A_757, %dma_wait3A_758] : memref<100000x128xf32, #tpu.memory_space<hbm>> -> memref<100000x128xf32, #tpu.memory_space<hbm>>
    tpu.wait_indirect_dma semaphore(%arg12 : memref<!tpu.dma_semaphore, #tpu.memory_space<semaphore_mem>>) src(%dma_wait3A_759 : memref<100000x128xf32, #tpu.memory_space<hbm>>) dst(%dma_wait3A_753 : memref<64x128xf32, #tpu.memory_space<vmem>>)
    %dma_start3A_760 = arith.constant 1 : i32
    %dma_start3A_761 = arith.constant 2 : i32
    %dma_start3A_762 = arith.constant 2 : i32
    %dma_start3A_763 = arith.constant 0 : i32
    %dma_start3A_764 = arith.constant 0 : i32
    %dma_start3A_765 = tpu.memref_slice %arg7[%dma_start3A_762, %dma_start3A_763, %dma_start3A_764] : memref<8x64x128xf32, #tpu.memory_space<vmem>> -> memref<1x64x128xf32, #tpu.memory_space<vmem>>
    %dma_start3A_766 = tpu.memref_squeeze %dma_start3A_765 : memref<1x64x128xf32, #tpu.memory_space<vmem>> -> memref<64x128xf32, #tpu.memory_space<vmem>>
    %dma_start3A_767 = arith.constant 0 : i32
    %dma_start3A_768 = tpu.memref_slice %arg6[%dma_start3A_760, %dma_start3A_761, %dma_start3A_767] : memref<4x5x128xi32, #tpu.memory_space<vmem>> -> memref<1x1x64xi32, #tpu.memory_space<vmem>>
    %dma_start3A_769 = tpu.memref_squeeze %dma_start3A_768 : memref<1x1x64xi32, #tpu.memory_space<vmem>> -> memref<64xi32, #tpu.memory_space<vmem>>
    %dma_start3A_770 = arith.constant 0 : i32
    %dma_start3A_771 = arith.constant 0 : i32
    %dma_start3A_772 = tpu.memref_slice %arg3[%dma_start3A_770, %dma_start3A_771] : memref<100000x128xf32, #tpu.memory_space<hbm>> -> memref<100000x128xf32, #tpu.memory_space<hbm>>
    tpu.enqueue_indirect_dma source(%dma_start3A_772 : memref<100000x128xf32, #tpu.memory_space<hbm>>) target(%dma_start3A_766 : memref<64x128xf32, #tpu.memory_space<vmem>>) offsets(%dma_start3A_769 : memref<64xi32, #tpu.memory_space<vmem>>) semaphore(%arg12 : memref<!tpu.dma_semaphore, #tpu.memory_space<semaphore_mem>>) {add = true}
    %dma_wait3A_773 = arith.constant 1 : i32
    %dma_wait3A_774 = arith.constant 1 : i32
    %dma_wait3A_775 = arith.constant 3 : i32
    %dma_wait3A_776 = arith.constant 0 : i32
    %dma_wait3A_777 = arith.constant 0 : i32
    %dma_wait3A_778 = tpu.memref_slice %arg7[%dma_wait3A_775, %dma_wait3A_776, %dma_wait3A_777] : memref<8x64x128xf32, #tpu.memory_space<vmem>> -> memref<1x64x128xf32, #tpu.memory_space<vmem>>
    %dma_wait3A_779 = tpu.memref_squeeze %dma_wait3A_778 : memref<1x64x128xf32, #tpu.memory_space<vmem>> -> memref<64x128xf32, #tpu.memory_space<vmem>>
    %dma_wait3A_780 = arith.constant 64 : i32
    %dma_wait3A_781 = tpu.memref_slice %arg6[%dma_wait3A_773, %dma_wait3A_774, %dma_wait3A_780] : memref<4x5x128xi32, #tpu.memory_space<vmem>> -> memref<1x1x64xi32, #tpu.memory_space<vmem>>
    %dma_wait3A_782 = tpu.memref_squeeze %dma_wait3A_781 : memref<1x1x64xi32, #tpu.memory_space<vmem>> -> memref<64xi32, #tpu.memory_space<vmem>>
    %dma_wait3A_783 = arith.constant 0 : i32
    %dma_wait3A_784 = arith.constant 0 : i32
    %dma_wait3A_785 = tpu.memref_slice %arg3[%dma_wait3A_783, %dma_wait3A_784] : memref<100000x128xf32, #tpu.memory_space<hbm>> -> memref<100000x128xf32, #tpu.memory_space<hbm>>
    tpu.wait_indirect_dma semaphore(%arg13 : memref<!tpu.dma_semaphore, #tpu.memory_space<semaphore_mem>>) src(%dma_wait3A_785 : memref<100000x128xf32, #tpu.memory_space<hbm>>) dst(%dma_wait3A_779 : memref<64x128xf32, #tpu.memory_space<vmem>>)
    %dma_start3A_786 = arith.constant 1 : i32
    %dma_start3A_787 = arith.constant 2 : i32
    %dma_start3A_788 = arith.constant 3 : i32
    %dma_start3A_789 = arith.constant 0 : i32
    %dma_start3A_790 = arith.constant 0 : i32
    %dma_start3A_791 = tpu.memref_slice %arg7[%dma_start3A_788, %dma_start3A_789, %dma_start3A_790] : memref<8x64x128xf32, #tpu.memory_space<vmem>> -> memref<1x64x128xf32, #tpu.memory_space<vmem>>
    %dma_start3A_792 = tpu.memref_squeeze %dma_start3A_791 : memref<1x64x128xf32, #tpu.memory_space<vmem>> -> memref<64x128xf32, #tpu.memory_space<vmem>>
    %dma_start3A_793 = arith.constant 64 : i32
    %dma_start3A_794 = tpu.memref_slice %arg6[%dma_start3A_786, %dma_start3A_787, %dma_start3A_793] : memref<4x5x128xi32, #tpu.memory_space<vmem>> -> memref<1x1x64xi32, #tpu.memory_space<vmem>>
    %dma_start3A_795 = tpu.memref_squeeze %dma_start3A_794 : memref<1x1x64xi32, #tpu.memory_space<vmem>> -> memref<64xi32, #tpu.memory_space<vmem>>
    %dma_start3A_796 = arith.constant 0 : i32
    %dma_start3A_797 = arith.constant 0 : i32
    %dma_start3A_798 = tpu.memref_slice %arg3[%dma_start3A_796, %dma_start3A_797] : memref<100000x128xf32, #tpu.memory_space<hbm>> -> memref<100000x128xf32, #tpu.memory_space<hbm>>
    tpu.enqueue_indirect_dma source(%dma_start3A_798 : memref<100000x128xf32, #tpu.memory_space<hbm>>) target(%dma_start3A_792 : memref<64x128xf32, #tpu.memory_space<vmem>>) offsets(%dma_start3A_795 : memref<64xi32, #tpu.memory_space<vmem>>) semaphore(%arg13 : memref<!tpu.dma_semaphore, #tpu.memory_space<semaphore_mem>>) {add = true}
    %dma_wait3A_799 = arith.constant 2 : i32
    %dma_wait3A_800 = arith.constant 1 : i32
    %dma_wait3A_801 = arith.constant 4 : i32
    %dma_wait3A_802 = arith.constant 0 : i32
    %dma_wait3A_803 = arith.constant 0 : i32
    %dma_wait3A_804 = tpu.memref_slice %arg7[%dma_wait3A_801, %dma_wait3A_802, %dma_wait3A_803] : memref<8x64x128xf32, #tpu.memory_space<vmem>> -> memref<1x64x128xf32, #tpu.memory_space<vmem>>
    %dma_wait3A_805 = tpu.memref_squeeze %dma_wait3A_804 : memref<1x64x128xf32, #tpu.memory_space<vmem>> -> memref<64x128xf32, #tpu.memory_space<vmem>>
    %dma_wait3A_806 = arith.constant 0 : i32
    %dma_wait3A_807 = tpu.memref_slice %arg6[%dma_wait3A_799, %dma_wait3A_800, %dma_wait3A_806] : memref<4x5x128xi32, #tpu.memory_space<vmem>> -> memref<1x1x64xi32, #tpu.memory_space<vmem>>
    %dma_wait3A_808 = tpu.memref_squeeze %dma_wait3A_807 : memref<1x1x64xi32, #tpu.memory_space<vmem>> -> memref<64xi32, #tpu.memory_space<vmem>>
    %dma_wait3A_809 = arith.constant 0 : i32
    %dma_wait3A_810 = arith.constant 0 : i32
    %dma_wait3A_811 = tpu.memref_slice %arg3[%dma_wait3A_809, %dma_wait3A_810] : memref<100000x128xf32, #tpu.memory_space<hbm>> -> memref<100000x128xf32, #tpu.memory_space<hbm>>
    tpu.wait_indirect_dma semaphore(%arg14 : memref<!tpu.dma_semaphore, #tpu.memory_space<semaphore_mem>>) src(%dma_wait3A_811 : memref<100000x128xf32, #tpu.memory_space<hbm>>) dst(%dma_wait3A_805 : memref<64x128xf32, #tpu.memory_space<vmem>>)
    %dma_start3A_812 = arith.constant 2 : i32
    %dma_start3A_813 = arith.constant 2 : i32
    %dma_start3A_814 = arith.constant 4 : i32
    %dma_start3A_815 = arith.constant 0 : i32
    %dma_start3A_816 = arith.constant 0 : i32
    %dma_start3A_817 = tpu.memref_slice %arg7[%dma_start3A_814, %dma_start3A_815, %dma_start3A_816] : memref<8x64x128xf32, #tpu.memory_space<vmem>> -> memref<1x64x128xf32, #tpu.memory_space<vmem>>
    %dma_start3A_818 = tpu.memref_squeeze %dma_start3A_817 : memref<1x64x128xf32, #tpu.memory_space<vmem>> -> memref<64x128xf32, #tpu.memory_space<vmem>>
    %dma_start3A_819 = arith.constant 0 : i32
    %dma_start3A_820 = tpu.memref_slice %arg6[%dma_start3A_812, %dma_start3A_813, %dma_start3A_819] : memref<4x5x128xi32, #tpu.memory_space<vmem>> -> memref<1x1x64xi32, #tpu.memory_space<vmem>>
    %dma_start3A_821 = tpu.memref_squeeze %dma_start3A_820 : memref<1x1x64xi32, #tpu.memory_space<vmem>> -> memref<64xi32, #tpu.memory_space<vmem>>
    %dma_start3A_822 = arith.constant 0 : i32
    %dma_start3A_823 = arith.constant 0 : i32
    %dma_start3A_824 = tpu.memref_slice %arg3[%dma_start3A_822, %dma_start3A_823] : memref<100000x128xf32, #tpu.memory_space<hbm>> -> memref<100000x128xf32, #tpu.memory_space<hbm>>
    tpu.enqueue_indirect_dma source(%dma_start3A_824 : memref<100000x128xf32, #tpu.memory_space<hbm>>) target(%dma_start3A_818 : memref<64x128xf32, #tpu.memory_space<vmem>>) offsets(%dma_start3A_821 : memref<64xi32, #tpu.memory_space<vmem>>) semaphore(%arg14 : memref<!tpu.dma_semaphore, #tpu.memory_space<semaphore_mem>>) {add = true}
    %dma_wait3A_825 = arith.constant 2 : i32
    %dma_wait3A_826 = arith.constant 1 : i32
    %dma_wait3A_827 = arith.constant 5 : i32
    %dma_wait3A_828 = arith.constant 0 : i32
    %dma_wait3A_829 = arith.constant 0 : i32
    %dma_wait3A_830 = tpu.memref_slice %arg7[%dma_wait3A_827, %dma_wait3A_828, %dma_wait3A_829] : memref<8x64x128xf32, #tpu.memory_space<vmem>> -> memref<1x64x128xf32, #tpu.memory_space<vmem>>
    %dma_wait3A_831 = tpu.memref_squeeze %dma_wait3A_830 : memref<1x64x128xf32, #tpu.memory_space<vmem>> -> memref<64x128xf32, #tpu.memory_space<vmem>>
    %dma_wait3A_832 = arith.constant 64 : i32
    %dma_wait3A_833 = tpu.memref_slice %arg6[%dma_wait3A_825, %dma_wait3A_826, %dma_wait3A_832] : memref<4x5x128xi32, #tpu.memory_space<vmem>> -> memref<1x1x64xi32, #tpu.memory_space<vmem>>
    %dma_wait3A_834 = tpu.memref_squeeze %dma_wait3A_833 : memref<1x1x64xi32, #tpu.memory_space<vmem>> -> memref<64xi32, #tpu.memory_space<vmem>>
    %dma_wait3A_835 = arith.constant 0 : i32
    %dma_wait3A_836 = arith.constant 0 : i32
    %dma_wait3A_837 = tpu.memref_slice %arg3[%dma_wait3A_835, %dma_wait3A_836] : memref<100000x128xf32, #tpu.memory_space<hbm>> -> memref<100000x128xf32, #tpu.memory_space<hbm>>
    tpu.wait_indirect_dma semaphore(%arg15 : memref<!tpu.dma_semaphore, #tpu.memory_space<semaphore_mem>>) src(%dma_wait3A_837 : memref<100000x128xf32, #tpu.memory_space<hbm>>) dst(%dma_wait3A_831 : memref<64x128xf32, #tpu.memory_space<vmem>>)
    %dma_start3A_838 = arith.constant 2 : i32
    %dma_start3A_839 = arith.constant 2 : i32
    %dma_start3A_840 = arith.constant 5 : i32
    %dma_start3A_841 = arith.constant 0 : i32
    %dma_start3A_842 = arith.constant 0 : i32
    %dma_start3A_843 = tpu.memref_slice %arg7[%dma_start3A_840, %dma_start3A_841, %dma_start3A_842] : memref<8x64x128xf32, #tpu.memory_space<vmem>> -> memref<1x64x128xf32, #tpu.memory_space<vmem>>
    %dma_start3A_844 = tpu.memref_squeeze %dma_start3A_843 : memref<1x64x128xf32, #tpu.memory_space<vmem>> -> memref<64x128xf32, #tpu.memory_space<vmem>>
    %dma_start3A_845 = arith.constant 64 : i32
    %dma_start3A_846 = tpu.memref_slice %arg6[%dma_start3A_838, %dma_start3A_839, %dma_start3A_845] : memref<4x5x128xi32, #tpu.memory_space<vmem>> -> memref<1x1x64xi32, #tpu.memory_space<vmem>>
    %dma_start3A_847 = tpu.memref_squeeze %dma_start3A_846 : memref<1x1x64xi32, #tpu.memory_space<vmem>> -> memref<64xi32, #tpu.memory_space<vmem>>
    %dma_start3A_848 = arith.constant 0 : i32
    %dma_start3A_849 = arith.constant 0 : i32
    %dma_start3A_850 = tpu.memref_slice %arg3[%dma_start3A_848, %dma_start3A_849] : memref<100000x128xf32, #tpu.memory_space<hbm>> -> memref<100000x128xf32, #tpu.memory_space<hbm>>
    tpu.enqueue_indirect_dma source(%dma_start3A_850 : memref<100000x128xf32, #tpu.memory_space<hbm>>) target(%dma_start3A_844 : memref<64x128xf32, #tpu.memory_space<vmem>>) offsets(%dma_start3A_847 : memref<64xi32, #tpu.memory_space<vmem>>) semaphore(%arg15 : memref<!tpu.dma_semaphore, #tpu.memory_space<semaphore_mem>>) {add = true}
    %dma_wait3A_851 = arith.constant 3 : i32
    %dma_wait3A_852 = arith.constant 1 : i32
    %dma_wait3A_853 = arith.constant 6 : i32
    %dma_wait3A_854 = arith.constant 0 : i32
    %dma_wait3A_855 = arith.constant 0 : i32
    %dma_wait3A_856 = tpu.memref_slice %arg7[%dma_wait3A_853, %dma_wait3A_854, %dma_wait3A_855] : memref<8x64x128xf32, #tpu.memory_space<vmem>> -> memref<1x64x128xf32, #tpu.memory_space<vmem>>
    %dma_wait3A_857 = tpu.memref_squeeze %dma_wait3A_856 : memref<1x64x128xf32, #tpu.memory_space<vmem>> -> memref<64x128xf32, #tpu.memory_space<vmem>>
    %dma_wait3A_858 = arith.constant 0 : i32
    %dma_wait3A_859 = tpu.memref_slice %arg6[%dma_wait3A_851, %dma_wait3A_852, %dma_wait3A_858] : memref<4x5x128xi32, #tpu.memory_space<vmem>> -> memref<1x1x64xi32, #tpu.memory_space<vmem>>
    %dma_wait3A_860 = tpu.memref_squeeze %dma_wait3A_859 : memref<1x1x64xi32, #tpu.memory_space<vmem>> -> memref<64xi32, #tpu.memory_space<vmem>>
    %dma_wait3A_861 = arith.constant 0 : i32
    %dma_wait3A_862 = arith.constant 0 : i32
    %dma_wait3A_863 = tpu.memref_slice %arg3[%dma_wait3A_861, %dma_wait3A_862] : memref<100000x128xf32, #tpu.memory_space<hbm>> -> memref<100000x128xf32, #tpu.memory_space<hbm>>
    tpu.wait_indirect_dma semaphore(%arg16 : memref<!tpu.dma_semaphore, #tpu.memory_space<semaphore_mem>>) src(%dma_wait3A_863 : memref<100000x128xf32, #tpu.memory_space<hbm>>) dst(%dma_wait3A_857 : memref<64x128xf32, #tpu.memory_space<vmem>>)
    %dma_start3A_864 = arith.constant 3 : i32
    %dma_start3A_865 = arith.constant 2 : i32
    %dma_start3A_866 = arith.constant 6 : i32
    %dma_start3A_867 = arith.constant 0 : i32
    %dma_start3A_868 = arith.constant 0 : i32
    %dma_start3A_869 = tpu.memref_slice %arg7[%dma_start3A_866, %dma_start3A_867, %dma_start3A_868] : memref<8x64x128xf32, #tpu.memory_space<vmem>> -> memref<1x64x128xf32, #tpu.memory_space<vmem>>
    %dma_start3A_870 = tpu.memref_squeeze %dma_start3A_869 : memref<1x64x128xf32, #tpu.memory_space<vmem>> -> memref<64x128xf32, #tpu.memory_space<vmem>>
    %dma_start3A_871 = arith.constant 0 : i32
    %dma_start3A_872 = tpu.memref_slice %arg6[%dma_start3A_864, %dma_start3A_865, %dma_start3A_871] : memref<4x5x128xi32, #tpu.memory_space<vmem>> -> memref<1x1x64xi32, #tpu.memory_space<vmem>>
    %dma_start3A_873 = tpu.memref_squeeze %dma_start3A_872 : memref<1x1x64xi32, #tpu.memory_space<vmem>> -> memref<64xi32, #tpu.memory_space<vmem>>
    %dma_start3A_874 = arith.constant 0 : i32
    %dma_start3A_875 = arith.constant 0 : i32
    %dma_start3A_876 = tpu.memref_slice %arg3[%dma_start3A_874, %dma_start3A_875] : memref<100000x128xf32, #tpu.memory_space<hbm>> -> memref<100000x128xf32, #tpu.memory_space<hbm>>
    tpu.enqueue_indirect_dma source(%dma_start3A_876 : memref<100000x128xf32, #tpu.memory_space<hbm>>) target(%dma_start3A_870 : memref<64x128xf32, #tpu.memory_space<vmem>>) offsets(%dma_start3A_873 : memref<64xi32, #tpu.memory_space<vmem>>) semaphore(%arg16 : memref<!tpu.dma_semaphore, #tpu.memory_space<semaphore_mem>>) {add = true}
    %dma_wait3A_877 = arith.constant 3 : i32
    %dma_wait3A_878 = arith.constant 1 : i32
    %dma_wait3A_879 = arith.constant 7 : i32
    %dma_wait3A_880 = arith.constant 0 : i32
    %dma_wait3A_881 = arith.constant 0 : i32
    %dma_wait3A_882 = tpu.memref_slice %arg7[%dma_wait3A_879, %dma_wait3A_880, %dma_wait3A_881] : memref<8x64x128xf32, #tpu.memory_space<vmem>> -> memref<1x64x128xf32, #tpu.memory_space<vmem>>
    %dma_wait3A_883 = tpu.memref_squeeze %dma_wait3A_882 : memref<1x64x128xf32, #tpu.memory_space<vmem>> -> memref<64x128xf32, #tpu.memory_space<vmem>>
    %dma_wait3A_884 = arith.constant 64 : i32
    %dma_wait3A_885 = tpu.memref_slice %arg6[%dma_wait3A_877, %dma_wait3A_878, %dma_wait3A_884] : memref<4x5x128xi32, #tpu.memory_space<vmem>> -> memref<1x1x64xi32, #tpu.memory_space<vmem>>
    %dma_wait3A_886 = tpu.memref_squeeze %dma_wait3A_885 : memref<1x1x64xi32, #tpu.memory_space<vmem>> -> memref<64xi32, #tpu.memory_space<vmem>>
    %dma_wait3A_887 = arith.constant 0 : i32
    %dma_wait3A_888 = arith.constant 0 : i32
    %dma_wait3A_889 = tpu.memref_slice %arg3[%dma_wait3A_887, %dma_wait3A_888] : memref<100000x128xf32, #tpu.memory_space<hbm>> -> memref<100000x128xf32, #tpu.memory_space<hbm>>
    tpu.wait_indirect_dma semaphore(%arg17 : memref<!tpu.dma_semaphore, #tpu.memory_space<semaphore_mem>>) src(%dma_wait3A_889 : memref<100000x128xf32, #tpu.memory_space<hbm>>) dst(%dma_wait3A_883 : memref<64x128xf32, #tpu.memory_space<vmem>>)
    %dma_start3A_890 = arith.constant 3 : i32
    %dma_start3A_891 = arith.constant 2 : i32
    %dma_start3A_892 = arith.constant 7 : i32
    %dma_start3A_893 = arith.constant 0 : i32
    %dma_start3A_894 = arith.constant 0 : i32
    %dma_start3A_895 = tpu.memref_slice %arg7[%dma_start3A_892, %dma_start3A_893, %dma_start3A_894] : memref<8x64x128xf32, #tpu.memory_space<vmem>> -> memref<1x64x128xf32, #tpu.memory_space<vmem>>
    %dma_start3A_896 = tpu.memref_squeeze %dma_start3A_895 : memref<1x64x128xf32, #tpu.memory_space<vmem>> -> memref<64x128xf32, #tpu.memory_space<vmem>>
    %dma_start3A_897 = arith.constant 64 : i32
    %dma_start3A_898 = tpu.memref_slice %arg6[%dma_start3A_890, %dma_start3A_891, %dma_start3A_897] : memref<4x5x128xi32, #tpu.memory_space<vmem>> -> memref<1x1x64xi32, #tpu.memory_space<vmem>>
    %dma_start3A_899 = tpu.memref_squeeze %dma_start3A_898 : memref<1x1x64xi32, #tpu.memory_space<vmem>> -> memref<64xi32, #tpu.memory_space<vmem>>
    %dma_start3A_900 = arith.constant 0 : i32
    %dma_start3A_901 = arith.constant 0 : i32
    %dma_start3A_902 = tpu.memref_slice %arg3[%dma_start3A_900, %dma_start3A_901] : memref<100000x128xf32, #tpu.memory_space<hbm>> -> memref<100000x128xf32, #tpu.memory_space<hbm>>
    tpu.enqueue_indirect_dma source(%dma_start3A_902 : memref<100000x128xf32, #tpu.memory_space<hbm>>) target(%dma_start3A_896 : memref<64x128xf32, #tpu.memory_space<vmem>>) offsets(%dma_start3A_899 : memref<64xi32, #tpu.memory_space<vmem>>) semaphore(%arg17 : memref<!tpu.dma_semaphore, #tpu.memory_space<semaphore_mem>>) {add = true}
    %dma_wait3A_903 = arith.constant 0 : i32
    %dma_wait3A_904 = arith.constant 2 : i32
    %dma_wait3A_905 = arith.constant 0 : i32
    %dma_wait3A_906 = arith.constant 0 : i32
    %dma_wait3A_907 = arith.constant 0 : i32
    %dma_wait3A_908 = tpu.memref_slice %arg7[%dma_wait3A_905, %dma_wait3A_906, %dma_wait3A_907] : memref<8x64x128xf32, #tpu.memory_space<vmem>> -> memref<1x64x128xf32, #tpu.memory_space<vmem>>
    %dma_wait3A_909 = tpu.memref_squeeze %dma_wait3A_908 : memref<1x64x128xf32, #tpu.memory_space<vmem>> -> memref<64x128xf32, #tpu.memory_space<vmem>>
    %dma_wait3A_910 = arith.constant 0 : i32
    %dma_wait3A_911 = tpu.memref_slice %arg6[%dma_wait3A_903, %dma_wait3A_904, %dma_wait3A_910] : memref<4x5x128xi32, #tpu.memory_space<vmem>> -> memref<1x1x64xi32, #tpu.memory_space<vmem>>
    %dma_wait3A_912 = tpu.memref_squeeze %dma_wait3A_911 : memref<1x1x64xi32, #tpu.memory_space<vmem>> -> memref<64xi32, #tpu.memory_space<vmem>>
    %dma_wait3A_913 = arith.constant 0 : i32
    %dma_wait3A_914 = arith.constant 0 : i32
    %dma_wait3A_915 = tpu.memref_slice %arg3[%dma_wait3A_913, %dma_wait3A_914] : memref<100000x128xf32, #tpu.memory_space<hbm>> -> memref<100000x128xf32, #tpu.memory_space<hbm>>
    tpu.wait_indirect_dma semaphore(%arg10 : memref<!tpu.dma_semaphore, #tpu.memory_space<semaphore_mem>>) src(%dma_wait3A_915 : memref<100000x128xf32, #tpu.memory_space<hbm>>) dst(%dma_wait3A_909 : memref<64x128xf32, #tpu.memory_space<vmem>>)
    %dma_start3A_916 = arith.constant 0 : i32
    %dma_start3A_917 = arith.constant 3 : i32
    %dma_start3A_918 = arith.constant 0 : i32
    %dma_start3A_919 = arith.constant 0 : i32
    %dma_start3A_920 = arith.constant 0 : i32
    %dma_start3A_921 = tpu.memref_slice %arg7[%dma_start3A_918, %dma_start3A_919, %dma_start3A_920] : memref<8x64x128xf32, #tpu.memory_space<vmem>> -> memref<1x64x128xf32, #tpu.memory_space<vmem>>
    %dma_start3A_922 = tpu.memref_squeeze %dma_start3A_921 : memref<1x64x128xf32, #tpu.memory_space<vmem>> -> memref<64x128xf32, #tpu.memory_space<vmem>>
    %dma_start3A_923 = arith.constant 0 : i32
    %dma_start3A_924 = tpu.memref_slice %arg6[%dma_start3A_916, %dma_start3A_917, %dma_start3A_923] : memref<4x5x128xi32, #tpu.memory_space<vmem>> -> memref<1x1x64xi32, #tpu.memory_space<vmem>>
    %dma_start3A_925 = tpu.memref_squeeze %dma_start3A_924 : memref<1x1x64xi32, #tpu.memory_space<vmem>> -> memref<64xi32, #tpu.memory_space<vmem>>
    %dma_start3A_926 = arith.constant 0 : i32
    %dma_start3A_927 = arith.constant 0 : i32
    %dma_start3A_928 = tpu.memref_slice %arg3[%dma_start3A_926, %dma_start3A_927] : memref<100000x128xf32, #tpu.memory_space<hbm>> -> memref<100000x128xf32, #tpu.memory_space<hbm>>
    tpu.enqueue_indirect_dma source(%dma_start3A_928 : memref<100000x128xf32, #tpu.memory_space<hbm>>) target(%dma_start3A_922 : memref<64x128xf32, #tpu.memory_space<vmem>>) offsets(%dma_start3A_925 : memref<64xi32, #tpu.memory_space<vmem>>) semaphore(%arg10 : memref<!tpu.dma_semaphore, #tpu.memory_space<semaphore_mem>>) {add = true}
    %dma_wait3A_929 = arith.constant 0 : i32
    %dma_wait3A_930 = arith.constant 2 : i32
    %dma_wait3A_931 = arith.constant 1 : i32
    %dma_wait3A_932 = arith.constant 0 : i32
    %dma_wait3A_933 = arith.constant 0 : i32
    %dma_wait3A_934 = tpu.memref_slice %arg7[%dma_wait3A_931, %dma_wait3A_932, %dma_wait3A_933] : memref<8x64x128xf32, #tpu.memory_space<vmem>> -> memref<1x64x128xf32, #tpu.memory_space<vmem>>
    %dma_wait3A_935 = tpu.memref_squeeze %dma_wait3A_934 : memref<1x64x128xf32, #tpu.memory_space<vmem>> -> memref<64x128xf32, #tpu.memory_space<vmem>>
    %dma_wait3A_936 = arith.constant 64 : i32
    %dma_wait3A_937 = tpu.memref_slice %arg6[%dma_wait3A_929, %dma_wait3A_930, %dma_wait3A_936] : memref<4x5x128xi32, #tpu.memory_space<vmem>> -> memref<1x1x64xi32, #tpu.memory_space<vmem>>
    %dma_wait3A_938 = tpu.memref_squeeze %dma_wait3A_937 : memref<1x1x64xi32, #tpu.memory_space<vmem>> -> memref<64xi32, #tpu.memory_space<vmem>>
    %dma_wait3A_939 = arith.constant 0 : i32
    %dma_wait3A_940 = arith.constant 0 : i32
    %dma_wait3A_941 = tpu.memref_slice %arg3[%dma_wait3A_939, %dma_wait3A_940] : memref<100000x128xf32, #tpu.memory_space<hbm>> -> memref<100000x128xf32, #tpu.memory_space<hbm>>
    tpu.wait_indirect_dma semaphore(%arg11 : memref<!tpu.dma_semaphore, #tpu.memory_space<semaphore_mem>>) src(%dma_wait3A_941 : memref<100000x128xf32, #tpu.memory_space<hbm>>) dst(%dma_wait3A_935 : memref<64x128xf32, #tpu.memory_space<vmem>>)
    %dma_start3A_942 = arith.constant 0 : i32
    %dma_start3A_943 = arith.constant 3 : i32
    %dma_start3A_944 = arith.constant 1 : i32
    %dma_start3A_945 = arith.constant 0 : i32
    %dma_start3A_946 = arith.constant 0 : i32
    %dma_start3A_947 = tpu.memref_slice %arg7[%dma_start3A_944, %dma_start3A_945, %dma_start3A_946] : memref<8x64x128xf32, #tpu.memory_space<vmem>> -> memref<1x64x128xf32, #tpu.memory_space<vmem>>
    %dma_start3A_948 = tpu.memref_squeeze %dma_start3A_947 : memref<1x64x128xf32, #tpu.memory_space<vmem>> -> memref<64x128xf32, #tpu.memory_space<vmem>>
    %dma_start3A_949 = arith.constant 64 : i32
    %dma_start3A_950 = tpu.memref_slice %arg6[%dma_start3A_942, %dma_start3A_943, %dma_start3A_949] : memref<4x5x128xi32, #tpu.memory_space<vmem>> -> memref<1x1x64xi32, #tpu.memory_space<vmem>>
    %dma_start3A_951 = tpu.memref_squeeze %dma_start3A_950 : memref<1x1x64xi32, #tpu.memory_space<vmem>> -> memref<64xi32, #tpu.memory_space<vmem>>
    %dma_start3A_952 = arith.constant 0 : i32
    %dma_start3A_953 = arith.constant 0 : i32
    %dma_start3A_954 = tpu.memref_slice %arg3[%dma_start3A_952, %dma_start3A_953] : memref<100000x128xf32, #tpu.memory_space<hbm>> -> memref<100000x128xf32, #tpu.memory_space<hbm>>
    tpu.enqueue_indirect_dma source(%dma_start3A_954 : memref<100000x128xf32, #tpu.memory_space<hbm>>) target(%dma_start3A_948 : memref<64x128xf32, #tpu.memory_space<vmem>>) offsets(%dma_start3A_951 : memref<64xi32, #tpu.memory_space<vmem>>) semaphore(%arg11 : memref<!tpu.dma_semaphore, #tpu.memory_space<semaphore_mem>>) {add = true}
    %dma_wait3A_955 = arith.constant 1 : i32
    %dma_wait3A_956 = arith.constant 2 : i32
    %dma_wait3A_957 = arith.constant 2 : i32
    %dma_wait3A_958 = arith.constant 0 : i32
    %dma_wait3A_959 = arith.constant 0 : i32
    %dma_wait3A_960 = tpu.memref_slice %arg7[%dma_wait3A_957, %dma_wait3A_958, %dma_wait3A_959] : memref<8x64x128xf32, #tpu.memory_space<vmem>> -> memref<1x64x128xf32, #tpu.memory_space<vmem>>
    %dma_wait3A_961 = tpu.memref_squeeze %dma_wait3A_960 : memref<1x64x128xf32, #tpu.memory_space<vmem>> -> memref<64x128xf32, #tpu.memory_space<vmem>>
    %dma_wait3A_962 = arith.constant 0 : i32
    %dma_wait3A_963 = tpu.memref_slice %arg6[%dma_wait3A_955, %dma_wait3A_956, %dma_wait3A_962] : memref<4x5x128xi32, #tpu.memory_space<vmem>> -> memref<1x1x64xi32, #tpu.memory_space<vmem>>
    %dma_wait3A_964 = tpu.memref_squeeze %dma_wait3A_963 : memref<1x1x64xi32, #tpu.memory_space<vmem>> -> memref<64xi32, #tpu.memory_space<vmem>>
    %dma_wait3A_965 = arith.constant 0 : i32
    %dma_wait3A_966 = arith.constant 0 : i32
    %dma_wait3A_967 = tpu.memref_slice %arg3[%dma_wait3A_965, %dma_wait3A_966] : memref<100000x128xf32, #tpu.memory_space<hbm>> -> memref<100000x128xf32, #tpu.memory_space<hbm>>
    tpu.wait_indirect_dma semaphore(%arg12 : memref<!tpu.dma_semaphore, #tpu.memory_space<semaphore_mem>>) src(%dma_wait3A_967 : memref<100000x128xf32, #tpu.memory_space<hbm>>) dst(%dma_wait3A_961 : memref<64x128xf32, #tpu.memory_space<vmem>>)
    %dma_start3A_968 = arith.constant 1 : i32
    %dma_start3A_969 = arith.constant 3 : i32
    %dma_start3A_970 = arith.constant 2 : i32
    %dma_start3A_971 = arith.constant 0 : i32
    %dma_start3A_972 = arith.constant 0 : i32
    %dma_start3A_973 = tpu.memref_slice %arg7[%dma_start3A_970, %dma_start3A_971, %dma_start3A_972] : memref<8x64x128xf32, #tpu.memory_space<vmem>> -> memref<1x64x128xf32, #tpu.memory_space<vmem>>
    %dma_start3A_974 = tpu.memref_squeeze %dma_start3A_973 : memref<1x64x128xf32, #tpu.memory_space<vmem>> -> memref<64x128xf32, #tpu.memory_space<vmem>>
    %dma_start3A_975 = arith.constant 0 : i32
    %dma_start3A_976 = tpu.memref_slice %arg6[%dma_start3A_968, %dma_start3A_969, %dma_start3A_975] : memref<4x5x128xi32, #tpu.memory_space<vmem>> -> memref<1x1x64xi32, #tpu.memory_space<vmem>>
    %dma_start3A_977 = tpu.memref_squeeze %dma_start3A_976 : memref<1x1x64xi32, #tpu.memory_space<vmem>> -> memref<64xi32, #tpu.memory_space<vmem>>
    %dma_start3A_978 = arith.constant 0 : i32
    %dma_start3A_979 = arith.constant 0 : i32
    %dma_start3A_980 = tpu.memref_slice %arg3[%dma_start3A_978, %dma_start3A_979] : memref<100000x128xf32, #tpu.memory_space<hbm>> -> memref<100000x128xf32, #tpu.memory_space<hbm>>
    tpu.enqueue_indirect_dma source(%dma_start3A_980 : memref<100000x128xf32, #tpu.memory_space<hbm>>) target(%dma_start3A_974 : memref<64x128xf32, #tpu.memory_space<vmem>>) offsets(%dma_start3A_977 : memref<64xi32, #tpu.memory_space<vmem>>) semaphore(%arg12 : memref<!tpu.dma_semaphore, #tpu.memory_space<semaphore_mem>>) {add = true}
    %dma_wait3A_981 = arith.constant 1 : i32
    %dma_wait3A_982 = arith.constant 2 : i32
    %dma_wait3A_983 = arith.constant 3 : i32
    %dma_wait3A_984 = arith.constant 0 : i32
    %dma_wait3A_985 = arith.constant 0 : i32
    %dma_wait3A_986 = tpu.memref_slice %arg7[%dma_wait3A_983, %dma_wait3A_984, %dma_wait3A_985] : memref<8x64x128xf32, #tpu.memory_space<vmem>> -> memref<1x64x128xf32, #tpu.memory_space<vmem>>
    %dma_wait3A_987 = tpu.memref_squeeze %dma_wait3A_986 : memref<1x64x128xf32, #tpu.memory_space<vmem>> -> memref<64x128xf32, #tpu.memory_space<vmem>>
    %dma_wait3A_988 = arith.constant 64 : i32
    %dma_wait3A_989 = tpu.memref_slice %arg6[%dma_wait3A_981, %dma_wait3A_982, %dma_wait3A_988] : memref<4x5x128xi32, #tpu.memory_space<vmem>> -> memref<1x1x64xi32, #tpu.memory_space<vmem>>
    %dma_wait3A_990 = tpu.memref_squeeze %dma_wait3A_989 : memref<1x1x64xi32, #tpu.memory_space<vmem>> -> memref<64xi32, #tpu.memory_space<vmem>>
    %dma_wait3A_991 = arith.constant 0 : i32
    %dma_wait3A_992 = arith.constant 0 : i32
    %dma_wait3A_993 = tpu.memref_slice %arg3[%dma_wait3A_991, %dma_wait3A_992] : memref<100000x128xf32, #tpu.memory_space<hbm>> -> memref<100000x128xf32, #tpu.memory_space<hbm>>
    tpu.wait_indirect_dma semaphore(%arg13 : memref<!tpu.dma_semaphore, #tpu.memory_space<semaphore_mem>>) src(%dma_wait3A_993 : memref<100000x128xf32, #tpu.memory_space<hbm>>) dst(%dma_wait3A_987 : memref<64x128xf32, #tpu.memory_space<vmem>>)
    %dma_start3A_994 = arith.constant 1 : i32
    %dma_start3A_995 = arith.constant 3 : i32
    %dma_start3A_996 = arith.constant 3 : i32
    %dma_start3A_997 = arith.constant 0 : i32
    %dma_start3A_998 = arith.constant 0 : i32
    %dma_start3A_999 = tpu.memref_slice %arg7[%dma_start3A_996, %dma_start3A_997, %dma_start3A_998] : memref<8x64x128xf32, #tpu.memory_space<vmem>> -> memref<1x64x128xf32, #tpu.memory_space<vmem>>
    %dma_start3A_1000 = tpu.memref_squeeze %dma_start3A_999 : memref<1x64x128xf32, #tpu.memory_space<vmem>> -> memref<64x128xf32, #tpu.memory_space<vmem>>
    %dma_start3A_1001 = arith.constant 64 : i32
    %dma_start3A_1002 = tpu.memref_slice %arg6[%dma_start3A_994, %dma_start3A_995, %dma_start3A_1001] : memref<4x5x128xi32, #tpu.memory_space<vmem>> -> memref<1x1x64xi32, #tpu.memory_space<vmem>>
    %dma_start3A_1003 = tpu.memref_squeeze %dma_start3A_1002 : memref<1x1x64xi32, #tpu.memory_space<vmem>> -> memref<64xi32, #tpu.memory_space<vmem>>
    %dma_start3A_1004 = arith.constant 0 : i32
    %dma_start3A_1005 = arith.constant 0 : i32
    %dma_start3A_1006 = tpu.memref_slice %arg3[%dma_start3A_1004, %dma_start3A_1005] : memref<100000x128xf32, #tpu.memory_space<hbm>> -> memref<100000x128xf32, #tpu.memory_space<hbm>>
    tpu.enqueue_indirect_dma source(%dma_start3A_1006 : memref<100000x128xf32, #tpu.memory_space<hbm>>) target(%dma_start3A_1000 : memref<64x128xf32, #tpu.memory_space<vmem>>) offsets(%dma_start3A_1003 : memref<64xi32, #tpu.memory_space<vmem>>) semaphore(%arg13 : memref<!tpu.dma_semaphore, #tpu.memory_space<semaphore_mem>>) {add = true}
    %dma_wait3A_1007 = arith.constant 2 : i32
    %dma_wait3A_1008 = arith.constant 2 : i32
    %dma_wait3A_1009 = arith.constant 4 : i32
    %dma_wait3A_1010 = arith.constant 0 : i32
    %dma_wait3A_1011 = arith.constant 0 : i32
    %dma_wait3A_1012 = tpu.memref_slice %arg7[%dma_wait3A_1009, %dma_wait3A_1010, %dma_wait3A_1011] : memref<8x64x128xf32, #tpu.memory_space<vmem>> -> memref<1x64x128xf32, #tpu.memory_space<vmem>>
    %dma_wait3A_1013 = tpu.memref_squeeze %dma_wait3A_1012 : memref<1x64x128xf32, #tpu.memory_space<vmem>> -> memref<64x128xf32, #tpu.memory_space<vmem>>
    %dma_wait3A_1014 = arith.constant 0 : i32
    %dma_wait3A_1015 = tpu.memref_slice %arg6[%dma_wait3A_1007, %dma_wait3A_1008, %dma_wait3A_1014] : memref<4x5x128xi32, #tpu.memory_space<vmem>> -> memref<1x1x64xi32, #tpu.memory_space<vmem>>
    %dma_wait3A_1016 = tpu.memref_squeeze %dma_wait3A_1015 : memref<1x1x64xi32, #tpu.memory_space<vmem>> -> memref<64xi32, #tpu.memory_space<vmem>>
    %dma_wait3A_1017 = arith.constant 0 : i32
    %dma_wait3A_1018 = arith.constant 0 : i32
    %dma_wait3A_1019 = tpu.memref_slice %arg3[%dma_wait3A_1017, %dma_wait3A_1018] : memref<100000x128xf32, #tpu.memory_space<hbm>> -> memref<100000x128xf32, #tpu.memory_space<hbm>>
    tpu.wait_indirect_dma semaphore(%arg14 : memref<!tpu.dma_semaphore, #tpu.memory_space<semaphore_mem>>) src(%dma_wait3A_1019 : memref<100000x128xf32, #tpu.memory_space<hbm>>) dst(%dma_wait3A_1013 : memref<64x128xf32, #tpu.memory_space<vmem>>)
    %dma_start3A_1020 = arith.constant 2 : i32
    %dma_start3A_1021 = arith.constant 3 : i32
    %dma_start3A_1022 = arith.constant 4 : i32
    %dma_start3A_1023 = arith.constant 0 : i32
    %dma_start3A_1024 = arith.constant 0 : i32
    %dma_start3A_1025 = tpu.memref_slice %arg7[%dma_start3A_1022, %dma_start3A_1023, %dma_start3A_1024] : memref<8x64x128xf32, #tpu.memory_space<vmem>> -> memref<1x64x128xf32, #tpu.memory_space<vmem>>
    %dma_start3A_1026 = tpu.memref_squeeze %dma_start3A_1025 : memref<1x64x128xf32, #tpu.memory_space<vmem>> -> memref<64x128xf32, #tpu.memory_space<vmem>>
    %dma_start3A_1027 = arith.constant 0 : i32
    %dma_start3A_1028 = tpu.memref_slice %arg6[%dma_start3A_1020, %dma_start3A_1021, %dma_start3A_1027] : memref<4x5x128xi32, #tpu.memory_space<vmem>> -> memref<1x1x64xi32, #tpu.memory_space<vmem>>
    %dma_start3A_1029 = tpu.memref_squeeze %dma_start3A_1028 : memref<1x1x64xi32, #tpu.memory_space<vmem>> -> memref<64xi32, #tpu.memory_space<vmem>>
    %dma_start3A_1030 = arith.constant 0 : i32
    %dma_start3A_1031 = arith.constant 0 : i32
    %dma_start3A_1032 = tpu.memref_slice %arg3[%dma_start3A_1030, %dma_start3A_1031] : memref<100000x128xf32, #tpu.memory_space<hbm>> -> memref<100000x128xf32, #tpu.memory_space<hbm>>
    tpu.enqueue_indirect_dma source(%dma_start3A_1032 : memref<100000x128xf32, #tpu.memory_space<hbm>>) target(%dma_start3A_1026 : memref<64x128xf32, #tpu.memory_space<vmem>>) offsets(%dma_start3A_1029 : memref<64xi32, #tpu.memory_space<vmem>>) semaphore(%arg14 : memref<!tpu.dma_semaphore, #tpu.memory_space<semaphore_mem>>) {add = true}
    %dma_wait3A_1033 = arith.constant 2 : i32
    %dma_wait3A_1034 = arith.constant 2 : i32
    %dma_wait3A_1035 = arith.constant 5 : i32
    %dma_wait3A_1036 = arith.constant 0 : i32
    %dma_wait3A_1037 = arith.constant 0 : i32
    %dma_wait3A_1038 = tpu.memref_slice %arg7[%dma_wait3A_1035, %dma_wait3A_1036, %dma_wait3A_1037] : memref<8x64x128xf32, #tpu.memory_space<vmem>> -> memref<1x64x128xf32, #tpu.memory_space<vmem>>
    %dma_wait3A_1039 = tpu.memref_squeeze %dma_wait3A_1038 : memref<1x64x128xf32, #tpu.memory_space<vmem>> -> memref<64x128xf32, #tpu.memory_space<vmem>>
    %dma_wait3A_1040 = arith.constant 64 : i32
    %dma_wait3A_1041 = tpu.memref_slice %arg6[%dma_wait3A_1033, %dma_wait3A_1034, %dma_wait3A_1040] : memref<4x5x128xi32, #tpu.memory_space<vmem>> -> memref<1x1x64xi32, #tpu.memory_space<vmem>>
    %dma_wait3A_1042 = tpu.memref_squeeze %dma_wait3A_1041 : memref<1x1x64xi32, #tpu.memory_space<vmem>> -> memref<64xi32, #tpu.memory_space<vmem>>
    %dma_wait3A_1043 = arith.constant 0 : i32
    %dma_wait3A_1044 = arith.constant 0 : i32
    %dma_wait3A_1045 = tpu.memref_slice %arg3[%dma_wait3A_1043, %dma_wait3A_1044] : memref<100000x128xf32, #tpu.memory_space<hbm>> -> memref<100000x128xf32, #tpu.memory_space<hbm>>
    tpu.wait_indirect_dma semaphore(%arg15 : memref<!tpu.dma_semaphore, #tpu.memory_space<semaphore_mem>>) src(%dma_wait3A_1045 : memref<100000x128xf32, #tpu.memory_space<hbm>>) dst(%dma_wait3A_1039 : memref<64x128xf32, #tpu.memory_space<vmem>>)
    %dma_start3A_1046 = arith.constant 2 : i32
    %dma_start3A_1047 = arith.constant 3 : i32
    %dma_start3A_1048 = arith.constant 5 : i32
    %dma_start3A_1049 = arith.constant 0 : i32
    %dma_start3A_1050 = arith.constant 0 : i32
    %dma_start3A_1051 = tpu.memref_slice %arg7[%dma_start3A_1048, %dma_start3A_1049, %dma_start3A_1050] : memref<8x64x128xf32, #tpu.memory_space<vmem>> -> memref<1x64x128xf32, #tpu.memory_space<vmem>>
    %dma_start3A_1052 = tpu.memref_squeeze %dma_start3A_1051 : memref<1x64x128xf32, #tpu.memory_space<vmem>> -> memref<64x128xf32, #tpu.memory_space<vmem>>
    %dma_start3A_1053 = arith.constant 64 : i32
    %dma_start3A_1054 = tpu.memref_slice %arg6[%dma_start3A_1046, %dma_start3A_1047, %dma_start3A_1053] : memref<4x5x128xi32, #tpu.memory_space<vmem>> -> memref<1x1x64xi32, #tpu.memory_space<vmem>>
    %dma_start3A_1055 = tpu.memref_squeeze %dma_start3A_1054 : memref<1x1x64xi32, #tpu.memory_space<vmem>> -> memref<64xi32, #tpu.memory_space<vmem>>
    %dma_start3A_1056 = arith.constant 0 : i32
    %dma_start3A_1057 = arith.constant 0 : i32
    %dma_start3A_1058 = tpu.memref_slice %arg3[%dma_start3A_1056, %dma_start3A_1057] : memref<100000x128xf32, #tpu.memory_space<hbm>> -> memref<100000x128xf32, #tpu.memory_space<hbm>>
    tpu.enqueue_indirect_dma source(%dma_start3A_1058 : memref<100000x128xf32, #tpu.memory_space<hbm>>) target(%dma_start3A_1052 : memref<64x128xf32, #tpu.memory_space<vmem>>) offsets(%dma_start3A_1055 : memref<64xi32, #tpu.memory_space<vmem>>) semaphore(%arg15 : memref<!tpu.dma_semaphore, #tpu.memory_space<semaphore_mem>>) {add = true}
    %dma_wait3A_1059 = arith.constant 3 : i32
    %dma_wait3A_1060 = arith.constant 2 : i32
    %dma_wait3A_1061 = arith.constant 6 : i32
    %dma_wait3A_1062 = arith.constant 0 : i32
    %dma_wait3A_1063 = arith.constant 0 : i32
    %dma_wait3A_1064 = tpu.memref_slice %arg7[%dma_wait3A_1061, %dma_wait3A_1062, %dma_wait3A_1063] : memref<8x64x128xf32, #tpu.memory_space<vmem>> -> memref<1x64x128xf32, #tpu.memory_space<vmem>>
    %dma_wait3A_1065 = tpu.memref_squeeze %dma_wait3A_1064 : memref<1x64x128xf32, #tpu.memory_space<vmem>> -> memref<64x128xf32, #tpu.memory_space<vmem>>
    %dma_wait3A_1066 = arith.constant 0 : i32
    %dma_wait3A_1067 = tpu.memref_slice %arg6[%dma_wait3A_1059, %dma_wait3A_1060, %dma_wait3A_1066] : memref<4x5x128xi32, #tpu.memory_space<vmem>> -> memref<1x1x64xi32, #tpu.memory_space<vmem>>
    %dma_wait3A_1068 = tpu.memref_squeeze %dma_wait3A_1067 : memref<1x1x64xi32, #tpu.memory_space<vmem>> -> memref<64xi32, #tpu.memory_space<vmem>>
    %dma_wait3A_1069 = arith.constant 0 : i32
    %dma_wait3A_1070 = arith.constant 0 : i32
    %dma_wait3A_1071 = tpu.memref_slice %arg3[%dma_wait3A_1069, %dma_wait3A_1070] : memref<100000x128xf32, #tpu.memory_space<hbm>> -> memref<100000x128xf32, #tpu.memory_space<hbm>>
    tpu.wait_indirect_dma semaphore(%arg16 : memref<!tpu.dma_semaphore, #tpu.memory_space<semaphore_mem>>) src(%dma_wait3A_1071 : memref<100000x128xf32, #tpu.memory_space<hbm>>) dst(%dma_wait3A_1065 : memref<64x128xf32, #tpu.memory_space<vmem>>)
    %dma_start3A_1072 = arith.constant 3 : i32
    %dma_start3A_1073 = arith.constant 3 : i32
    %dma_start3A_1074 = arith.constant 6 : i32
    %dma_start3A_1075 = arith.constant 0 : i32
    %dma_start3A_1076 = arith.constant 0 : i32
    %dma_start3A_1077 = tpu.memref_slice %arg7[%dma_start3A_1074, %dma_start3A_1075, %dma_start3A_1076] : memref<8x64x128xf32, #tpu.memory_space<vmem>> -> memref<1x64x128xf32, #tpu.memory_space<vmem>>
    %dma_start3A_1078 = tpu.memref_squeeze %dma_start3A_1077 : memref<1x64x128xf32, #tpu.memory_space<vmem>> -> memref<64x128xf32, #tpu.memory_space<vmem>>
    %dma_start3A_1079 = arith.constant 0 : i32
    %dma_start3A_1080 = tpu.memref_slice %arg6[%dma_start3A_1072, %dma_start3A_1073, %dma_start3A_1079] : memref<4x5x128xi32, #tpu.memory_space<vmem>> -> memref<1x1x64xi32, #tpu.memory_space<vmem>>
    %dma_start3A_1081 = tpu.memref_squeeze %dma_start3A_1080 : memref<1x1x64xi32, #tpu.memory_space<vmem>> -> memref<64xi32, #tpu.memory_space<vmem>>
    %dma_start3A_1082 = arith.constant 0 : i32
    %dma_start3A_1083 = arith.constant 0 : i32
    %dma_start3A_1084 = tpu.memref_slice %arg3[%dma_start3A_1082, %dma_start3A_1083] : memref<100000x128xf32, #tpu.memory_space<hbm>> -> memref<100000x128xf32, #tpu.memory_space<hbm>>
    tpu.enqueue_indirect_dma source(%dma_start3A_1084 : memref<100000x128xf32, #tpu.memory_space<hbm>>) target(%dma_start3A_1078 : memref<64x128xf32, #tpu.memory_space<vmem>>) offsets(%dma_start3A_1081 : memref<64xi32, #tpu.memory_space<vmem>>) semaphore(%arg16 : memref<!tpu.dma_semaphore, #tpu.memory_space<semaphore_mem>>) {add = true}
    %dma_wait3A_1085 = arith.constant 3 : i32
    %dma_wait3A_1086 = arith.constant 2 : i32
    %dma_wait3A_1087 = arith.constant 7 : i32
    %dma_wait3A_1088 = arith.constant 0 : i32
    %dma_wait3A_1089 = arith.constant 0 : i32
    %dma_wait3A_1090 = tpu.memref_slice %arg7[%dma_wait3A_1087, %dma_wait3A_1088, %dma_wait3A_1089] : memref<8x64x128xf32, #tpu.memory_space<vmem>> -> memref<1x64x128xf32, #tpu.memory_space<vmem>>
    %dma_wait3A_1091 = tpu.memref_squeeze %dma_wait3A_1090 : memref<1x64x128xf32, #tpu.memory_space<vmem>> -> memref<64x128xf32, #tpu.memory_space<vmem>>
    %dma_wait3A_1092 = arith.constant 64 : i32
    %dma_wait3A_1093 = tpu.memref_slice %arg6[%dma_wait3A_1085, %dma_wait3A_1086, %dma_wait3A_1092] : memref<4x5x128xi32, #tpu.memory_space<vmem>> -> memref<1x1x64xi32, #tpu.memory_space<vmem>>
    %dma_wait3A_1094 = tpu.memref_squeeze %dma_wait3A_1093 : memref<1x1x64xi32, #tpu.memory_space<vmem>> -> memref<64xi32, #tpu.memory_space<vmem>>
    %dma_wait3A_1095 = arith.constant 0 : i32
    %dma_wait3A_1096 = arith.constant 0 : i32
    %dma_wait3A_1097 = tpu.memref_slice %arg3[%dma_wait3A_1095, %dma_wait3A_1096] : memref<100000x128xf32, #tpu.memory_space<hbm>> -> memref<100000x128xf32, #tpu.memory_space<hbm>>
    tpu.wait_indirect_dma semaphore(%arg17 : memref<!tpu.dma_semaphore, #tpu.memory_space<semaphore_mem>>) src(%dma_wait3A_1097 : memref<100000x128xf32, #tpu.memory_space<hbm>>) dst(%dma_wait3A_1091 : memref<64x128xf32, #tpu.memory_space<vmem>>)
    %dma_start3A_1098 = arith.constant 3 : i32
    %dma_start3A_1099 = arith.constant 3 : i32
    %dma_start3A_1100 = arith.constant 7 : i32
    %dma_start3A_1101 = arith.constant 0 : i32
    %dma_start3A_1102 = arith.constant 0 : i32
    %dma_start3A_1103 = tpu.memref_slice %arg7[%dma_start3A_1100, %dma_start3A_1101, %dma_start3A_1102] : memref<8x64x128xf32, #tpu.memory_space<vmem>> -> memref<1x64x128xf32, #tpu.memory_space<vmem>>
    %dma_start3A_1104 = tpu.memref_squeeze %dma_start3A_1103 : memref<1x64x128xf32, #tpu.memory_space<vmem>> -> memref<64x128xf32, #tpu.memory_space<vmem>>
    %dma_start3A_1105 = arith.constant 64 : i32
    %dma_start3A_1106 = tpu.memref_slice %arg6[%dma_start3A_1098, %dma_start3A_1099, %dma_start3A_1105] : memref<4x5x128xi32, #tpu.memory_space<vmem>> -> memref<1x1x64xi32, #tpu.memory_space<vmem>>
    %dma_start3A_1107 = tpu.memref_squeeze %dma_start3A_1106 : memref<1x1x64xi32, #tpu.memory_space<vmem>> -> memref<64xi32, #tpu.memory_space<vmem>>
    %dma_start3A_1108 = arith.constant 0 : i32
    %dma_start3A_1109 = arith.constant 0 : i32
    %dma_start3A_1110 = tpu.memref_slice %arg3[%dma_start3A_1108, %dma_start3A_1109] : memref<100000x128xf32, #tpu.memory_space<hbm>> -> memref<100000x128xf32, #tpu.memory_space<hbm>>
    tpu.enqueue_indirect_dma source(%dma_start3A_1110 : memref<100000x128xf32, #tpu.memory_space<hbm>>) target(%dma_start3A_1104 : memref<64x128xf32, #tpu.memory_space<vmem>>) offsets(%dma_start3A_1107 : memref<64xi32, #tpu.memory_space<vmem>>) semaphore(%arg17 : memref<!tpu.dma_semaphore, #tpu.memory_space<semaphore_mem>>) {add = true}
    %dma_wait3A_1111 = arith.constant 0 : i32
    %dma_wait3A_1112 = arith.constant 3 : i32
    %dma_wait3A_1113 = arith.constant 0 : i32
    %dma_wait3A_1114 = arith.constant 0 : i32
    %dma_wait3A_1115 = arith.constant 0 : i32
    %dma_wait3A_1116 = tpu.memref_slice %arg7[%dma_wait3A_1113, %dma_wait3A_1114, %dma_wait3A_1115] : memref<8x64x128xf32, #tpu.memory_space<vmem>> -> memref<1x64x128xf32, #tpu.memory_space<vmem>>
    %dma_wait3A_1117 = tpu.memref_squeeze %dma_wait3A_1116 : memref<1x64x128xf32, #tpu.memory_space<vmem>> -> memref<64x128xf32, #tpu.memory_space<vmem>>
    %dma_wait3A_1118 = arith.constant 0 : i32
    %dma_wait3A_1119 = tpu.memref_slice %arg6[%dma_wait3A_1111, %dma_wait3A_1112, %dma_wait3A_1118] : memref<4x5x128xi32, #tpu.memory_space<vmem>> -> memref<1x1x64xi32, #tpu.memory_space<vmem>>
    %dma_wait3A_1120 = tpu.memref_squeeze %dma_wait3A_1119 : memref<1x1x64xi32, #tpu.memory_space<vmem>> -> memref<64xi32, #tpu.memory_space<vmem>>
    %dma_wait3A_1121 = arith.constant 0 : i32
    %dma_wait3A_1122 = arith.constant 0 : i32
    %dma_wait3A_1123 = tpu.memref_slice %arg3[%dma_wait3A_1121, %dma_wait3A_1122] : memref<100000x128xf32, #tpu.memory_space<hbm>> -> memref<100000x128xf32, #tpu.memory_space<hbm>>
    tpu.wait_indirect_dma semaphore(%arg10 : memref<!tpu.dma_semaphore, #tpu.memory_space<semaphore_mem>>) src(%dma_wait3A_1123 : memref<100000x128xf32, #tpu.memory_space<hbm>>) dst(%dma_wait3A_1117 : memref<64x128xf32, #tpu.memory_space<vmem>>)
    %dma_start3A_1124 = arith.constant 0 : i32
    %dma_start3A_1125 = arith.constant 4 : i32
    %dma_start3A_1126 = arith.constant 0 : i32
    %dma_start3A_1127 = arith.constant 0 : i32
    %dma_start3A_1128 = arith.constant 0 : i32
    %dma_start3A_1129 = tpu.memref_slice %arg7[%dma_start3A_1126, %dma_start3A_1127, %dma_start3A_1128] : memref<8x64x128xf32, #tpu.memory_space<vmem>> -> memref<1x64x128xf32, #tpu.memory_space<vmem>>
    %dma_start3A_1130 = tpu.memref_squeeze %dma_start3A_1129 : memref<1x64x128xf32, #tpu.memory_space<vmem>> -> memref<64x128xf32, #tpu.memory_space<vmem>>
    %dma_start3A_1131 = arith.constant 0 : i32
    %dma_start3A_1132 = tpu.memref_slice %arg6[%dma_start3A_1124, %dma_start3A_1125, %dma_start3A_1131] : memref<4x5x128xi32, #tpu.memory_space<vmem>> -> memref<1x1x64xi32, #tpu.memory_space<vmem>>
    %dma_start3A_1133 = tpu.memref_squeeze %dma_start3A_1132 : memref<1x1x64xi32, #tpu.memory_space<vmem>> -> memref<64xi32, #tpu.memory_space<vmem>>
    %dma_start3A_1134 = arith.constant 0 : i32
    %dma_start3A_1135 = arith.constant 0 : i32
    %dma_start3A_1136 = tpu.memref_slice %arg3[%dma_start3A_1134, %dma_start3A_1135] : memref<100000x128xf32, #tpu.memory_space<hbm>> -> memref<100000x128xf32, #tpu.memory_space<hbm>>
    tpu.enqueue_indirect_dma source(%dma_start3A_1136 : memref<100000x128xf32, #tpu.memory_space<hbm>>) target(%dma_start3A_1130 : memref<64x128xf32, #tpu.memory_space<vmem>>) offsets(%dma_start3A_1133 : memref<64xi32, #tpu.memory_space<vmem>>) semaphore(%arg10 : memref<!tpu.dma_semaphore, #tpu.memory_space<semaphore_mem>>) {add = true}
    %dma_wait3A_1137 = arith.constant 0 : i32
    %dma_wait3A_1138 = arith.constant 3 : i32
    %dma_wait3A_1139 = arith.constant 1 : i32
    %dma_wait3A_1140 = arith.constant 0 : i32
    %dma_wait3A_1141 = arith.constant 0 : i32
    %dma_wait3A_1142 = tpu.memref_slice %arg7[%dma_wait3A_1139, %dma_wait3A_1140, %dma_wait3A_1141] : memref<8x64x128xf32, #tpu.memory_space<vmem>> -> memref<1x64x128xf32, #tpu.memory_space<vmem>>
    %dma_wait3A_1143 = tpu.memref_squeeze %dma_wait3A_1142 : memref<1x64x128xf32, #tpu.memory_space<vmem>> -> memref<64x128xf32, #tpu.memory_space<vmem>>
    %dma_wait3A_1144 = arith.constant 64 : i32
    %dma_wait3A_1145 = tpu.memref_slice %arg6[%dma_wait3A_1137, %dma_wait3A_1138, %dma_wait3A_1144] : memref<4x5x128xi32, #tpu.memory_space<vmem>> -> memref<1x1x64xi32, #tpu.memory_space<vmem>>
    %dma_wait3A_1146 = tpu.memref_squeeze %dma_wait3A_1145 : memref<1x1x64xi32, #tpu.memory_space<vmem>> -> memref<64xi32, #tpu.memory_space<vmem>>
    %dma_wait3A_1147 = arith.constant 0 : i32
    %dma_wait3A_1148 = arith.constant 0 : i32
    %dma_wait3A_1149 = tpu.memref_slice %arg3[%dma_wait3A_1147, %dma_wait3A_1148] : memref<100000x128xf32, #tpu.memory_space<hbm>> -> memref<100000x128xf32, #tpu.memory_space<hbm>>
    tpu.wait_indirect_dma semaphore(%arg11 : memref<!tpu.dma_semaphore, #tpu.memory_space<semaphore_mem>>) src(%dma_wait3A_1149 : memref<100000x128xf32, #tpu.memory_space<hbm>>) dst(%dma_wait3A_1143 : memref<64x128xf32, #tpu.memory_space<vmem>>)
    %dma_start3A_1150 = arith.constant 0 : i32
    %dma_start3A_1151 = arith.constant 4 : i32
    %dma_start3A_1152 = arith.constant 1 : i32
    %dma_start3A_1153 = arith.constant 0 : i32
    %dma_start3A_1154 = arith.constant 0 : i32
    %dma_start3A_1155 = tpu.memref_slice %arg7[%dma_start3A_1152, %dma_start3A_1153, %dma_start3A_1154] : memref<8x64x128xf32, #tpu.memory_space<vmem>> -> memref<1x64x128xf32, #tpu.memory_space<vmem>>
    %dma_start3A_1156 = tpu.memref_squeeze %dma_start3A_1155 : memref<1x64x128xf32, #tpu.memory_space<vmem>> -> memref<64x128xf32, #tpu.memory_space<vmem>>
    %dma_start3A_1157 = arith.constant 64 : i32
    %dma_start3A_1158 = tpu.memref_slice %arg6[%dma_start3A_1150, %dma_start3A_1151, %dma_start3A_1157] : memref<4x5x128xi32, #tpu.memory_space<vmem>> -> memref<1x1x64xi32, #tpu.memory_space<vmem>>
    %dma_start3A_1159 = tpu.memref_squeeze %dma_start3A_1158 : memref<1x1x64xi32, #tpu.memory_space<vmem>> -> memref<64xi32, #tpu.memory_space<vmem>>
    %dma_start3A_1160 = arith.constant 0 : i32
    %dma_start3A_1161 = arith.constant 0 : i32
    %dma_start3A_1162 = tpu.memref_slice %arg3[%dma_start3A_1160, %dma_start3A_1161] : memref<100000x128xf32, #tpu.memory_space<hbm>> -> memref<100000x128xf32, #tpu.memory_space<hbm>>
    tpu.enqueue_indirect_dma source(%dma_start3A_1162 : memref<100000x128xf32, #tpu.memory_space<hbm>>) target(%dma_start3A_1156 : memref<64x128xf32, #tpu.memory_space<vmem>>) offsets(%dma_start3A_1159 : memref<64xi32, #tpu.memory_space<vmem>>) semaphore(%arg11 : memref<!tpu.dma_semaphore, #tpu.memory_space<semaphore_mem>>) {add = true}
    %dma_wait3A_1163 = arith.constant 1 : i32
    %dma_wait3A_1164 = arith.constant 3 : i32
    %dma_wait3A_1165 = arith.constant 2 : i32
    %dma_wait3A_1166 = arith.constant 0 : i32
    %dma_wait3A_1167 = arith.constant 0 : i32
    %dma_wait3A_1168 = tpu.memref_slice %arg7[%dma_wait3A_1165, %dma_wait3A_1166, %dma_wait3A_1167] : memref<8x64x128xf32, #tpu.memory_space<vmem>> -> memref<1x64x128xf32, #tpu.memory_space<vmem>>
    %dma_wait3A_1169 = tpu.memref_squeeze %dma_wait3A_1168 : memref<1x64x128xf32, #tpu.memory_space<vmem>> -> memref<64x128xf32, #tpu.memory_space<vmem>>
    %dma_wait3A_1170 = arith.constant 0 : i32
    %dma_wait3A_1171 = tpu.memref_slice %arg6[%dma_wait3A_1163, %dma_wait3A_1164, %dma_wait3A_1170] : memref<4x5x128xi32, #tpu.memory_space<vmem>> -> memref<1x1x64xi32, #tpu.memory_space<vmem>>
    %dma_wait3A_1172 = tpu.memref_squeeze %dma_wait3A_1171 : memref<1x1x64xi32, #tpu.memory_space<vmem>> -> memref<64xi32, #tpu.memory_space<vmem>>
    %dma_wait3A_1173 = arith.constant 0 : i32
    %dma_wait3A_1174 = arith.constant 0 : i32
    %dma_wait3A_1175 = tpu.memref_slice %arg3[%dma_wait3A_1173, %dma_wait3A_1174] : memref<100000x128xf32, #tpu.memory_space<hbm>> -> memref<100000x128xf32, #tpu.memory_space<hbm>>
    tpu.wait_indirect_dma semaphore(%arg12 : memref<!tpu.dma_semaphore, #tpu.memory_space<semaphore_mem>>) src(%dma_wait3A_1175 : memref<100000x128xf32, #tpu.memory_space<hbm>>) dst(%dma_wait3A_1169 : memref<64x128xf32, #tpu.memory_space<vmem>>)
    %dma_start3A_1176 = arith.constant 1 : i32
    %dma_start3A_1177 = arith.constant 4 : i32
    %dma_start3A_1178 = arith.constant 2 : i32
    %dma_start3A_1179 = arith.constant 0 : i32
    %dma_start3A_1180 = arith.constant 0 : i32
    %dma_start3A_1181 = tpu.memref_slice %arg7[%dma_start3A_1178, %dma_start3A_1179, %dma_start3A_1180] : memref<8x64x128xf32, #tpu.memory_space<vmem>> -> memref<1x64x128xf32, #tpu.memory_space<vmem>>
    %dma_start3A_1182 = tpu.memref_squeeze %dma_start3A_1181 : memref<1x64x128xf32, #tpu.memory_space<vmem>> -> memref<64x128xf32, #tpu.memory_space<vmem>>
    %dma_start3A_1183 = arith.constant 0 : i32
    %dma_start3A_1184 = tpu.memref_slice %arg6[%dma_start3A_1176, %dma_start3A_1177, %dma_start3A_1183] : memref<4x5x128xi32, #tpu.memory_space<vmem>> -> memref<1x1x64xi32, #tpu.memory_space<vmem>>
    %dma_start3A_1185 = tpu.memref_squeeze %dma_start3A_1184 : memref<1x1x64xi32, #tpu.memory_space<vmem>> -> memref<64xi32, #tpu.memory_space<vmem>>
    %dma_start3A_1186 = arith.constant 0 : i32
    %dma_start3A_1187 = arith.constant 0 : i32
    %dma_start3A_1188 = tpu.memref_slice %arg3[%dma_start3A_1186, %dma_start3A_1187] : memref<100000x128xf32, #tpu.memory_space<hbm>> -> memref<100000x128xf32, #tpu.memory_space<hbm>>
    tpu.enqueue_indirect_dma source(%dma_start3A_1188 : memref<100000x128xf32, #tpu.memory_space<hbm>>) target(%dma_start3A_1182 : memref<64x128xf32, #tpu.memory_space<vmem>>) offsets(%dma_start3A_1185 : memref<64xi32, #tpu.memory_space<vmem>>) semaphore(%arg12 : memref<!tpu.dma_semaphore, #tpu.memory_space<semaphore_mem>>) {add = true}
    %dma_wait3A_1189 = arith.constant 1 : i32
    %dma_wait3A_1190 = arith.constant 3 : i32
    %dma_wait3A_1191 = arith.constant 3 : i32
    %dma_wait3A_1192 = arith.constant 0 : i32
    %dma_wait3A_1193 = arith.constant 0 : i32
    %dma_wait3A_1194 = tpu.memref_slice %arg7[%dma_wait3A_1191, %dma_wait3A_1192, %dma_wait3A_1193] : memref<8x64x128xf32, #tpu.memory_space<vmem>> -> memref<1x64x128xf32, #tpu.memory_space<vmem>>
    %dma_wait3A_1195 = tpu.memref_squeeze %dma_wait3A_1194 : memref<1x64x128xf32, #tpu.memory_space<vmem>> -> memref<64x128xf32, #tpu.memory_space<vmem>>
    %dma_wait3A_1196 = arith.constant 64 : i32
    %dma_wait3A_1197 = tpu.memref_slice %arg6[%dma_wait3A_1189, %dma_wait3A_1190, %dma_wait3A_1196] : memref<4x5x128xi32, #tpu.memory_space<vmem>> -> memref<1x1x64xi32, #tpu.memory_space<vmem>>
    %dma_wait3A_1198 = tpu.memref_squeeze %dma_wait3A_1197 : memref<1x1x64xi32, #tpu.memory_space<vmem>> -> memref<64xi32, #tpu.memory_space<vmem>>
    %dma_wait3A_1199 = arith.constant 0 : i32
    %dma_wait3A_1200 = arith.constant 0 : i32
    %dma_wait3A_1201 = tpu.memref_slice %arg3[%dma_wait3A_1199, %dma_wait3A_1200] : memref<100000x128xf32, #tpu.memory_space<hbm>> -> memref<100000x128xf32, #tpu.memory_space<hbm>>
    tpu.wait_indirect_dma semaphore(%arg13 : memref<!tpu.dma_semaphore, #tpu.memory_space<semaphore_mem>>) src(%dma_wait3A_1201 : memref<100000x128xf32, #tpu.memory_space<hbm>>) dst(%dma_wait3A_1195 : memref<64x128xf32, #tpu.memory_space<vmem>>)
    %dma_start3A_1202 = arith.constant 1 : i32
    %dma_start3A_1203 = arith.constant 4 : i32
    %dma_start3A_1204 = arith.constant 3 : i32
    %dma_start3A_1205 = arith.constant 0 : i32
    %dma_start3A_1206 = arith.constant 0 : i32
    %dma_start3A_1207 = tpu.memref_slice %arg7[%dma_start3A_1204, %dma_start3A_1205, %dma_start3A_1206] : memref<8x64x128xf32, #tpu.memory_space<vmem>> -> memref<1x64x128xf32, #tpu.memory_space<vmem>>
    %dma_start3A_1208 = tpu.memref_squeeze %dma_start3A_1207 : memref<1x64x128xf32, #tpu.memory_space<vmem>> -> memref<64x128xf32, #tpu.memory_space<vmem>>
    %dma_start3A_1209 = arith.constant 64 : i32
    %dma_start3A_1210 = tpu.memref_slice %arg6[%dma_start3A_1202, %dma_start3A_1203, %dma_start3A_1209] : memref<4x5x128xi32, #tpu.memory_space<vmem>> -> memref<1x1x64xi32, #tpu.memory_space<vmem>>
    %dma_start3A_1211 = tpu.memref_squeeze %dma_start3A_1210 : memref<1x1x64xi32, #tpu.memory_space<vmem>> -> memref<64xi32, #tpu.memory_space<vmem>>
    %dma_start3A_1212 = arith.constant 0 : i32
    %dma_start3A_1213 = arith.constant 0 : i32
    %dma_start3A_1214 = tpu.memref_slice %arg3[%dma_start3A_1212, %dma_start3A_1213] : memref<100000x128xf32, #tpu.memory_space<hbm>> -> memref<100000x128xf32, #tpu.memory_space<hbm>>
    tpu.enqueue_indirect_dma source(%dma_start3A_1214 : memref<100000x128xf32, #tpu.memory_space<hbm>>) target(%dma_start3A_1208 : memref<64x128xf32, #tpu.memory_space<vmem>>) offsets(%dma_start3A_1211 : memref<64xi32, #tpu.memory_space<vmem>>) semaphore(%arg13 : memref<!tpu.dma_semaphore, #tpu.memory_space<semaphore_mem>>) {add = true}
    %dma_wait3A_1215 = arith.constant 2 : i32
    %dma_wait3A_1216 = arith.constant 3 : i32
    %dma_wait3A_1217 = arith.constant 4 : i32
    %dma_wait3A_1218 = arith.constant 0 : i32
    %dma_wait3A_1219 = arith.constant 0 : i32
    %dma_wait3A_1220 = tpu.memref_slice %arg7[%dma_wait3A_1217, %dma_wait3A_1218, %dma_wait3A_1219] : memref<8x64x128xf32, #tpu.memory_space<vmem>> -> memref<1x64x128xf32, #tpu.memory_space<vmem>>
    %dma_wait3A_1221 = tpu.memref_squeeze %dma_wait3A_1220 : memref<1x64x128xf32, #tpu.memory_space<vmem>> -> memref<64x128xf32, #tpu.memory_space<vmem>>
    %dma_wait3A_1222 = arith.constant 0 : i32
    %dma_wait3A_1223 = tpu.memref_slice %arg6[%dma_wait3A_1215, %dma_wait3A_1216, %dma_wait3A_1222] : memref<4x5x128xi32, #tpu.memory_space<vmem>> -> memref<1x1x64xi32, #tpu.memory_space<vmem>>
    %dma_wait3A_1224 = tpu.memref_squeeze %dma_wait3A_1223 : memref<1x1x64xi32, #tpu.memory_space<vmem>> -> memref<64xi32, #tpu.memory_space<vmem>>
    %dma_wait3A_1225 = arith.constant 0 : i32
    %dma_wait3A_1226 = arith.constant 0 : i32
    %dma_wait3A_1227 = tpu.memref_slice %arg3[%dma_wait3A_1225, %dma_wait3A_1226] : memref<100000x128xf32, #tpu.memory_space<hbm>> -> memref<100000x128xf32, #tpu.memory_space<hbm>>
    tpu.wait_indirect_dma semaphore(%arg14 : memref<!tpu.dma_semaphore, #tpu.memory_space<semaphore_mem>>) src(%dma_wait3A_1227 : memref<100000x128xf32, #tpu.memory_space<hbm>>) dst(%dma_wait3A_1221 : memref<64x128xf32, #tpu.memory_space<vmem>>)
    %dma_start3A_1228 = arith.constant 2 : i32
    %dma_start3A_1229 = arith.constant 4 : i32
    %dma_start3A_1230 = arith.constant 4 : i32
    %dma_start3A_1231 = arith.constant 0 : i32
    %dma_start3A_1232 = arith.constant 0 : i32
    %dma_start3A_1233 = tpu.memref_slice %arg7[%dma_start3A_1230, %dma_start3A_1231, %dma_start3A_1232] : memref<8x64x128xf32, #tpu.memory_space<vmem>> -> memref<1x64x128xf32, #tpu.memory_space<vmem>>
    %dma_start3A_1234 = tpu.memref_squeeze %dma_start3A_1233 : memref<1x64x128xf32, #tpu.memory_space<vmem>> -> memref<64x128xf32, #tpu.memory_space<vmem>>
    %dma_start3A_1235 = arith.constant 0 : i32
    %dma_start3A_1236 = tpu.memref_slice %arg6[%dma_start3A_1228, %dma_start3A_1229, %dma_start3A_1235] : memref<4x5x128xi32, #tpu.memory_space<vmem>> -> memref<1x1x64xi32, #tpu.memory_space<vmem>>
    %dma_start3A_1237 = tpu.memref_squeeze %dma_start3A_1236 : memref<1x1x64xi32, #tpu.memory_space<vmem>> -> memref<64xi32, #tpu.memory_space<vmem>>
    %dma_start3A_1238 = arith.constant 0 : i32
    %dma_start3A_1239 = arith.constant 0 : i32
    %dma_start3A_1240 = tpu.memref_slice %arg3[%dma_start3A_1238, %dma_start3A_1239] : memref<100000x128xf32, #tpu.memory_space<hbm>> -> memref<100000x128xf32, #tpu.memory_space<hbm>>
    tpu.enqueue_indirect_dma source(%dma_start3A_1240 : memref<100000x128xf32, #tpu.memory_space<hbm>>) target(%dma_start3A_1234 : memref<64x128xf32, #tpu.memory_space<vmem>>) offsets(%dma_start3A_1237 : memref<64xi32, #tpu.memory_space<vmem>>) semaphore(%arg14 : memref<!tpu.dma_semaphore, #tpu.memory_space<semaphore_mem>>) {add = true}
    %dma_wait3A_1241 = arith.constant 2 : i32
    %dma_wait3A_1242 = arith.constant 3 : i32
    %dma_wait3A_1243 = arith.constant 5 : i32
    %dma_wait3A_1244 = arith.constant 0 : i32
    %dma_wait3A_1245 = arith.constant 0 : i32
    %dma_wait3A_1246 = tpu.memref_slice %arg7[%dma_wait3A_1243, %dma_wait3A_1244, %dma_wait3A_1245] : memref<8x64x128xf32, #tpu.memory_space<vmem>> -> memref<1x64x128xf32, #tpu.memory_space<vmem>>
    %dma_wait3A_1247 = tpu.memref_squeeze %dma_wait3A_1246 : memref<1x64x128xf32, #tpu.memory_space<vmem>> -> memref<64x128xf32, #tpu.memory_space<vmem>>
    %dma_wait3A_1248 = arith.constant 64 : i32
    %dma_wait3A_1249 = tpu.memref_slice %arg6[%dma_wait3A_1241, %dma_wait3A_1242, %dma_wait3A_1248] : memref<4x5x128xi32, #tpu.memory_space<vmem>> -> memref<1x1x64xi32, #tpu.memory_space<vmem>>
    %dma_wait3A_1250 = tpu.memref_squeeze %dma_wait3A_1249 : memref<1x1x64xi32, #tpu.memory_space<vmem>> -> memref<64xi32, #tpu.memory_space<vmem>>
    %dma_wait3A_1251 = arith.constant 0 : i32
    %dma_wait3A_1252 = arith.constant 0 : i32
    %dma_wait3A_1253 = tpu.memref_slice %arg3[%dma_wait3A_1251, %dma_wait3A_1252] : memref<100000x128xf32, #tpu.memory_space<hbm>> -> memref<100000x128xf32, #tpu.memory_space<hbm>>
    tpu.wait_indirect_dma semaphore(%arg15 : memref<!tpu.dma_semaphore, #tpu.memory_space<semaphore_mem>>) src(%dma_wait3A_1253 : memref<100000x128xf32, #tpu.memory_space<hbm>>) dst(%dma_wait3A_1247 : memref<64x128xf32, #tpu.memory_space<vmem>>)
    %dma_start3A_1254 = arith.constant 2 : i32
    %dma_start3A_1255 = arith.constant 4 : i32
    %dma_start3A_1256 = arith.constant 5 : i32
    %dma_start3A_1257 = arith.constant 0 : i32
    %dma_start3A_1258 = arith.constant 0 : i32
    %dma_start3A_1259 = tpu.memref_slice %arg7[%dma_start3A_1256, %dma_start3A_1257, %dma_start3A_1258] : memref<8x64x128xf32, #tpu.memory_space<vmem>> -> memref<1x64x128xf32, #tpu.memory_space<vmem>>
    %dma_start3A_1260 = tpu.memref_squeeze %dma_start3A_1259 : memref<1x64x128xf32, #tpu.memory_space<vmem>> -> memref<64x128xf32, #tpu.memory_space<vmem>>
    %dma_start3A_1261 = arith.constant 64 : i32
    %dma_start3A_1262 = tpu.memref_slice %arg6[%dma_start3A_1254, %dma_start3A_1255, %dma_start3A_1261] : memref<4x5x128xi32, #tpu.memory_space<vmem>> -> memref<1x1x64xi32, #tpu.memory_space<vmem>>
    %dma_start3A_1263 = tpu.memref_squeeze %dma_start3A_1262 : memref<1x1x64xi32, #tpu.memory_space<vmem>> -> memref<64xi32, #tpu.memory_space<vmem>>
    %dma_start3A_1264 = arith.constant 0 : i32
    %dma_start3A_1265 = arith.constant 0 : i32
    %dma_start3A_1266 = tpu.memref_slice %arg3[%dma_start3A_1264, %dma_start3A_1265] : memref<100000x128xf32, #tpu.memory_space<hbm>> -> memref<100000x128xf32, #tpu.memory_space<hbm>>
    tpu.enqueue_indirect_dma source(%dma_start3A_1266 : memref<100000x128xf32, #tpu.memory_space<hbm>>) target(%dma_start3A_1260 : memref<64x128xf32, #tpu.memory_space<vmem>>) offsets(%dma_start3A_1263 : memref<64xi32, #tpu.memory_space<vmem>>) semaphore(%arg15 : memref<!tpu.dma_semaphore, #tpu.memory_space<semaphore_mem>>) {add = true}
    %dma_wait3A_1267 = arith.constant 3 : i32
    %dma_wait3A_1268 = arith.constant 3 : i32
    %dma_wait3A_1269 = arith.constant 6 : i32
    %dma_wait3A_1270 = arith.constant 0 : i32
    %dma_wait3A_1271 = arith.constant 0 : i32
    %dma_wait3A_1272 = tpu.memref_slice %arg7[%dma_wait3A_1269, %dma_wait3A_1270, %dma_wait3A_1271] : memref<8x64x128xf32, #tpu.memory_space<vmem>> -> memref<1x64x128xf32, #tpu.memory_space<vmem>>
    %dma_wait3A_1273 = tpu.memref_squeeze %dma_wait3A_1272 : memref<1x64x128xf32, #tpu.memory_space<vmem>> -> memref<64x128xf32, #tpu.memory_space<vmem>>
    %dma_wait3A_1274 = arith.constant 0 : i32
    %dma_wait3A_1275 = tpu.memref_slice %arg6[%dma_wait3A_1267, %dma_wait3A_1268, %dma_wait3A_1274] : memref<4x5x128xi32, #tpu.memory_space<vmem>> -> memref<1x1x64xi32, #tpu.memory_space<vmem>>
    %dma_wait3A_1276 = tpu.memref_squeeze %dma_wait3A_1275 : memref<1x1x64xi32, #tpu.memory_space<vmem>> -> memref<64xi32, #tpu.memory_space<vmem>>
    %dma_wait3A_1277 = arith.constant 0 : i32
    %dma_wait3A_1278 = arith.constant 0 : i32
    %dma_wait3A_1279 = tpu.memref_slice %arg3[%dma_wait3A_1277, %dma_wait3A_1278] : memref<100000x128xf32, #tpu.memory_space<hbm>> -> memref<100000x128xf32, #tpu.memory_space<hbm>>
    tpu.wait_indirect_dma semaphore(%arg16 : memref<!tpu.dma_semaphore, #tpu.memory_space<semaphore_mem>>) src(%dma_wait3A_1279 : memref<100000x128xf32, #tpu.memory_space<hbm>>) dst(%dma_wait3A_1273 : memref<64x128xf32, #tpu.memory_space<vmem>>)
    %dma_start3A_1280 = arith.constant 3 : i32
    %dma_start3A_1281 = arith.constant 4 : i32
    %dma_start3A_1282 = arith.constant 6 : i32
    %dma_start3A_1283 = arith.constant 0 : i32
    %dma_start3A_1284 = arith.constant 0 : i32
    %dma_start3A_1285 = tpu.memref_slice %arg7[%dma_start3A_1282, %dma_start3A_1283, %dma_start3A_1284] : memref<8x64x128xf32, #tpu.memory_space<vmem>> -> memref<1x64x128xf32, #tpu.memory_space<vmem>>
    %dma_start3A_1286 = tpu.memref_squeeze %dma_start3A_1285 : memref<1x64x128xf32, #tpu.memory_space<vmem>> -> memref<64x128xf32, #tpu.memory_space<vmem>>
    %dma_start3A_1287 = arith.constant 0 : i32
    %dma_start3A_1288 = tpu.memref_slice %arg6[%dma_start3A_1280, %dma_start3A_1281, %dma_start3A_1287] : memref<4x5x128xi32, #tpu.memory_space<vmem>> -> memref<1x1x64xi32, #tpu.memory_space<vmem>>
    %dma_start3A_1289 = tpu.memref_squeeze %dma_start3A_1288 : memref<1x1x64xi32, #tpu.memory_space<vmem>> -> memref<64xi32, #tpu.memory_space<vmem>>
    %dma_start3A_1290 = arith.constant 0 : i32
    %dma_start3A_1291 = arith.constant 0 : i32
    %dma_start3A_1292 = tpu.memref_slice %arg3[%dma_start3A_1290, %dma_start3A_1291] : memref<100000x128xf32, #tpu.memory_space<hbm>> -> memref<100000x128xf32, #tpu.memory_space<hbm>>
    tpu.enqueue_indirect_dma source(%dma_start3A_1292 : memref<100000x128xf32, #tpu.memory_space<hbm>>) target(%dma_start3A_1286 : memref<64x128xf32, #tpu.memory_space<vmem>>) offsets(%dma_start3A_1289 : memref<64xi32, #tpu.memory_space<vmem>>) semaphore(%arg16 : memref<!tpu.dma_semaphore, #tpu.memory_space<semaphore_mem>>) {add = true}
    %dma_wait3A_1293 = arith.constant 3 : i32
    %dma_wait3A_1294 = arith.constant 3 : i32
    %dma_wait3A_1295 = arith.constant 7 : i32
    %dma_wait3A_1296 = arith.constant 0 : i32
    %dma_wait3A_1297 = arith.constant 0 : i32
    %dma_wait3A_1298 = tpu.memref_slice %arg7[%dma_wait3A_1295, %dma_wait3A_1296, %dma_wait3A_1297] : memref<8x64x128xf32, #tpu.memory_space<vmem>> -> memref<1x64x128xf32, #tpu.memory_space<vmem>>
    %dma_wait3A_1299 = tpu.memref_squeeze %dma_wait3A_1298 : memref<1x64x128xf32, #tpu.memory_space<vmem>> -> memref<64x128xf32, #tpu.memory_space<vmem>>
    %dma_wait3A_1300 = arith.constant 64 : i32
    %dma_wait3A_1301 = tpu.memref_slice %arg6[%dma_wait3A_1293, %dma_wait3A_1294, %dma_wait3A_1300] : memref<4x5x128xi32, #tpu.memory_space<vmem>> -> memref<1x1x64xi32, #tpu.memory_space<vmem>>
    %dma_wait3A_1302 = tpu.memref_squeeze %dma_wait3A_1301 : memref<1x1x64xi32, #tpu.memory_space<vmem>> -> memref<64xi32, #tpu.memory_space<vmem>>
    %dma_wait3A_1303 = arith.constant 0 : i32
    %dma_wait3A_1304 = arith.constant 0 : i32
    %dma_wait3A_1305 = tpu.memref_slice %arg3[%dma_wait3A_1303, %dma_wait3A_1304] : memref<100000x128xf32, #tpu.memory_space<hbm>> -> memref<100000x128xf32, #tpu.memory_space<hbm>>
    tpu.wait_indirect_dma semaphore(%arg17 : memref<!tpu.dma_semaphore, #tpu.memory_space<semaphore_mem>>) src(%dma_wait3A_1305 : memref<100000x128xf32, #tpu.memory_space<hbm>>) dst(%dma_wait3A_1299 : memref<64x128xf32, #tpu.memory_space<vmem>>)
    %dma_start3A_1306 = arith.constant 3 : i32
    %dma_start3A_1307 = arith.constant 4 : i32
    %dma_start3A_1308 = arith.constant 7 : i32
    %dma_start3A_1309 = arith.constant 0 : i32
    %dma_start3A_1310 = arith.constant 0 : i32
    %dma_start3A_1311 = tpu.memref_slice %arg7[%dma_start3A_1308, %dma_start3A_1309, %dma_start3A_1310] : memref<8x64x128xf32, #tpu.memory_space<vmem>> -> memref<1x64x128xf32, #tpu.memory_space<vmem>>
    %dma_start3A_1312 = tpu.memref_squeeze %dma_start3A_1311 : memref<1x64x128xf32, #tpu.memory_space<vmem>> -> memref<64x128xf32, #tpu.memory_space<vmem>>
    %dma_start3A_1313 = arith.constant 64 : i32
    %dma_start3A_1314 = tpu.memref_slice %arg6[%dma_start3A_1306, %dma_start3A_1307, %dma_start3A_1313] : memref<4x5x128xi32, #tpu.memory_space<vmem>> -> memref<1x1x64xi32, #tpu.memory_space<vmem>>
    %dma_start3A_1315 = tpu.memref_squeeze %dma_start3A_1314 : memref<1x1x64xi32, #tpu.memory_space<vmem>> -> memref<64xi32, #tpu.memory_space<vmem>>
    %dma_start3A_1316 = arith.constant 0 : i32
    %dma_start3A_1317 = arith.constant 0 : i32
    %dma_start3A_1318 = tpu.memref_slice %arg3[%dma_start3A_1316, %dma_start3A_1317] : memref<100000x128xf32, #tpu.memory_space<hbm>> -> memref<100000x128xf32, #tpu.memory_space<hbm>>
    tpu.enqueue_indirect_dma source(%dma_start3A_1318 : memref<100000x128xf32, #tpu.memory_space<hbm>>) target(%dma_start3A_1312 : memref<64x128xf32, #tpu.memory_space<vmem>>) offsets(%dma_start3A_1315 : memref<64xi32, #tpu.memory_space<vmem>>) semaphore(%arg17 : memref<!tpu.dma_semaphore, #tpu.memory_space<semaphore_mem>>) {add = true}
    %dma_wait3A_1319 = arith.constant 0 : i32
    %dma_wait3A_1320 = arith.constant 4 : i32
    %dma_wait3A_1321 = arith.constant 0 : i32
    %dma_wait3A_1322 = arith.constant 0 : i32
    %dma_wait3A_1323 = arith.constant 0 : i32
    %dma_wait3A_1324 = tpu.memref_slice %arg7[%dma_wait3A_1321, %dma_wait3A_1322, %dma_wait3A_1323] : memref<8x64x128xf32, #tpu.memory_space<vmem>> -> memref<1x64x128xf32, #tpu.memory_space<vmem>>
    %dma_wait3A_1325 = tpu.memref_squeeze %dma_wait3A_1324 : memref<1x64x128xf32, #tpu.memory_space<vmem>> -> memref<64x128xf32, #tpu.memory_space<vmem>>
    %dma_wait3A_1326 = arith.constant 0 : i32
    %dma_wait3A_1327 = tpu.memref_slice %arg6[%dma_wait3A_1319, %dma_wait3A_1320, %dma_wait3A_1326] : memref<4x5x128xi32, #tpu.memory_space<vmem>> -> memref<1x1x64xi32, #tpu.memory_space<vmem>>
    %dma_wait3A_1328 = tpu.memref_squeeze %dma_wait3A_1327 : memref<1x1x64xi32, #tpu.memory_space<vmem>> -> memref<64xi32, #tpu.memory_space<vmem>>
    %dma_wait3A_1329 = arith.constant 0 : i32
    %dma_wait3A_1330 = arith.constant 0 : i32
    %dma_wait3A_1331 = tpu.memref_slice %arg3[%dma_wait3A_1329, %dma_wait3A_1330] : memref<100000x128xf32, #tpu.memory_space<hbm>> -> memref<100000x128xf32, #tpu.memory_space<hbm>>
    tpu.wait_indirect_dma semaphore(%arg10 : memref<!tpu.dma_semaphore, #tpu.memory_space<semaphore_mem>>) src(%dma_wait3A_1331 : memref<100000x128xf32, #tpu.memory_space<hbm>>) dst(%dma_wait3A_1325 : memref<64x128xf32, #tpu.memory_space<vmem>>)
    %add3A_1332 = arith.constant 0 : i32
    %add3A_1333 = arith.addi %mul3A_2, %add3A_1332 : i32
    %dma_start3A_1334 = arith.constant 0 : i32
    %dma_start3A_1335 = arith.constant 0 : i32
    %dma_start3A_1336 = arith.constant 0 : i32
    %dma_start3A_1337 = tpu.memref_slice %arg7[%dma_start3A_1334, %dma_start3A_1335, %dma_start3A_1336] : memref<8x64x128xf32, #tpu.memory_space<vmem>> -> memref<1x64x128xf32, #tpu.memory_space<vmem>>
    %dma_start3A_1338 = tpu.memref_squeeze %dma_start3A_1337 : memref<1x64x128xf32, #tpu.memory_space<vmem>> -> memref<64x128xf32, #tpu.memory_space<vmem>>
    %dma_start3A_1339 = arith.constant 0 : i32
    %dma_start3A_1340 = tpu.memref_slice %arg5[%add3A_1333, %dma_start3A_1339] : memref<16384x128xf32, #tpu.memory_space<hbm>> -> memref<64x128xf32, #tpu.memory_space<hbm>>
    %dma_start3A_1341 = arith.constant 0 : i32
    %dma_start3A_1342 = tpu.memref_slice %arg5[%add3A_1333, %dma_start3A_1341] : memref<16384x128xf32, #tpu.memory_space<hbm>> -> memref<64x128xf32, #tpu.memory_space<hbm>>
    %dma_start3A_1343 = arith.constant 0 : i32
    %dma_start3A_1344 = arith.constant 0 : i32
    %dma_start3A_1345 = tpu.memref_slice %arg7[%dma_start3A_1334, %dma_start3A_1343, %dma_start3A_1344] : memref<8x64x128xf32, #tpu.memory_space<vmem>> -> memref<1x64x128xf32, #tpu.memory_space<vmem>>
    %dma_start3A_1346 = tpu.memref_squeeze %dma_start3A_1345 : memref<1x64x128xf32, #tpu.memory_space<vmem>> -> memref<64x128xf32, #tpu.memory_space<vmem>>
    tpu.enqueue_dma source(%dma_start3A_1346 : memref<64x128xf32, #tpu.memory_space<vmem>>) target(%dma_start3A_1342 : memref<64x128xf32, #tpu.memory_space<hbm>>) target_semaphore(%arg18 : memref<!tpu.dma_semaphore, #tpu.memory_space<semaphore_mem>>)
    %dma_wait3A_1347 = arith.constant 0 : i32
    %dma_wait3A_1348 = arith.constant 4 : i32
    %dma_wait3A_1349 = arith.constant 1 : i32
    %dma_wait3A_1350 = arith.constant 0 : i32
    %dma_wait3A_1351 = arith.constant 0 : i32
    %dma_wait3A_1352 = tpu.memref_slice %arg7[%dma_wait3A_1349, %dma_wait3A_1350, %dma_wait3A_1351] : memref<8x64x128xf32, #tpu.memory_space<vmem>> -> memref<1x64x128xf32, #tpu.memory_space<vmem>>
    %dma_wait3A_1353 = tpu.memref_squeeze %dma_wait3A_1352 : memref<1x64x128xf32, #tpu.memory_space<vmem>> -> memref<64x128xf32, #tpu.memory_space<vmem>>
    %dma_wait3A_1354 = arith.constant 64 : i32
    %dma_wait3A_1355 = tpu.memref_slice %arg6[%dma_wait3A_1347, %dma_wait3A_1348, %dma_wait3A_1354] : memref<4x5x128xi32, #tpu.memory_space<vmem>> -> memref<1x1x64xi32, #tpu.memory_space<vmem>>
    %dma_wait3A_1356 = tpu.memref_squeeze %dma_wait3A_1355 : memref<1x1x64xi32, #tpu.memory_space<vmem>> -> memref<64xi32, #tpu.memory_space<vmem>>
    %dma_wait3A_1357 = arith.constant 0 : i32
    %dma_wait3A_1358 = arith.constant 0 : i32
    %dma_wait3A_1359 = tpu.memref_slice %arg3[%dma_wait3A_1357, %dma_wait3A_1358] : memref<100000x128xf32, #tpu.memory_space<hbm>> -> memref<100000x128xf32, #tpu.memory_space<hbm>>
    tpu.wait_indirect_dma semaphore(%arg11 : memref<!tpu.dma_semaphore, #tpu.memory_space<semaphore_mem>>) src(%dma_wait3A_1359 : memref<100000x128xf32, #tpu.memory_space<hbm>>) dst(%dma_wait3A_1353 : memref<64x128xf32, #tpu.memory_space<vmem>>)
    %add3A_1360 = arith.constant 64 : i32
    %add3A_1361 = arith.addi %mul3A_2, %add3A_1360 : i32
    %dma_start3A_1362 = arith.constant 1 : i32
    %dma_start3A_1363 = arith.constant 0 : i32
    %dma_start3A_1364 = arith.constant 0 : i32
    %dma_start3A_1365 = tpu.memref_slice %arg7[%dma_start3A_1362, %dma_start3A_1363, %dma_start3A_1364] : memref<8x64x128xf32, #tpu.memory_space<vmem>> -> memref<1x64x128xf32, #tpu.memory_space<vmem>>
    %dma_start3A_1366 = tpu.memref_squeeze %dma_start3A_1365 : memref<1x64x128xf32, #tpu.memory_space<vmem>> -> memref<64x128xf32, #tpu.memory_space<vmem>>
    %dma_start3A_1367 = arith.constant 0 : i32
    %dma_start3A_1368 = tpu.memref_slice %arg5[%add3A_1361, %dma_start3A_1367] : memref<16384x128xf32, #tpu.memory_space<hbm>> -> memref<64x128xf32, #tpu.memory_space<hbm>>
    %dma_start3A_1369 = arith.constant 0 : i32
    %dma_start3A_1370 = tpu.memref_slice %arg5[%add3A_1361, %dma_start3A_1369] : memref<16384x128xf32, #tpu.memory_space<hbm>> -> memref<64x128xf32, #tpu.memory_space<hbm>>
    %dma_start3A_1371 = arith.constant 0 : i32
    %dma_start3A_1372 = arith.constant 0 : i32
    %dma_start3A_1373 = tpu.memref_slice %arg7[%dma_start3A_1362, %dma_start3A_1371, %dma_start3A_1372] : memref<8x64x128xf32, #tpu.memory_space<vmem>> -> memref<1x64x128xf32, #tpu.memory_space<vmem>>
    %dma_start3A_1374 = tpu.memref_squeeze %dma_start3A_1373 : memref<1x64x128xf32, #tpu.memory_space<vmem>> -> memref<64x128xf32, #tpu.memory_space<vmem>>
    tpu.enqueue_dma source(%dma_start3A_1374 : memref<64x128xf32, #tpu.memory_space<vmem>>) target(%dma_start3A_1370 : memref<64x128xf32, #tpu.memory_space<hbm>>) target_semaphore(%arg18 : memref<!tpu.dma_semaphore, #tpu.memory_space<semaphore_mem>>)
    %dma_wait3A_1375 = arith.constant 1 : i32
    %dma_wait3A_1376 = arith.constant 4 : i32
    %dma_wait3A_1377 = arith.constant 2 : i32
    %dma_wait3A_1378 = arith.constant 0 : i32
    %dma_wait3A_1379 = arith.constant 0 : i32
    %dma_wait3A_1380 = tpu.memref_slice %arg7[%dma_wait3A_1377, %dma_wait3A_1378, %dma_wait3A_1379] : memref<8x64x128xf32, #tpu.memory_space<vmem>> -> memref<1x64x128xf32, #tpu.memory_space<vmem>>
    %dma_wait3A_1381 = tpu.memref_squeeze %dma_wait3A_1380 : memref<1x64x128xf32, #tpu.memory_space<vmem>> -> memref<64x128xf32, #tpu.memory_space<vmem>>
    %dma_wait3A_1382 = arith.constant 0 : i32
    %dma_wait3A_1383 = tpu.memref_slice %arg6[%dma_wait3A_1375, %dma_wait3A_1376, %dma_wait3A_1382] : memref<4x5x128xi32, #tpu.memory_space<vmem>> -> memref<1x1x64xi32, #tpu.memory_space<vmem>>
    %dma_wait3A_1384 = tpu.memref_squeeze %dma_wait3A_1383 : memref<1x1x64xi32, #tpu.memory_space<vmem>> -> memref<64xi32, #tpu.memory_space<vmem>>
    %dma_wait3A_1385 = arith.constant 0 : i32
    %dma_wait3A_1386 = arith.constant 0 : i32
    %dma_wait3A_1387 = tpu.memref_slice %arg3[%dma_wait3A_1385, %dma_wait3A_1386] : memref<100000x128xf32, #tpu.memory_space<hbm>> -> memref<100000x128xf32, #tpu.memory_space<hbm>>
    tpu.wait_indirect_dma semaphore(%arg12 : memref<!tpu.dma_semaphore, #tpu.memory_space<semaphore_mem>>) src(%dma_wait3A_1387 : memref<100000x128xf32, #tpu.memory_space<hbm>>) dst(%dma_wait3A_1381 : memref<64x128xf32, #tpu.memory_space<vmem>>)
    %add3A_1388 = arith.constant 128 : i32
    %add3A_1389 = arith.addi %mul3A_2, %add3A_1388 : i32
    %dma_start3A_1390 = arith.constant 2 : i32
    %dma_start3A_1391 = arith.constant 0 : i32
    %dma_start3A_1392 = arith.constant 0 : i32
    %dma_start3A_1393 = tpu.memref_slice %arg7[%dma_start3A_1390, %dma_start3A_1391, %dma_start3A_1392] : memref<8x64x128xf32, #tpu.memory_space<vmem>> -> memref<1x64x128xf32, #tpu.memory_space<vmem>>
    %dma_start3A_1394 = tpu.memref_squeeze %dma_start3A_1393 : memref<1x64x128xf32, #tpu.memory_space<vmem>> -> memref<64x128xf32, #tpu.memory_space<vmem>>
    %dma_start3A_1395 = arith.constant 0 : i32
    %dma_start3A_1396 = tpu.memref_slice %arg5[%add3A_1389, %dma_start3A_1395] : memref<16384x128xf32, #tpu.memory_space<hbm>> -> memref<64x128xf32, #tpu.memory_space<hbm>>
    %dma_start3A_1397 = arith.constant 0 : i32
    %dma_start3A_1398 = tpu.memref_slice %arg5[%add3A_1389, %dma_start3A_1397] : memref<16384x128xf32, #tpu.memory_space<hbm>> -> memref<64x128xf32, #tpu.memory_space<hbm>>
    %dma_start3A_1399 = arith.constant 0 : i32
    %dma_start3A_1400 = arith.constant 0 : i32
    %dma_start3A_1401 = tpu.memref_slice %arg7[%dma_start3A_1390, %dma_start3A_1399, %dma_start3A_1400] : memref<8x64x128xf32, #tpu.memory_space<vmem>> -> memref<1x64x128xf32, #tpu.memory_space<vmem>>
    %dma_start3A_1402 = tpu.memref_squeeze %dma_start3A_1401 : memref<1x64x128xf32, #tpu.memory_space<vmem>> -> memref<64x128xf32, #tpu.memory_space<vmem>>
    tpu.enqueue_dma source(%dma_start3A_1402 : memref<64x128xf32, #tpu.memory_space<vmem>>) target(%dma_start3A_1398 : memref<64x128xf32, #tpu.memory_space<hbm>>) target_semaphore(%arg18 : memref<!tpu.dma_semaphore, #tpu.memory_space<semaphore_mem>>)
    %dma_wait3A_1403 = arith.constant 1 : i32
    %dma_wait3A_1404 = arith.constant 4 : i32
    %dma_wait3A_1405 = arith.constant 3 : i32
    %dma_wait3A_1406 = arith.constant 0 : i32
    %dma_wait3A_1407 = arith.constant 0 : i32
    %dma_wait3A_1408 = tpu.memref_slice %arg7[%dma_wait3A_1405, %dma_wait3A_1406, %dma_wait3A_1407] : memref<8x64x128xf32, #tpu.memory_space<vmem>> -> memref<1x64x128xf32, #tpu.memory_space<vmem>>
    %dma_wait3A_1409 = tpu.memref_squeeze %dma_wait3A_1408 : memref<1x64x128xf32, #tpu.memory_space<vmem>> -> memref<64x128xf32, #tpu.memory_space<vmem>>
    %dma_wait3A_1410 = arith.constant 64 : i32
    %dma_wait3A_1411 = tpu.memref_slice %arg6[%dma_wait3A_1403, %dma_wait3A_1404, %dma_wait3A_1410] : memref<4x5x128xi32, #tpu.memory_space<vmem>> -> memref<1x1x64xi32, #tpu.memory_space<vmem>>
    %dma_wait3A_1412 = tpu.memref_squeeze %dma_wait3A_1411 : memref<1x1x64xi32, #tpu.memory_space<vmem>> -> memref<64xi32, #tpu.memory_space<vmem>>
    %dma_wait3A_1413 = arith.constant 0 : i32
    %dma_wait3A_1414 = arith.constant 0 : i32
    %dma_wait3A_1415 = tpu.memref_slice %arg3[%dma_wait3A_1413, %dma_wait3A_1414] : memref<100000x128xf32, #tpu.memory_space<hbm>> -> memref<100000x128xf32, #tpu.memory_space<hbm>>
    tpu.wait_indirect_dma semaphore(%arg13 : memref<!tpu.dma_semaphore, #tpu.memory_space<semaphore_mem>>) src(%dma_wait3A_1415 : memref<100000x128xf32, #tpu.memory_space<hbm>>) dst(%dma_wait3A_1409 : memref<64x128xf32, #tpu.memory_space<vmem>>)
    %add3A_1416 = arith.constant 192 : i32
    %add3A_1417 = arith.addi %mul3A_2, %add3A_1416 : i32
    %dma_start3A_1418 = arith.constant 3 : i32
    %dma_start3A_1419 = arith.constant 0 : i32
    %dma_start3A_1420 = arith.constant 0 : i32
    %dma_start3A_1421 = tpu.memref_slice %arg7[%dma_start3A_1418, %dma_start3A_1419, %dma_start3A_1420] : memref<8x64x128xf32, #tpu.memory_space<vmem>> -> memref<1x64x128xf32, #tpu.memory_space<vmem>>
    %dma_start3A_1422 = tpu.memref_squeeze %dma_start3A_1421 : memref<1x64x128xf32, #tpu.memory_space<vmem>> -> memref<64x128xf32, #tpu.memory_space<vmem>>
    %dma_start3A_1423 = arith.constant 0 : i32
    %dma_start3A_1424 = tpu.memref_slice %arg5[%add3A_1417, %dma_start3A_1423] : memref<16384x128xf32, #tpu.memory_space<hbm>> -> memref<64x128xf32, #tpu.memory_space<hbm>>
    %dma_start3A_1425 = arith.constant 0 : i32
    %dma_start3A_1426 = tpu.memref_slice %arg5[%add3A_1417, %dma_start3A_1425] : memref<16384x128xf32, #tpu.memory_space<hbm>> -> memref<64x128xf32, #tpu.memory_space<hbm>>
    %dma_start3A_1427 = arith.constant 0 : i32
    %dma_start3A_1428 = arith.constant 0 : i32
    %dma_start3A_1429 = tpu.memref_slice %arg7[%dma_start3A_1418, %dma_start3A_1427, %dma_start3A_1428] : memref<8x64x128xf32, #tpu.memory_space<vmem>> -> memref<1x64x128xf32, #tpu.memory_space<vmem>>
    %dma_start3A_1430 = tpu.memref_squeeze %dma_start3A_1429 : memref<1x64x128xf32, #tpu.memory_space<vmem>> -> memref<64x128xf32, #tpu.memory_space<vmem>>
    tpu.enqueue_dma source(%dma_start3A_1430 : memref<64x128xf32, #tpu.memory_space<vmem>>) target(%dma_start3A_1426 : memref<64x128xf32, #tpu.memory_space<hbm>>) target_semaphore(%arg18 : memref<!tpu.dma_semaphore, #tpu.memory_space<semaphore_mem>>)
    %dma_wait3A_1431 = arith.constant 2 : i32
    %dma_wait3A_1432 = arith.constant 4 : i32
    %dma_wait3A_1433 = arith.constant 4 : i32
    %dma_wait3A_1434 = arith.constant 0 : i32
    %dma_wait3A_1435 = arith.constant 0 : i32
    %dma_wait3A_1436 = tpu.memref_slice %arg7[%dma_wait3A_1433, %dma_wait3A_1434, %dma_wait3A_1435] : memref<8x64x128xf32, #tpu.memory_space<vmem>> -> memref<1x64x128xf32, #tpu.memory_space<vmem>>
    %dma_wait3A_1437 = tpu.memref_squeeze %dma_wait3A_1436 : memref<1x64x128xf32, #tpu.memory_space<vmem>> -> memref<64x128xf32, #tpu.memory_space<vmem>>
    %dma_wait3A_1438 = arith.constant 0 : i32
    %dma_wait3A_1439 = tpu.memref_slice %arg6[%dma_wait3A_1431, %dma_wait3A_1432, %dma_wait3A_1438] : memref<4x5x128xi32, #tpu.memory_space<vmem>> -> memref<1x1x64xi32, #tpu.memory_space<vmem>>
    %dma_wait3A_1440 = tpu.memref_squeeze %dma_wait3A_1439 : memref<1x1x64xi32, #tpu.memory_space<vmem>> -> memref<64xi32, #tpu.memory_space<vmem>>
    %dma_wait3A_1441 = arith.constant 0 : i32
    %dma_wait3A_1442 = arith.constant 0 : i32
    %dma_wait3A_1443 = tpu.memref_slice %arg3[%dma_wait3A_1441, %dma_wait3A_1442] : memref<100000x128xf32, #tpu.memory_space<hbm>> -> memref<100000x128xf32, #tpu.memory_space<hbm>>
    tpu.wait_indirect_dma semaphore(%arg14 : memref<!tpu.dma_semaphore, #tpu.memory_space<semaphore_mem>>) src(%dma_wait3A_1443 : memref<100000x128xf32, #tpu.memory_space<hbm>>) dst(%dma_wait3A_1437 : memref<64x128xf32, #tpu.memory_space<vmem>>)
    %add3A_1444 = arith.constant 256 : i32
    %add3A_1445 = arith.addi %mul3A_2, %add3A_1444 : i32
    %dma_start3A_1446 = arith.constant 4 : i32
    %dma_start3A_1447 = arith.constant 0 : i32
    %dma_start3A_1448 = arith.constant 0 : i32
    %dma_start3A_1449 = tpu.memref_slice %arg7[%dma_start3A_1446, %dma_start3A_1447, %dma_start3A_1448] : memref<8x64x128xf32, #tpu.memory_space<vmem>> -> memref<1x64x128xf32, #tpu.memory_space<vmem>>
    %dma_start3A_1450 = tpu.memref_squeeze %dma_start3A_1449 : memref<1x64x128xf32, #tpu.memory_space<vmem>> -> memref<64x128xf32, #tpu.memory_space<vmem>>
    %dma_start3A_1451 = arith.constant 0 : i32
    %dma_start3A_1452 = tpu.memref_slice %arg5[%add3A_1445, %dma_start3A_1451] : memref<16384x128xf32, #tpu.memory_space<hbm>> -> memref<64x128xf32, #tpu.memory_space<hbm>>
    %dma_start3A_1453 = arith.constant 0 : i32
    %dma_start3A_1454 = tpu.memref_slice %arg5[%add3A_1445, %dma_start3A_1453] : memref<16384x128xf32, #tpu.memory_space<hbm>> -> memref<64x128xf32, #tpu.memory_space<hbm>>
    %dma_start3A_1455 = arith.constant 0 : i32
    %dma_start3A_1456 = arith.constant 0 : i32
    %dma_start3A_1457 = tpu.memref_slice %arg7[%dma_start3A_1446, %dma_start3A_1455, %dma_start3A_1456] : memref<8x64x128xf32, #tpu.memory_space<vmem>> -> memref<1x64x128xf32, #tpu.memory_space<vmem>>
    %dma_start3A_1458 = tpu.memref_squeeze %dma_start3A_1457 : memref<1x64x128xf32, #tpu.memory_space<vmem>> -> memref<64x128xf32, #tpu.memory_space<vmem>>
    tpu.enqueue_dma source(%dma_start3A_1458 : memref<64x128xf32, #tpu.memory_space<vmem>>) target(%dma_start3A_1454 : memref<64x128xf32, #tpu.memory_space<hbm>>) target_semaphore(%arg18 : memref<!tpu.dma_semaphore, #tpu.memory_space<semaphore_mem>>)
    %dma_wait3A_1459 = arith.constant 2 : i32
    %dma_wait3A_1460 = arith.constant 4 : i32
    %dma_wait3A_1461 = arith.constant 5 : i32
    %dma_wait3A_1462 = arith.constant 0 : i32
    %dma_wait3A_1463 = arith.constant 0 : i32
    %dma_wait3A_1464 = tpu.memref_slice %arg7[%dma_wait3A_1461, %dma_wait3A_1462, %dma_wait3A_1463] : memref<8x64x128xf32, #tpu.memory_space<vmem>> -> memref<1x64x128xf32, #tpu.memory_space<vmem>>
    %dma_wait3A_1465 = tpu.memref_squeeze %dma_wait3A_1464 : memref<1x64x128xf32, #tpu.memory_space<vmem>> -> memref<64x128xf32, #tpu.memory_space<vmem>>
    %dma_wait3A_1466 = arith.constant 64 : i32
    %dma_wait3A_1467 = tpu.memref_slice %arg6[%dma_wait3A_1459, %dma_wait3A_1460, %dma_wait3A_1466] : memref<4x5x128xi32, #tpu.memory_space<vmem>> -> memref<1x1x64xi32, #tpu.memory_space<vmem>>
    %dma_wait3A_1468 = tpu.memref_squeeze %dma_wait3A_1467 : memref<1x1x64xi32, #tpu.memory_space<vmem>> -> memref<64xi32, #tpu.memory_space<vmem>>
    %dma_wait3A_1469 = arith.constant 0 : i32
    %dma_wait3A_1470 = arith.constant 0 : i32
    %dma_wait3A_1471 = tpu.memref_slice %arg3[%dma_wait3A_1469, %dma_wait3A_1470] : memref<100000x128xf32, #tpu.memory_space<hbm>> -> memref<100000x128xf32, #tpu.memory_space<hbm>>
    tpu.wait_indirect_dma semaphore(%arg15 : memref<!tpu.dma_semaphore, #tpu.memory_space<semaphore_mem>>) src(%dma_wait3A_1471 : memref<100000x128xf32, #tpu.memory_space<hbm>>) dst(%dma_wait3A_1465 : memref<64x128xf32, #tpu.memory_space<vmem>>)
    %add3A_1472 = arith.constant 320 : i32
    %add3A_1473 = arith.addi %mul3A_2, %add3A_1472 : i32
    %dma_start3A_1474 = arith.constant 5 : i32
    %dma_start3A_1475 = arith.constant 0 : i32
    %dma_start3A_1476 = arith.constant 0 : i32
    %dma_start3A_1477 = tpu.memref_slice %arg7[%dma_start3A_1474, %dma_start3A_1475, %dma_start3A_1476] : memref<8x64x128xf32, #tpu.memory_space<vmem>> -> memref<1x64x128xf32, #tpu.memory_space<vmem>>
    %dma_start3A_1478 = tpu.memref_squeeze %dma_start3A_1477 : memref<1x64x128xf32, #tpu.memory_space<vmem>> -> memref<64x128xf32, #tpu.memory_space<vmem>>
    %dma_start3A_1479 = arith.constant 0 : i32
    %dma_start3A_1480 = tpu.memref_slice %arg5[%add3A_1473, %dma_start3A_1479] : memref<16384x128xf32, #tpu.memory_space<hbm>> -> memref<64x128xf32, #tpu.memory_space<hbm>>
    %dma_start3A_1481 = arith.constant 0 : i32
    %dma_start3A_1482 = tpu.memref_slice %arg5[%add3A_1473, %dma_start3A_1481] : memref<16384x128xf32, #tpu.memory_space<hbm>> -> memref<64x128xf32, #tpu.memory_space<hbm>>
    %dma_start3A_1483 = arith.constant 0 : i32
    %dma_start3A_1484 = arith.constant 0 : i32
    %dma_start3A_1485 = tpu.memref_slice %arg7[%dma_start3A_1474, %dma_start3A_1483, %dma_start3A_1484] : memref<8x64x128xf32, #tpu.memory_space<vmem>> -> memref<1x64x128xf32, #tpu.memory_space<vmem>>
    %dma_start3A_1486 = tpu.memref_squeeze %dma_start3A_1485 : memref<1x64x128xf32, #tpu.memory_space<vmem>> -> memref<64x128xf32, #tpu.memory_space<vmem>>
    tpu.enqueue_dma source(%dma_start3A_1486 : memref<64x128xf32, #tpu.memory_space<vmem>>) target(%dma_start3A_1482 : memref<64x128xf32, #tpu.memory_space<hbm>>) target_semaphore(%arg18 : memref<!tpu.dma_semaphore, #tpu.memory_space<semaphore_mem>>)
    %dma_wait3A_1487 = arith.constant 3 : i32
    %dma_wait3A_1488 = arith.constant 4 : i32
    %dma_wait3A_1489 = arith.constant 6 : i32
    %dma_wait3A_1490 = arith.constant 0 : i32
    %dma_wait3A_1491 = arith.constant 0 : i32
    %dma_wait3A_1492 = tpu.memref_slice %arg7[%dma_wait3A_1489, %dma_wait3A_1490, %dma_wait3A_1491] : memref<8x64x128xf32, #tpu.memory_space<vmem>> -> memref<1x64x128xf32, #tpu.memory_space<vmem>>
    %dma_wait3A_1493 = tpu.memref_squeeze %dma_wait3A_1492 : memref<1x64x128xf32, #tpu.memory_space<vmem>> -> memref<64x128xf32, #tpu.memory_space<vmem>>
    %dma_wait3A_1494 = arith.constant 0 : i32
    %dma_wait3A_1495 = tpu.memref_slice %arg6[%dma_wait3A_1487, %dma_wait3A_1488, %dma_wait3A_1494] : memref<4x5x128xi32, #tpu.memory_space<vmem>> -> memref<1x1x64xi32, #tpu.memory_space<vmem>>
    %dma_wait3A_1496 = tpu.memref_squeeze %dma_wait3A_1495 : memref<1x1x64xi32, #tpu.memory_space<vmem>> -> memref<64xi32, #tpu.memory_space<vmem>>
    %dma_wait3A_1497 = arith.constant 0 : i32
    %dma_wait3A_1498 = arith.constant 0 : i32
    %dma_wait3A_1499 = tpu.memref_slice %arg3[%dma_wait3A_1497, %dma_wait3A_1498] : memref<100000x128xf32, #tpu.memory_space<hbm>> -> memref<100000x128xf32, #tpu.memory_space<hbm>>
    tpu.wait_indirect_dma semaphore(%arg16 : memref<!tpu.dma_semaphore, #tpu.memory_space<semaphore_mem>>) src(%dma_wait3A_1499 : memref<100000x128xf32, #tpu.memory_space<hbm>>) dst(%dma_wait3A_1493 : memref<64x128xf32, #tpu.memory_space<vmem>>)
    %add3A_1500 = arith.constant 384 : i32
    %add3A_1501 = arith.addi %mul3A_2, %add3A_1500 : i32
    %dma_start3A_1502 = arith.constant 6 : i32
    %dma_start3A_1503 = arith.constant 0 : i32
    %dma_start3A_1504 = arith.constant 0 : i32
    %dma_start3A_1505 = tpu.memref_slice %arg7[%dma_start3A_1502, %dma_start3A_1503, %dma_start3A_1504] : memref<8x64x128xf32, #tpu.memory_space<vmem>> -> memref<1x64x128xf32, #tpu.memory_space<vmem>>
    %dma_start3A_1506 = tpu.memref_squeeze %dma_start3A_1505 : memref<1x64x128xf32, #tpu.memory_space<vmem>> -> memref<64x128xf32, #tpu.memory_space<vmem>>
    %dma_start3A_1507 = arith.constant 0 : i32
    %dma_start3A_1508 = tpu.memref_slice %arg5[%add3A_1501, %dma_start3A_1507] : memref<16384x128xf32, #tpu.memory_space<hbm>> -> memref<64x128xf32, #tpu.memory_space<hbm>>
    %dma_start3A_1509 = arith.constant 0 : i32
    %dma_start3A_1510 = tpu.memref_slice %arg5[%add3A_1501, %dma_start3A_1509] : memref<16384x128xf32, #tpu.memory_space<hbm>> -> memref<64x128xf32, #tpu.memory_space<hbm>>
    %dma_start3A_1511 = arith.constant 0 : i32
    %dma_start3A_1512 = arith.constant 0 : i32
    %dma_start3A_1513 = tpu.memref_slice %arg7[%dma_start3A_1502, %dma_start3A_1511, %dma_start3A_1512] : memref<8x64x128xf32, #tpu.memory_space<vmem>> -> memref<1x64x128xf32, #tpu.memory_space<vmem>>
    %dma_start3A_1514 = tpu.memref_squeeze %dma_start3A_1513 : memref<1x64x128xf32, #tpu.memory_space<vmem>> -> memref<64x128xf32, #tpu.memory_space<vmem>>
    tpu.enqueue_dma source(%dma_start3A_1514 : memref<64x128xf32, #tpu.memory_space<vmem>>) target(%dma_start3A_1510 : memref<64x128xf32, #tpu.memory_space<hbm>>) target_semaphore(%arg18 : memref<!tpu.dma_semaphore, #tpu.memory_space<semaphore_mem>>)
    %dma_wait3A_1515 = arith.constant 3 : i32
    %dma_wait3A_1516 = arith.constant 4 : i32
    %dma_wait3A_1517 = arith.constant 7 : i32
    %dma_wait3A_1518 = arith.constant 0 : i32
    %dma_wait3A_1519 = arith.constant 0 : i32
    %dma_wait3A_1520 = tpu.memref_slice %arg7[%dma_wait3A_1517, %dma_wait3A_1518, %dma_wait3A_1519] : memref<8x64x128xf32, #tpu.memory_space<vmem>> -> memref<1x64x128xf32, #tpu.memory_space<vmem>>
    %dma_wait3A_1521 = tpu.memref_squeeze %dma_wait3A_1520 : memref<1x64x128xf32, #tpu.memory_space<vmem>> -> memref<64x128xf32, #tpu.memory_space<vmem>>
    %dma_wait3A_1522 = arith.constant 64 : i32
    %dma_wait3A_1523 = tpu.memref_slice %arg6[%dma_wait3A_1515, %dma_wait3A_1516, %dma_wait3A_1522] : memref<4x5x128xi32, #tpu.memory_space<vmem>> -> memref<1x1x64xi32, #tpu.memory_space<vmem>>
    %dma_wait3A_1524 = tpu.memref_squeeze %dma_wait3A_1523 : memref<1x1x64xi32, #tpu.memory_space<vmem>> -> memref<64xi32, #tpu.memory_space<vmem>>
    %dma_wait3A_1525 = arith.constant 0 : i32
    %dma_wait3A_1526 = arith.constant 0 : i32
    %dma_wait3A_1527 = tpu.memref_slice %arg3[%dma_wait3A_1525, %dma_wait3A_1526] : memref<100000x128xf32, #tpu.memory_space<hbm>> -> memref<100000x128xf32, #tpu.memory_space<hbm>>
    tpu.wait_indirect_dma semaphore(%arg17 : memref<!tpu.dma_semaphore, #tpu.memory_space<semaphore_mem>>) src(%dma_wait3A_1527 : memref<100000x128xf32, #tpu.memory_space<hbm>>) dst(%dma_wait3A_1521 : memref<64x128xf32, #tpu.memory_space<vmem>>)
    %add3A_1528 = arith.constant 448 : i32
    %add3A_1529 = arith.addi %mul3A_2, %add3A_1528 : i32
    %dma_start3A_1530 = arith.constant 7 : i32
    %dma_start3A_1531 = arith.constant 0 : i32
    %dma_start3A_1532 = arith.constant 0 : i32
    %dma_start3A_1533 = tpu.memref_slice %arg7[%dma_start3A_1530, %dma_start3A_1531, %dma_start3A_1532] : memref<8x64x128xf32, #tpu.memory_space<vmem>> -> memref<1x64x128xf32, #tpu.memory_space<vmem>>
    %dma_start3A_1534 = tpu.memref_squeeze %dma_start3A_1533 : memref<1x64x128xf32, #tpu.memory_space<vmem>> -> memref<64x128xf32, #tpu.memory_space<vmem>>
    %dma_start3A_1535 = arith.constant 0 : i32
    %dma_start3A_1536 = tpu.memref_slice %arg5[%add3A_1529, %dma_start3A_1535] : memref<16384x128xf32, #tpu.memory_space<hbm>> -> memref<64x128xf32, #tpu.memory_space<hbm>>
    %dma_start3A_1537 = arith.constant 0 : i32
    %dma_start3A_1538 = tpu.memref_slice %arg5[%add3A_1529, %dma_start3A_1537] : memref<16384x128xf32, #tpu.memory_space<hbm>> -> memref<64x128xf32, #tpu.memory_space<hbm>>
    %dma_start3A_1539 = arith.constant 0 : i32
    %dma_start3A_1540 = arith.constant 0 : i32
    %dma_start3A_1541 = tpu.memref_slice %arg7[%dma_start3A_1530, %dma_start3A_1539, %dma_start3A_1540] : memref<8x64x128xf32, #tpu.memory_space<vmem>> -> memref<1x64x128xf32, #tpu.memory_space<vmem>>
    %dma_start3A_1542 = tpu.memref_squeeze %dma_start3A_1541 : memref<1x64x128xf32, #tpu.memory_space<vmem>> -> memref<64x128xf32, #tpu.memory_space<vmem>>
    tpu.enqueue_dma source(%dma_start3A_1542 : memref<64x128xf32, #tpu.memory_space<vmem>>) target(%dma_start3A_1538 : memref<64x128xf32, #tpu.memory_space<hbm>>) target_semaphore(%arg18 : memref<!tpu.dma_semaphore, #tpu.memory_space<semaphore_mem>>)
    %dma_wait3A_1543 = arith.constant 0 : i32
    %dma_wait3A_1544 = arith.constant 0 : i32
    %dma_wait3A_1545 = arith.constant 0 : i32
    %dma_wait3A_1546 = tpu.memref_slice %arg7[%dma_wait3A_1543, %dma_wait3A_1544, %dma_wait3A_1545] : memref<8x64x128xf32, #tpu.memory_space<vmem>> -> memref<1x64x128xf32, #tpu.memory_space<vmem>>
    %dma_wait3A_1547 = tpu.memref_squeeze %dma_wait3A_1546 : memref<1x64x128xf32, #tpu.memory_space<vmem>> -> memref<64x128xf32, #tpu.memory_space<vmem>>
    %dma_wait3A_1548 = arith.constant 0 : i32
    %dma_wait3A_1549 = tpu.memref_slice %arg5[%add3A_1333, %dma_wait3A_1548] : memref<16384x128xf32, #tpu.memory_space<hbm>> -> memref<64x128xf32, #tpu.memory_space<hbm>>
    %dma_wait3A_1550 = arith.constant 0 : i32
    %dma_wait3A_1551 = tpu.memref_slice %arg5[%add3A_1333, %dma_wait3A_1550] : memref<16384x128xf32, #tpu.memory_space<hbm>> -> memref<64x128xf32, #tpu.memory_space<hbm>>
    %dma_wait3A_1552 = arith.constant 0 : i32
    %dma_wait3A_1553 = arith.constant 0 : i32
    %dma_wait3A_1554 = tpu.memref_slice %arg7[%dma_wait3A_1543, %dma_wait3A_1552, %dma_wait3A_1553] : memref<8x64x128xf32, #tpu.memory_space<vmem>> -> memref<1x64x128xf32, #tpu.memory_space<vmem>>
    %dma_wait3A_1555 = tpu.memref_squeeze %dma_wait3A_1554 : memref<1x64x128xf32, #tpu.memory_space<vmem>> -> memref<64x128xf32, #tpu.memory_space<vmem>>
    tpu.wait_dma2 semaphore(%arg18 : memref<!tpu.dma_semaphore, #tpu.memory_space<semaphore_mem>>) src(%dma_wait3A_1555 : memref<64x128xf32, #tpu.memory_space<vmem>>) dst(%dma_wait3A_1551 : memref<64x128xf32, #tpu.memory_space<hbm>>)
    %dma_wait3A_1556 = arith.constant 1 : i32
    %dma_wait3A_1557 = arith.constant 0 : i32
    %dma_wait3A_1558 = arith.constant 0 : i32
    %dma_wait3A_1559 = tpu.memref_slice %arg7[%dma_wait3A_1556, %dma_wait3A_1557, %dma_wait3A_1558] : memref<8x64x128xf32, #tpu.memory_space<vmem>> -> memref<1x64x128xf32, #tpu.memory_space<vmem>>
    %dma_wait3A_1560 = tpu.memref_squeeze %dma_wait3A_1559 : memref<1x64x128xf32, #tpu.memory_space<vmem>> -> memref<64x128xf32, #tpu.memory_space<vmem>>
    %dma_wait3A_1561 = arith.constant 0 : i32
    %dma_wait3A_1562 = tpu.memref_slice %arg5[%add3A_1361, %dma_wait3A_1561] : memref<16384x128xf32, #tpu.memory_space<hbm>> -> memref<64x128xf32, #tpu.memory_space<hbm>>
    %dma_wait3A_1563 = arith.constant 0 : i32
    %dma_wait3A_1564 = tpu.memref_slice %arg5[%add3A_1361, %dma_wait3A_1563] : memref<16384x128xf32, #tpu.memory_space<hbm>> -> memref<64x128xf32, #tpu.memory_space<hbm>>
    %dma_wait3A_1565 = arith.constant 0 : i32
    %dma_wait3A_1566 = arith.constant 0 : i32
    %dma_wait3A_1567 = tpu.memref_slice %arg7[%dma_wait3A_1556, %dma_wait3A_1565, %dma_wait3A_1566] : memref<8x64x128xf32, #tpu.memory_space<vmem>> -> memref<1x64x128xf32, #tpu.memory_space<vmem>>
    %dma_wait3A_1568 = tpu.memref_squeeze %dma_wait3A_1567 : memref<1x64x128xf32, #tpu.memory_space<vmem>> -> memref<64x128xf32, #tpu.memory_space<vmem>>
    tpu.wait_dma2 semaphore(%arg18 : memref<!tpu.dma_semaphore, #tpu.memory_space<semaphore_mem>>) src(%dma_wait3A_1568 : memref<64x128xf32, #tpu.memory_space<vmem>>) dst(%dma_wait3A_1564 : memref<64x128xf32, #tpu.memory_space<hbm>>)
    %dma_wait3A_1569 = arith.constant 2 : i32
    %dma_wait3A_1570 = arith.constant 0 : i32
    %dma_wait3A_1571 = arith.constant 0 : i32
    %dma_wait3A_1572 = tpu.memref_slice %arg7[%dma_wait3A_1569, %dma_wait3A_1570, %dma_wait3A_1571] : memref<8x64x128xf32, #tpu.memory_space<vmem>> -> memref<1x64x128xf32, #tpu.memory_space<vmem>>
    %dma_wait3A_1573 = tpu.memref_squeeze %dma_wait3A_1572 : memref<1x64x128xf32, #tpu.memory_space<vmem>> -> memref<64x128xf32, #tpu.memory_space<vmem>>
    %dma_wait3A_1574 = arith.constant 0 : i32
    %dma_wait3A_1575 = tpu.memref_slice %arg5[%add3A_1389, %dma_wait3A_1574] : memref<16384x128xf32, #tpu.memory_space<hbm>> -> memref<64x128xf32, #tpu.memory_space<hbm>>
    %dma_wait3A_1576 = arith.constant 0 : i32
    %dma_wait3A_1577 = tpu.memref_slice %arg5[%add3A_1389, %dma_wait3A_1576] : memref<16384x128xf32, #tpu.memory_space<hbm>> -> memref<64x128xf32, #tpu.memory_space<hbm>>
    %dma_wait3A_1578 = arith.constant 0 : i32
    %dma_wait3A_1579 = arith.constant 0 : i32
    %dma_wait3A_1580 = tpu.memref_slice %arg7[%dma_wait3A_1569, %dma_wait3A_1578, %dma_wait3A_1579] : memref<8x64x128xf32, #tpu.memory_space<vmem>> -> memref<1x64x128xf32, #tpu.memory_space<vmem>>
    %dma_wait3A_1581 = tpu.memref_squeeze %dma_wait3A_1580 : memref<1x64x128xf32, #tpu.memory_space<vmem>> -> memref<64x128xf32, #tpu.memory_space<vmem>>
    tpu.wait_dma2 semaphore(%arg18 : memref<!tpu.dma_semaphore, #tpu.memory_space<semaphore_mem>>) src(%dma_wait3A_1581 : memref<64x128xf32, #tpu.memory_space<vmem>>) dst(%dma_wait3A_1577 : memref<64x128xf32, #tpu.memory_space<hbm>>)
    %dma_wait3A_1582 = arith.constant 3 : i32
    %dma_wait3A_1583 = arith.constant 0 : i32
    %dma_wait3A_1584 = arith.constant 0 : i32
    %dma_wait3A_1585 = tpu.memref_slice %arg7[%dma_wait3A_1582, %dma_wait3A_1583, %dma_wait3A_1584] : memref<8x64x128xf32, #tpu.memory_space<vmem>> -> memref<1x64x128xf32, #tpu.memory_space<vmem>>
    %dma_wait3A_1586 = tpu.memref_squeeze %dma_wait3A_1585 : memref<1x64x128xf32, #tpu.memory_space<vmem>> -> memref<64x128xf32, #tpu.memory_space<vmem>>
    %dma_wait3A_1587 = arith.constant 0 : i32
    %dma_wait3A_1588 = tpu.memref_slice %arg5[%add3A_1417, %dma_wait3A_1587] : memref<16384x128xf32, #tpu.memory_space<hbm>> -> memref<64x128xf32, #tpu.memory_space<hbm>>
    %dma_wait3A_1589 = arith.constant 0 : i32
    %dma_wait3A_1590 = tpu.memref_slice %arg5[%add3A_1417, %dma_wait3A_1589] : memref<16384x128xf32, #tpu.memory_space<hbm>> -> memref<64x128xf32, #tpu.memory_space<hbm>>
    %dma_wait3A_1591 = arith.constant 0 : i32
    %dma_wait3A_1592 = arith.constant 0 : i32
    %dma_wait3A_1593 = tpu.memref_slice %arg7[%dma_wait3A_1582, %dma_wait3A_1591, %dma_wait3A_1592] : memref<8x64x128xf32, #tpu.memory_space<vmem>> -> memref<1x64x128xf32, #tpu.memory_space<vmem>>
    %dma_wait3A_1594 = tpu.memref_squeeze %dma_wait3A_1593 : memref<1x64x128xf32, #tpu.memory_space<vmem>> -> memref<64x128xf32, #tpu.memory_space<vmem>>
    tpu.wait_dma2 semaphore(%arg18 : memref<!tpu.dma_semaphore, #tpu.memory_space<semaphore_mem>>) src(%dma_wait3A_1594 : memref<64x128xf32, #tpu.memory_space<vmem>>) dst(%dma_wait3A_1590 : memref<64x128xf32, #tpu.memory_space<hbm>>)
    %dma_wait3A_1595 = arith.constant 4 : i32
    %dma_wait3A_1596 = arith.constant 0 : i32
    %dma_wait3A_1597 = arith.constant 0 : i32
    %dma_wait3A_1598 = tpu.memref_slice %arg7[%dma_wait3A_1595, %dma_wait3A_1596, %dma_wait3A_1597] : memref<8x64x128xf32, #tpu.memory_space<vmem>> -> memref<1x64x128xf32, #tpu.memory_space<vmem>>
    %dma_wait3A_1599 = tpu.memref_squeeze %dma_wait3A_1598 : memref<1x64x128xf32, #tpu.memory_space<vmem>> -> memref<64x128xf32, #tpu.memory_space<vmem>>
    %dma_wait3A_1600 = arith.constant 0 : i32
    %dma_wait3A_1601 = tpu.memref_slice %arg5[%add3A_1445, %dma_wait3A_1600] : memref<16384x128xf32, #tpu.memory_space<hbm>> -> memref<64x128xf32, #tpu.memory_space<hbm>>
    %dma_wait3A_1602 = arith.constant 0 : i32
    %dma_wait3A_1603 = tpu.memref_slice %arg5[%add3A_1445, %dma_wait3A_1602] : memref<16384x128xf32, #tpu.memory_space<hbm>> -> memref<64x128xf32, #tpu.memory_space<hbm>>
    %dma_wait3A_1604 = arith.constant 0 : i32
    %dma_wait3A_1605 = arith.constant 0 : i32
    %dma_wait3A_1606 = tpu.memref_slice %arg7[%dma_wait3A_1595, %dma_wait3A_1604, %dma_wait3A_1605] : memref<8x64x128xf32, #tpu.memory_space<vmem>> -> memref<1x64x128xf32, #tpu.memory_space<vmem>>
    %dma_wait3A_1607 = tpu.memref_squeeze %dma_wait3A_1606 : memref<1x64x128xf32, #tpu.memory_space<vmem>> -> memref<64x128xf32, #tpu.memory_space<vmem>>
    tpu.wait_dma2 semaphore(%arg18 : memref<!tpu.dma_semaphore, #tpu.memory_space<semaphore_mem>>) src(%dma_wait3A_1607 : memref<64x128xf32, #tpu.memory_space<vmem>>) dst(%dma_wait3A_1603 : memref<64x128xf32, #tpu.memory_space<hbm>>)
    %dma_wait3A_1608 = arith.constant 5 : i32
    %dma_wait3A_1609 = arith.constant 0 : i32
    %dma_wait3A_1610 = arith.constant 0 : i32
    %dma_wait3A_1611 = tpu.memref_slice %arg7[%dma_wait3A_1608, %dma_wait3A_1609, %dma_wait3A_1610] : memref<8x64x128xf32, #tpu.memory_space<vmem>> -> memref<1x64x128xf32, #tpu.memory_space<vmem>>
    %dma_wait3A_1612 = tpu.memref_squeeze %dma_wait3A_1611 : memref<1x64x128xf32, #tpu.memory_space<vmem>> -> memref<64x128xf32, #tpu.memory_space<vmem>>
    %dma_wait3A_1613 = arith.constant 0 : i32
    %dma_wait3A_1614 = tpu.memref_slice %arg5[%add3A_1473, %dma_wait3A_1613] : memref<16384x128xf32, #tpu.memory_space<hbm>> -> memref<64x128xf32, #tpu.memory_space<hbm>>
    %dma_wait3A_1615 = arith.constant 0 : i32
    %dma_wait3A_1616 = tpu.memref_slice %arg5[%add3A_1473, %dma_wait3A_1615] : memref<16384x128xf32, #tpu.memory_space<hbm>> -> memref<64x128xf32, #tpu.memory_space<hbm>>
    %dma_wait3A_1617 = arith.constant 0 : i32
    %dma_wait3A_1618 = arith.constant 0 : i32
    %dma_wait3A_1619 = tpu.memref_slice %arg7[%dma_wait3A_1608, %dma_wait3A_1617, %dma_wait3A_1618] : memref<8x64x128xf32, #tpu.memory_space<vmem>> -> memref<1x64x128xf32, #tpu.memory_space<vmem>>
    %dma_wait3A_1620 = tpu.memref_squeeze %dma_wait3A_1619 : memref<1x64x128xf32, #tpu.memory_space<vmem>> -> memref<64x128xf32, #tpu.memory_space<vmem>>
    tpu.wait_dma2 semaphore(%arg18 : memref<!tpu.dma_semaphore, #tpu.memory_space<semaphore_mem>>) src(%dma_wait3A_1620 : memref<64x128xf32, #tpu.memory_space<vmem>>) dst(%dma_wait3A_1616 : memref<64x128xf32, #tpu.memory_space<hbm>>)
    %dma_wait3A_1621 = arith.constant 6 : i32
    %dma_wait3A_1622 = arith.constant 0 : i32
    %dma_wait3A_1623 = arith.constant 0 : i32
    %dma_wait3A_1624 = tpu.memref_slice %arg7[%dma_wait3A_1621, %dma_wait3A_1622, %dma_wait3A_1623] : memref<8x64x128xf32, #tpu.memory_space<vmem>> -> memref<1x64x128xf32, #tpu.memory_space<vmem>>
    %dma_wait3A_1625 = tpu.memref_squeeze %dma_wait3A_1624 : memref<1x64x128xf32, #tpu.memory_space<vmem>> -> memref<64x128xf32, #tpu.memory_space<vmem>>
    %dma_wait3A_1626 = arith.constant 0 : i32
    %dma_wait3A_1627 = tpu.memref_slice %arg5[%add3A_1501, %dma_wait3A_1626] : memref<16384x128xf32, #tpu.memory_space<hbm>> -> memref<64x128xf32, #tpu.memory_space<hbm>>
    %dma_wait3A_1628 = arith.constant 0 : i32
    %dma_wait3A_1629 = tpu.memref_slice %arg5[%add3A_1501, %dma_wait3A_1628] : memref<16384x128xf32, #tpu.memory_space<hbm>> -> memref<64x128xf32, #tpu.memory_space<hbm>>
    %dma_wait3A_1630 = arith.constant 0 : i32
    %dma_wait3A_1631 = arith.constant 0 : i32
    %dma_wait3A_1632 = tpu.memref_slice %arg7[%dma_wait3A_1621, %dma_wait3A_1630, %dma_wait3A_1631] : memref<8x64x128xf32, #tpu.memory_space<vmem>> -> memref<1x64x128xf32, #tpu.memory_space<vmem>>
    %dma_wait3A_1633 = tpu.memref_squeeze %dma_wait3A_1632 : memref<1x64x128xf32, #tpu.memory_space<vmem>> -> memref<64x128xf32, #tpu.memory_space<vmem>>
    tpu.wait_dma2 semaphore(%arg18 : memref<!tpu.dma_semaphore, #tpu.memory_space<semaphore_mem>>) src(%dma_wait3A_1633 : memref<64x128xf32, #tpu.memory_space<vmem>>) dst(%dma_wait3A_1629 : memref<64x128xf32, #tpu.memory_space<hbm>>)
    %dma_wait3A_1634 = arith.constant 7 : i32
    %dma_wait3A_1635 = arith.constant 0 : i32
    %dma_wait3A_1636 = arith.constant 0 : i32
    %dma_wait3A_1637 = tpu.memref_slice %arg7[%dma_wait3A_1634, %dma_wait3A_1635, %dma_wait3A_1636] : memref<8x64x128xf32, #tpu.memory_space<vmem>> -> memref<1x64x128xf32, #tpu.memory_space<vmem>>
    %dma_wait3A_1638 = tpu.memref_squeeze %dma_wait3A_1637 : memref<1x64x128xf32, #tpu.memory_space<vmem>> -> memref<64x128xf32, #tpu.memory_space<vmem>>
    %dma_wait3A_1639 = arith.constant 0 : i32
    %dma_wait3A_1640 = tpu.memref_slice %arg5[%add3A_1529, %dma_wait3A_1639] : memref<16384x128xf32, #tpu.memory_space<hbm>> -> memref<64x128xf32, #tpu.memory_space<hbm>>
    %dma_wait3A_1641 = arith.constant 0 : i32
    %dma_wait3A_1642 = tpu.memref_slice %arg5[%add3A_1529, %dma_wait3A_1641] : memref<16384x128xf32, #tpu.memory_space<hbm>> -> memref<64x128xf32, #tpu.memory_space<hbm>>
    %dma_wait3A_1643 = arith.constant 0 : i32
    %dma_wait3A_1644 = arith.constant 0 : i32
    %dma_wait3A_1645 = tpu.memref_slice %arg7[%dma_wait3A_1634, %dma_wait3A_1643, %dma_wait3A_1644] : memref<8x64x128xf32, #tpu.memory_space<vmem>> -> memref<1x64x128xf32, #tpu.memory_space<vmem>>
    %dma_wait3A_1646 = tpu.memref_squeeze %dma_wait3A_1645 : memref<1x64x128xf32, #tpu.memory_space<vmem>> -> memref<64x128xf32, #tpu.memory_space<vmem>>
    tpu.wait_dma2 semaphore(%arg18 : memref<!tpu.dma_semaphore, #tpu.memory_space<semaphore_mem>>) src(%dma_wait3A_1646 : memref<64x128xf32, #tpu.memory_space<vmem>>) dst(%dma_wait3A_1642 : memref<64x128xf32, #tpu.memory_space<hbm>>)
    return
  }
}

</mosaic_0001>

<sc_bundles>
// kernel: kernel.3.cloned.1.call-start
scs
__scs_entry_jumppad:
0x0: {  	(pc) =	sbr.rel $0x88, $3  }
0x1: {  	(tag) =	ssettag $0x0;
	lr =	simm.s32 $0x1  }
0x2: {  	[smem:$0x3F9E] =	sst lr;
	_ =	strace $0xD0000000  }
0x3: {  	_ = 	snop  }
0x4: {  	_ = 	snop  }
0x5: {  	_ = 	snop  }
0x6: {  	_ = 	snop  }
0x7: {  	_ = 	snop  }
__scs_overlays_trampoline_lowered:
0x8: {  	[smem:$0x3FAD] =	sst s0  }
0x9: {  	[smem:$0x3FAE] =	sst s1  }
0xa: {  	[smem:$0x3FAF] =	sst s2  }
0xb: {  	[smem:$0x3FB0] =	sst s3  }
0xc: {  	[smem:$0x3FB1] =	sst s4  }
0xd: {  	[smem:$0x3FB2] =	sst s5  }
0xe: {  	[smem:$0x3FB3] =	sst s6  }
0xf: {  	[smem:$0x3FB4] =	sst s7  }
0x10: {  	[smem:$0x3FB5] =	sst s8  }
0x11: {  	[smem:$0x3FB6] =	sst s9;
	s0 =	simm.s32 @!p0 $0x0  }
0x12: {  	s1 =	sld [smem:$0x3F9C];
	s0 =	simm.s32 @p0 $0x1  }
0x13: {  	[smem:$0x3FB7] =	sst s0;
	s0 =	simm.s32 @!p1 $0x0  }
0x14: {  	s2 =	sld [smem:$0x3F9B];
	s0 =	simm.s32 @p1 $0x1  }
0x15: {  	[smem:$0x3FB8] =	sst s0;
	s0 =	simm.s32 @!p2 $0x0  }
0x16: {  	s3 =	sld [smem:$0x3FDB];
	s0 =	simm.s32 @p2 $0x1  }
0x17: {  	s4 =	simm.s32 $0x1BF5;
	[smem:$0x3FBA] =	sst s0  }
0x18: {  	s0 =	sld [smem:$0x3F9D];
	_ =	swait.ge [sflag:s4], $0x0  }
0x19: {  	s7 =	sld [smem:$0x3F9E]  }
0x1a: {  	s8 =	sadd.s32 $0xFFFFE003, lr  }
0x1b: {  	s9 =	sadd.s32 $0xFFFFFEF7, lr;
	s5 =	simm.s32 $0xFFFFFFFF;
	p2 =	slt.u32 s8, $0xFFFFF086  }
0x1c: {  	p1 =	slt.u32 s9, $0xF7A;
	s5 =	simm.s32 @!p2 $0x0  }
0x1d: {  	s5 =	simm.s32 @p1 $0x1;
	p0 =	seq.s32 s7, s2  }
0x1e: {  	s7 =	smul.u32 @!p0 $0xF7A, s2;
	p2 =	seq.s32 @!p0 s5, $0x0  }
0x1f: {  	s9 =	smul.u32 $0xF7A, s1;
	s8 =	simm.s32 @!p0 $0x1BF5;
	p2 =	por !p2, p0  }
0x20: {  	[sflag:s8] =	ssyncset.s32 @!p0 $0xFFFFF086;
	s6 =	sadd.s32 @!p0 s3, s7;
	s7 =	simm.s32 @!p0 $0x108  }
0x21: {  	s3 =	sadd.s32 s3, s9;
	s6 =	sadd.s32 @!p0 $0x88, s6;
	s7 =	simm.s32 @p2 $0x1082  }
0x22: {  	[simem:s7], [sflag:s8] =	dma.local @!p0 [hbm:s6], $0xF7A  }
0x23: {  	s9 =	sor.u32 $0xD0000000, s2;
	s6 =	simm.s32 $0x108;
	_ =	swait.ge @!p0 [sflag:s8], $0x0  }
0x24: {  	s3 =	sadd.s32 $0x88, s3;
	s6 =	simm.s32 @!p1 $0x1082;
	[sflag:s4] =	ssyncset.s32 $0xFFFFF086  }
0x25: {  	[simem:s6], [sflag:s4] =	dma.local [hbm:s3], $0xF7A  }
0x26: {  	[smem:$0x3F9E] =	sst s1;
	(tag) =	ssettag s2;
	_ =	strace s9  }
0x27: {  	s1 =	sld [smem:$0x3FAE]  }
0x28: {  	s2 =	sld [smem:$0x3FAF]  }
0x29: {  	s4 =	sld [smem:$0x3FB1]  }
0x2a: {  	p0 =	seq.s32 s5, $0x0;
	s5 =	sld [smem:$0x3FB2]  }
0x2b: {  	s6 =	sld [smem:$0x3FB3]  }
0x2c: {  	s7 =	sld [smem:$0x3FB4]  }
0x2d: {  	s3 =	simm.s32 $0x108;
	s8 =	sld [smem:$0x3FB5]  }
0x2e: {  	s3 =	simm.s32 @!p0 $0x1082;
	s9 =	sld [smem:$0x3FB6]  }
0x2f: {  	lr =	sadd.s32 s0, s3;
	s0 =	sld [smem:$0x3FAD]  }
0x30: {  	s3 =	sld [smem:$0x3FB0]  }
0x31: {  	[smem:$0x3FB9] =	sst s10  }
0x32: {  	s10 =	sld [smem:$0x3FB7];
	_ =	sdelay $0x3  }
0x33: {  	p0 =	seq.s32 s10, $0x1;
	s10 =	sld [smem:$0x3FB9];
	_ =	sdelay $0x3  }
0x34: {  	[smem:$0x3FB9] =	sst s10  }
0x35: {  	s10 =	sld [smem:$0x3FB8];
	_ =	sdelay $0x3  }
0x36: {  	p1 =	seq.s32 s10, $0x1;
	s10 =	sld [smem:$0x3FB9];
	_ =	sdelay $0x3  }
0x37: {  	[smem:$0x3FB9] =	sst s10  }
0x38: {  	s10 =	sld [smem:$0x3FBA]  }
0x39: {  	_ = 	snop;
	(pc) =	sbr.ind lr, $3  }
0x3a: {  	_ = 	snop  }
0x3b: {  	_ = 	snop  }
0x3c: {  	p2 =	seq.s32 s10, $0x1;
	s10 =	sld [smem:$0x3FB9]  }
0x3d: {  	_ =	shalt  }
0x3e: {  	_ =	shalt  }
0x3f: {  	_ =	shalt  }
0x40: {  	_ =	shalt  }
0x41: {  	_ =	shalt  }
0x42: {  	_ =	shalt  }
0x43: {  	_ =	shalt  }
0x44: {  	_ =	shalt  }
0x45: {  	_ =	shalt  }
0x46: {  	_ =	shalt  }
0x47: {  	_ =	shalt  }
0x48: {  	_ =	shalt  }
0x49: {  	_ =	shalt  }
0x4a: {  	_ =	shalt  }
0x4b: {  	_ =	shalt  }
0x4c: {  	_ =	shalt  }
0x4d: {  	_ =	shalt  }
0x4e: {  	_ =	shalt  }
0x4f: {  	_ =	shalt  }
0x50: {  	_ =	shalt  }
0x51: {  	_ =	shalt  }
0x52: {  	_ =	shalt  }
0x53: {  	_ =	shalt  }
0x54: {  	_ =	shalt  }
0x55: {  	_ =	shalt  }
0x56: {  	_ =	shalt  }
0x57: {  	_ =	shalt  }
0x58: {  	_ =	shalt  }
0x59: {  	_ =	shalt  }
0x5a: {  	_ =	shalt  }
0x5b: {  	_ =	shalt  }
0x5c: {  	_ =	shalt  }
0x5d: {  	_ =	shalt  }
0x5e: {  	_ =	shalt  }
0x5f: {  	_ =	shalt  }
0x60: {  	_ =	shalt  }
0x61: {  	_ =	shalt  }
0x62: {  	_ =	shalt  }
0x63: {  	_ =	shalt  }
0x64: {  	_ =	shalt  }
0x65: {  	_ =	shalt  }
0x66: {  	_ =	shalt  }
0x67: {  	_ =	shalt  }
0x68: {  	_ =	shalt  }
0x69: {  	_ =	shalt  }
0x6a: {  	_ =	shalt  }
0x6b: {  	_ =	shalt  }
0x6c: {  	_ =	shalt  }
0x6d: {  	_ =	shalt  }
0x6e: {  	_ =	shalt  }
0x6f: {  	_ =	shalt  }
0x70: {  	_ =	shalt  }
0x71: {  	_ =	shalt  }
0x72: {  	_ =	shalt  }
0x73: {  	_ =	shalt  }
0x74: {  	_ =	shalt  }
0x75: {  	_ =	shalt  }
0x76: {  	_ =	shalt  }
0x77: {  	_ =	shalt  }
0x78: {  	_ =	shalt  }
0x79: {  	_ =	shalt  }
0x7a: {  	_ =	shalt  }
0x7b: {  	_ =	shalt  }
0x7c: {  	_ =	shalt  }
0x7d: {  	_ =	shalt  }
0x7e: {  	_ =	shalt  }
0x7f: {  	_ =	shalt  }
0x80: {  	_ =	shalt  }
0x81: {  	_ =	shalt  }
0x82: {  	_ =	shalt  }
0x83: {  	_ =	shalt  }
0x84: {  	_ =	shalt  }
0x85: {  	_ =	shalt  }
0x86: {  	_ =	shalt  }
0x87: {  	_ =	shalt  }
.Lfunc_end0:
.L_simem_size_0:
called_computation_lowered:
.L_overlay_start_0:
0x88: {  	s2 =	sld [smem:$0x3FD9]  }
0x89: {  	s3 =	sld [smem:$0x3FFE];
	_ =	sdelay $0x1  }
0x8a: {  	s1 =	srdreg.scid  }
0x8b: {  	s0 =	sand.u32 $0x1, s1  }
0x8c: {  	s18 =	sshll.u32 s0, $0xA;
	s2 =	sadd.s32 s3, s2  }
0x8d: {  	s2 =	sadd.s32 s2, s18  }
0x8e: {  	[smem:$0x3FC5] =	sst s2  }
0x8f: {  	_ = 	snop  }
0x90: {  	s2 =	sld [smem:$0x3FC9]  }
0x91: {  	s19 =	sld [smem:$0x3FC8]  }
0x92: {  	s4 =	sld [smem:$0x3FC7]  }
0x93: {  	s5 =	sld [smem:$0x3FD0];
	(tm) =	ssettm $0x1  }
0x94: {  	s6 =	sld [smem:$0x3FFB];
	_ =	sdelay $0x3  }
0x95: {  	_ =	strace s6  }
0x96: {  	s6 =	sld [smem:$0x3FFC];
	_ =	sdelay $0x3  }
0x97: {  	_ =	strace s6  }
0x98: {  	s6 =	sld [smem:$0x3FFD];
	_ =	sdelay $0x3  }
0x99: {  	_ =	strace s6  }
0x9a: {  	_ =	strace $0x8FFFFFFF  }
0x9b: {  	s20 =	sld [smem:$0x3FDB];
	_ =	sdelay $0x1  }
0x9c: {  	s7 =	simm.s32 $_scs_section_size  }
0x9d: {  	s8 =	simm.s32 $_size__tile_overlayer_lowered;
	s9 =	simm.s32 $_tile_overlayer_lowered  }
0x9e: {  	s23 =	simm.s32 $0x1BFF;
	s22 =	sshll.u32 s9, $0x1;
	s6 =	sadd.s32 s7, s20  }
0x9f: {  	s10 =	simm.s32 $0x0;
	s21 =	sshll.u32 s8, $0x1;
	s8 =	sadd.s32 s22, s6  }
0xa0: {  	[timem:s10], [sflag:s23] =	dma.local [hbm:s8], s21  }
0xa1: {  	_ =	swait.ge [sflag:s23], s21  }
0xa2: {  	s7 =	ssub.s32 $0x0, s21;
	[sflag:s23] =	ssyncset.done $0x0  }
0xa3: {  	[sflag:s23] =	ssyncadd.s32 s7;
	_ =	sdelay $0x1  }
0xa4: {  	s24 =	simm.s32 $0x1B8B  }
0xa5: {  	_ =	swait.ge [sflag:s24], $0x1  }
0xa6: {  	[sflag:s24] =	ssyncset.done $0x0  }
0xa7: {  	s25 =	simm.s32 $0x1B8E;
	[sflag:s24] =	ssyncadd.s32 $0xFFFFFFFF  }
0xa8: {  	s26 =	simm.s32 $execute0_lowered;
	[smem:$0x3FD2] =	sst s25  }
0xa9: {  	s7 =	sshll.u32 s26, $0x1;
	_ =	strace $0x80000046;
	[dreg:$0x1] =	wrdreg $0xFFFFFFFF  }
0xaa: {  	s28 =	simm.s32 $_size_execute0_lowered;
	s6 =	sadd.s32 s6, s7;
	[dreg:$0x0] =	wrdreg $0x0  }
0xab: {  	s7 =	sshll.u32 s28, $0x1;
	[dreg:$0x2] =	wrdreg s6  }
0xac: {  	[dreg:$0x3] =	wrdreg s7  }
0xad: {  	[dreg:$0x4] =	wrdreg $0xC0  }
0xae: {  	_ =	task [dreg:s10], $0x5FFFF  }
0xaf: {  	[dreg:$0x1] =	wrdreg $0xFFFFFFFF  }
0xb0: {  	[dreg:$0x0] =	wrdreg $0x60  }
0xb1: {  	[dreg:$0x2] =	wrdreg s2  }
0xb2: {  	[dreg:$0x3] =	wrdreg s19  }
0xb3: {  	[dreg:$0x4] =	wrdreg s4  }
0xb4: {  	[dreg:$0x5] =	wrdreg s5  }
0xb5: {  	[dreg:$0x6] =	wrdreg $0x9  }
0xb6: {  	_ =	task.clear_ibuf [dreg:s10], $0x7FFFF;
	_ =	strace $0x90000046  }
0xb7: {  	s29 =	simm.s32 $0x9;
	_ =	strace $0x80000048  }
0xb8: {  	_ =	swait.ge [sflag:s29], $0x1  }
0xb9: {  	[sflag:s29] =	ssyncadd.s32 $0xFFFFFFFF  }
0xba: {  	_ =	strace $0x90000048  }
0xbb: {  	_ =	sfence  }
0xbc: {  	s30 =	sld [smem:$0x0];
	_ =	sdelay $0x2  }
0xbd: {  	s31 =	sshll.u32 s1, $0xD;
	s1 =	sshrl.u32 s1, $0x2  }
0xbe: {  	s3 =	sand.u32 $0x4000, s31;
	s1 =	sadd.s32 s1, s30  }
0xbf: {  	s0 =	sor.u32 s3, s0;
	s1 =	sshll.u32 s1, $0x11  }
0xc0: {  	s0 =	sor.u32 s1, s0  }
0xc1: {  	s0 =	sadd.s32 $0x8F2B, s0  }
0xc2: {  	[sflag:s0] =	ssyncadd.remote.s32 $0x1  }
0xc3: {  	_ =	sfence.sel $0xFFFF  }
0xc4: {  	[dreg:$0x0] =	wrdreg $0xFFFFFFFF;
	(pc) =	sbr.abs _section_cstart, $3  }
0xc5: {  	[dreg:$0x1] =	wrdreg $0xFFFFFFFF  }
0xc6: {  	_ =	task.clear_ibuf [dreg:s10], $0x2FFFF;
	_ =	strace $0x9FFFFFFF  }
0xc7: {  	(tm) =	ssettm $0x7FFFFFFF  }
tec
execute0_lowered:
.L_overlay_start_1:
0x0: {  	(tag) =	ssettag $0x1  }
0x1: {  	s0 =	rddreg [dreg:$0x0]  }
0x2: {  	s1 =	rddreg [dreg:$0x1]  }
0x3: {  	s2 =	rddreg [dreg:$0x3];
	s3 =	srdreg.scid  }
0x4: {  	s4 =	simm.s32 $0x0;
	s7 =	stileid.u32;
	s28 =	simm.s32 $0x3000  }
0x5: {  	s29 =	simm.s32 $0x5000;
	s31 =	simm.s32 $0x7000;
	s30 =	simm.s32 $0x2  }
0x6: {  	s13 =	simm.s32 $0x6;
	s14 =	simm.s32 $0x7;
	s15 =	simm.s32 $0x8  }
0x7: {  	s16 =	simm.s32 $0x9;
	s17 =	simm.s32 $0xA;
	s3 =	sand.u32 $0x1, s3  }
0x8: {  	s7 =	sshll.u32 s7, $0xA;
	s5 =	ssub.s32 $0x2, s3;
	s3 =	sshll.u32 s3, $0x9  }
0x9: {  	[smem:$0x7FF] =	sst s4;
	s6 =	sshrl.u32 s5, $0x1;
	s3 =	sor.u32 s3, s7  }
0xa: {  	_ =	strace $0x80000047;
	s8 =	ssub.s32 s5, s6;
	s5 =	sadd.s32 s0, s3  }
0xb: {  	s9 =	sor.u32 $0x80, s3;
	s10 =	sor.u32 $0x100, s3;
	s11 =	sshll.u32 s3, $0x4  }
0xc: {  	s3 =	sor.u32 $0x180, s3;
	s6 =	sadd.s32 s0, s9;
	s7 =	sadd.s32 s0, s10  }
0xd: {  	s12 =	sadd.s32 s2, s11;
	s18 =	sshll.u32 s9, $0x4;
	s9 =	sadd.s32 s0, s3  }
0xe: {  	s22 =	sshll.u32 s10, $0x4;
	s3 =	sshll.u32 s3, $0x4;
	s26 =	smax.u32 s8, $0x1  }
0xf: {  	s10 =	simm.s32 $0x3;
	s11 =	simm.s32 $0x4;
	[dreg:$0x5] =	wrdreg s12  }
0x10: {  	s8 =	simm.s32 $0x0;
	s19 =	sadd.s32 $0x400, s12;
	[dreg:$0xd] =	wrdreg s26  }
0x11: {  	s20 =	sadd.s32 s2, s18;
	s21 =	sadd.s32 $0xC00, s12;
	[dreg:$0x6] =	wrdreg s19  }
0x12: {  	s0 =	sadd.s32 s2, s22;
	s23 =	sadd.s32 $0x1400, s12;
	[dreg:$0x7] =	wrdreg s20  }
0x13: {  	s24 =	sadd.s32 s2, s3;
	s25 =	sadd.s32 $0x1C00, s12;
	[dreg:$0x8] =	wrdreg s21  }
0x14: {  	s18 =	simm.s32 $0x400;
	s26 =	simm.s32 $0x1000;
	[dreg:$0x9] =	wrdreg s0  }
0x15: {  	s2 =	simm.s32 $0xB000;
	s22 =	simm.s32 $0xD000;
	[dreg:$0xa] =	wrdreg s23  }
0x16: {  	s3 =	simm.s32 $0xF000;
	s12 =	simm.s32 $0x5;
	[dreg:$0xb] =	wrdreg s24  }
0x17: {  	[dreg:$0xc] =	wrdreg s25;
	s19 =	simm.s32 $0x20000;
	s24 =	simm.s32 $0x1  }
0x18: {  	s25 =	simm.s32 $0x40;
	s0 =	simm.s32 $0x9000;
	s23 =	simm.s32 $0x800  }
.LBB2_1:
0x19: {  	[tilespmem:s4], [sflag:$0x1] =	stream.strided.gather [hbm4b:s5+s18], $0x0, s19, s18, $0x38;
	[tilespmem:$0x11400] =	vst v63  }
0x1a: {  	_ = 	snop  }
0x1b: {  	[tilespmem:s4], [sflag:$0x1] =	stream.linear.gather [hbm4b:s5+s4], $0x280, $0x38;
	[tilespmem:$0x11400] =	vst v63  }
0x1c: {  	_ = 	snop  }
0x1d: {  	[tilespmem:s18], [sflag:$0x1] =	stream.strided.gather [hbm4b:s6+s18], $0x0, s19, s18, $0x38;
	[tilespmem:$0x11400] =	vst v63  }
0x1e: {  	_ = 	snop  }
0x1f: {  	[tilespmem:s18], [sflag:$0x1] =	stream.linear.gather [hbm4b:s6+s4], $0x280, $0x38;
	[tilespmem:$0x11400] =	vst v63  }
0x20: {  	s20 =	simm.s32 $0x800  }
0x21: {  	[tilespmem:s20], [sflag:$0x1] =	stream.strided.gather [hbm4b:s7+s18], $0x0, s19, s18, $0x38;
	[tilespmem:$0x11400] =	vst v63  }
0x22: {  	_ = 	snop  }
0x23: {  	[tilespmem:s20], [sflag:$0x1] =	stream.linear.gather [hbm4b:s7+s4], $0x280, $0x38;
	[tilespmem:$0x11400] =	vst v63  }
0x24: {  	s21 =	simm.s32 $0xC00  }
0x25: {  	[tilespmem:s21], [sflag:$0x1] =	stream.strided.gather [hbm4b:s9+s18], $0x0, s19, s18, $0x38;
	[tilespmem:$0x11400] =	vst v63  }
0x26: {  	_ = 	snop  }
0x27: {  	[tilespmem:s21], [sflag:$0x1] =	stream.linear.gather [hbm4b:s9+s4], $0x280, $0x38;
	[tilespmem:$0x11400] =	vst v63  }
0x28: {  	s20 =	rddreg [dreg:$0x2];
	s21 =	simm.s32 $0x11000  }
0x29: {  	[tilespmem:s21], [sflag:$0xB] =	stream.linear.gather [hbm4b:s20+s4], $0x280, $0x38;
	[tilespmem:$0x11400] =	vst v63  }
0x2a: {  	s21 =	simm.s32 $0xB  }
0x2b: {  	_ =	swait.ge [sflag:s21], $0x280  }
0x2c: {  	[sflag:s21] =	ssyncset.done $0x0  }
0x2d: {  	[sflag:s21] =	ssyncadd.s32 $0xFFFFFD80  }
0x2e: {  	v0 =	vld [tilespmem:$0x11000]  }
0x2f: {  	v1 =	vld [tilespmem:$0x11080]  }
0x30: {  	v2 =	vld [tilespmem:$0x11100]  }
0x31: {  	v3 =	vld [tilespmem:$0x11180]  }
0x32: {  	v4 =	vld [tilespmem:$0x11200]  }
0x33: {  	v5 =	vld [tilespmem:$0x11010]  }
0x34: {  	v6 =	vld [tilespmem:$0x11090]  }
0x35: {  	v7 =	vld [tilespmem:$0x11110]  }
0x36: {  	v8 =	vld [tilespmem:$0x11190]  }
0x37: {  	v9 =	vld [tilespmem:$0x11210]  }
0x38: {  	v10 =	vld [tilespmem:$0x11020]  }
0x39: {  	v11 =	vld [tilespmem:$0x110A0]  }
0x3a: {  	v12 =	vld [tilespmem:$0x11120]  }
0x3b: {  	v13 =	vld [tilespmem:$0x111A0]  }
0x3c: {  	v14 =	vld [tilespmem:$0x11220]  }
0x3d: {  	v15 =	vld [tilespmem:$0x11030]  }
0x3e: {  	v16 =	vld [tilespmem:$0x110B0]  }
0x3f: {  	v17 =	vld [tilespmem:$0x11130]  }
0x40: {  	v18 =	vld [tilespmem:$0x111B0]  }
0x41: {  	v19 =	vld [tilespmem:$0x11230]  }
0x42: {  	v20 =	vld [tilespmem:$0x11040]  }
0x43: {  	v21 =	vld [tilespmem:$0x110C0]  }
0x44: {  	v22 =	vld [tilespmem:$0x11140]  }
0x45: {  	v23 =	vld [tilespmem:$0x111C0]  }
0x46: {  	v24 =	vld [tilespmem:$0x11240]  }
0x47: {  	v25 =	vld [tilespmem:$0x11050]  }
0x48: {  	v26 =	vld [tilespmem:$0x110D0]  }
0x49: {  	v27 =	vld [tilespmem:$0x11150]  }
0x4a: {  	v28 =	vld [tilespmem:$0x111D0]  }
0x4b: {  	v29 =	vld [tilespmem:$0x11250]  }
0x4c: {  	v30 =	vld [tilespmem:$0x11060]  }
0x4d: {  	v31 =	vld [tilespmem:$0x110E0]  }
0x4e: {  	v32 =	vld [tilespmem:$0x11160]  }
0x4f: {  	v33 =	vld [tilespmem:$0x111E0]  }
0x50: {  	v35 =	vld [tilespmem:$0x11070]  }
0x51: {  	v36 =	vld [tilespmem:$0x110F0];
	v0 =	vadd.f32 v1, v0;
	v1 =	vadd.f32 v3, v2  }
0x52: {  	v34 =	vld [tilespmem:$0x11260];
	v2 =	vadd.f32 v6, v5;
	v3 =	vadd.f32 v8, v7  }
0x53: {  	v59 =	vld [tilespmem:$0x11270];
	v6 =	vadd.f32 v11, v10;
	v7 =	vadd.f32 v13, v12  }
0x54: {  	v5 =	vld [tilespmem:$0x11170];
	v57 =	vadd.f32 v16, v15;
	v58 =	vadd.f32 v18, v17  }
0x55: {  	v8 =	vld [tilespmem:$0x111F0];
	_ =	swait.ge [sflag:s24], $0x280;
	v60 =	vadd.f32 v28, v27;
	v61 =	vadd.f32 v31, v30  }
0x56: {  	v62 =	vadd.f32 v33, v32;
	v63 =	vadd.f32 v36, v35;
	[sflag:s24] =	ssyncset.done $0x0  }
0x57: {  	v0 =	vadd.f32 v1, v0;
	v1 =	vadd.f32 v3, v2;
	[sflag:s24] =	ssyncadd.s32 $0xFFFFFD80  }
0x58: {  	v2 =	vadd.f32 v7, v6;
	v3 =	vadd.f32 v58, v57;
	_ =	swait.ge [sflag:s24], $0x280  }
0x59: {  	v6 =	vadd.f32 v23, v22;
	v7 =	vadd.f32 v26, v25;
	[sflag:s24] =	ssyncset.done $0x0  }
0x5a: {  	v0 =	vadd.f32 v0, v4;
	v4 =	vadd.f32 v21, v20;
	[sflag:s24] =	ssyncadd.s32 $0xFFFFFD80  }
0x5b: {  	v1 =	vadd.f32 v1, v9;
	v5 =	vadd.f32 v8, v5;
	_ =	swait.ge [sflag:s24], $0x280  }
0x5c: {  	v4 =	vadd.f32 v6, v4;
	v6 =	vadd.f32 v60, v7;
	[sflag:s24] =	ssyncset.done $0x0  }
0x5d: {  	v7 =	vadd.f32 v62, v61;
	v8 =	vadd.f32 v5, v63;
	[sflag:s24] =	ssyncadd.s32 $0xFFFFFD80  }
0x5e: {  	v2 =	vadd.f32 v2, v14;
	v5 =	vadd.f32 v6, v29;
	_ =	swait.ge [sflag:s24], $0x280  }
0x5f: {  	v6 =	vadd.f32 v7, v34;
	v7 =	vadd.f32 v8, v59;
	[sflag:s24] =	ssyncset.done $0x0  }
0x60: {  	s20 =	simm.s32 $0x0;
	s21 =	simm.s32 $0x200;
	v3 =	vadd.f32 v3, v19;
	v4 =	vadd.f32 v4, v24;
	[sflag:s24] =	ssyncadd.s32 $0xFFFFFD80  }
.LBB2_2:
0x61: {  	p0 =	sne.s32 s21, $0x7E00;
	[tilespmem:s20+$0x1070] =	vst v7  }
0x62: {  	[tilespmem:s20+$0x1000] =	vst v0  }
0x63: {  	[tilespmem:s20+$0x1010] =	vst v1  }
.Ltmp0:
0x64: {  	[tilespmem:s20+$0x1020] =	vst v2;
	(pc) =	sbr.rel @p0 .LBB2_2-.Ltmp0, $4  }
0x65: {  	[tilespmem:s20+$0x1030] =	vst v3  }
0x66: {  	[tilespmem:s20+$0x1040] =	vst v4  }
0x67: {  	[tilespmem:s20+$0x1050] =	vst v5  }
0x68: {  	[tilespmem:s20+$0x1060] =	vst v6;
	s20 =	sshra.s32 s21, $0x2;
	s21 =	sadd.s32 $0x200, s21  }
0x69: {  	[tilespmem:s20+$0x1070] =	vst v7  }
0x6a: {  	[tilespmem:s20+$0x1000] =	vst v0  }
0x6b: {  	[tilespmem:s20+$0x1010] =	vst v1  }
0x6c: {  	[tilespmem:s20+$0x1020] =	vst v2  }
0x6d: {  	[tilespmem:s20+$0x1030] =	vst v3  }
0x6e: {  	[tilespmem:s20+$0x1040] =	vst v4  }
0x6f: {  	[tilespmem:s20+$0x1050] =	vst v5  }
0x70: {  	[tilespmem:s20+$0x1060] =	vst v6;
	s21 =	simm.s32 $0x0  }
0x71: {  	[tilespmem:s26], [sflag:$0x2] =	stream.indirect.gather.add.f32 [hbm:s1], $0x80, s21, s25, $0xb8;
	[tilespmem:$0x11400] =	vst v63  }
0x72: {  	s20 =	simm.s32 $0x0;
	s21 =	simm.s32 $0x200  }
.LBB2_4:
0x73: {  	p0 =	sne.s32 s21, $0x7E00;
	[tilespmem:s20+$0x3070] =	vst v7  }
0x74: {  	[tilespmem:s20+$0x3000] =	vst v0  }
0x75: {  	[tilespmem:s20+$0x3010] =	vst v1  }
.Ltmp1:
0x76: {  	[tilespmem:s20+$0x3020] =	vst v2;
	(pc) =	sbr.rel @p0 .LBB2_4-.Ltmp1, $4  }
0x77: {  	[tilespmem:s20+$0x3030] =	vst v3  }
0x78: {  	[tilespmem:s20+$0x3040] =	vst v4  }
0x79: {  	[tilespmem:s20+$0x3050] =	vst v5  }
0x7a: {  	[tilespmem:s20+$0x3060] =	vst v6;
	s20 =	sshra.s32 s21, $0x2;
	s21 =	sadd.s32 $0x200, s21  }
0x7b: {  	[tilespmem:s20+$0x3070] =	vst v7  }
0x7c: {  	[tilespmem:s20+$0x3000] =	vst v0  }
0x7d: {  	[tilespmem:s20+$0x3010] =	vst v1  }
0x7e: {  	[tilespmem:s20+$0x3020] =	vst v2  }
0x7f: {  	[tilespmem:s20+$0x3030] =	vst v3  }
0x80: {  	[tilespmem:s20+$0x3040] =	vst v4  }
0x81: {  	[tilespmem:s20+$0x3050] =	vst v5  }
0x82: {  	[tilespmem:s20+$0x3060] =	vst v6;
	s20 =	simm.s32 $0x0;
	s21 =	simm.s32 $0x200  }
0x83: {  	[tilespmem:s28], [sflag:$0x3] =	stream.indirect.gather.add.f32 [hbm:s1], $0x80, s25, s25, $0xb8;
	[tilespmem:$0x11400] =	vst v63  }
.LBB2_6:
0x84: {  	p0 =	sne.s32 s21, $0x7E00;
	[tilespmem:s20+$0x5070] =	vst v7  }
0x85: {  	[tilespmem:s20+$0x5000] =	vst v0  }
0x86: {  	[tilespmem:s20+$0x5010] =	vst v1  }
.Ltmp2:
0x87: {  	[tilespmem:s20+$0x5020] =	vst v2;
	(pc) =	sbr.rel @p0 .LBB2_6-.Ltmp2, $4  }
0x88: {  	[tilespmem:s20+$0x5030] =	vst v3  }
0x89: {  	[tilespmem:s20+$0x5040] =	vst v4  }
0x8a: {  	[tilespmem:s20+$0x5050] =	vst v5  }
0x8b: {  	[tilespmem:s20+$0x5060] =	vst v6;
	s20 =	sshra.s32 s21, $0x2;
	s21 =	sadd.s32 $0x200, s21  }
0x8c: {  	[tilespmem:s20+$0x5070] =	vst v7  }
0x8d: {  	[tilespmem:s20+$0x5000] =	vst v0  }
0x8e: {  	[tilespmem:s20+$0x5010] =	vst v1  }
0x8f: {  	[tilespmem:s20+$0x5020] =	vst v2  }
0x90: {  	[tilespmem:s20+$0x5030] =	vst v3  }
0x91: {  	[tilespmem:s20+$0x5040] =	vst v4  }
0x92: {  	[tilespmem:s20+$0x5050] =	vst v5  }
0x93: {  	[tilespmem:s20+$0x5060] =	vst v6;
	s20 =	simm.s32 $0x0;
	s21 =	simm.s32 $0x200  }
0x94: {  	[tilespmem:s29], [sflag:$0x4] =	stream.indirect.gather.add.f32 [hbm:s1], $0x80, s18, s25, $0xb8;
	[tilespmem:$0x11400] =	vst v63  }
.LBB2_8:
0x95: {  	p0 =	sne.s32 s21, $0x7E00;
	[tilespmem:s20+$0x7070] =	vst v7  }
0x96: {  	[tilespmem:s20+$0x7000] =	vst v0  }
0x97: {  	[tilespmem:s20+$0x7010] =	vst v1  }
.Ltmp3:
0x98: {  	[tilespmem:s20+$0x7020] =	vst v2;
	(pc) =	sbr.rel @p0 .LBB2_8-.Ltmp3, $4  }
0x99: {  	[tilespmem:s20+$0x7030] =	vst v3  }
0x9a: {  	[tilespmem:s20+$0x7040] =	vst v4  }
0x9b: {  	[tilespmem:s20+$0x7050] =	vst v5  }
0x9c: {  	[tilespmem:s20+$0x7060] =	vst v6;
	s20 =	sshra.s32 s21, $0x2;
	s21 =	sadd.s32 $0x200, s21  }
0x9d: {  	[tilespmem:s20+$0x7070] =	vst v7  }
0x9e: {  	[tilespmem:s20+$0x7000] =	vst v0  }
0x9f: {  	[tilespmem:s20+$0x7010] =	vst v1  }
0xa0: {  	[tilespmem:s20+$0x7020] =	vst v2  }
0xa1: {  	[tilespmem:s20+$0x7030] =	vst v3  }
0xa2: {  	[tilespmem:s20+$0x7040] =	vst v4  }
0xa3: {  	[tilespmem:s20+$0x7050] =	vst v5  }
0xa4: {  	[tilespmem:s20+$0x7060] =	vst v6;
	s21 =	simm.s32 $0x440  }
0xa5: {  	[tilespmem:s31], [sflag:$0x5] =	stream.indirect.gather.add.f32 [hbm:s1], $0x80, s21, s25, $0xb8;
	[tilespmem:$0x11400] =	vst v63  }
0xa6: {  	s20 =	simm.s32 $0x0;
	s21 =	simm.s32 $0x200  }
.LBB2_10:
0xa7: {  	p0 =	sne.s32 s21, $0x7E00;
	[tilespmem:s20+$0x9070] =	vst v7  }
0xa8: {  	[tilespmem:s20+$0x9000] =	vst v0  }
0xa9: {  	[tilespmem:s20+$0x9010] =	vst v1  }
.Ltmp4:
0xaa: {  	[tilespmem:s20+$0x9020] =	vst v2;
	(pc) =	sbr.rel @p0 .LBB2_10-.Ltmp4, $4  }
0xab: {  	[tilespmem:s20+$0x9030] =	vst v3  }
0xac: {  	[tilespmem:s20+$0x9040] =	vst v4  }
0xad: {  	[tilespmem:s20+$0x9050] =	vst v5  }
0xae: {  	[tilespmem:s20+$0x9060] =	vst v6;
	s20 =	sshra.s32 s21, $0x2;
	s21 =	sadd.s32 $0x200, s21  }
0xaf: {  	[tilespmem:s20+$0x9070] =	vst v7  }
0xb0: {  	[tilespmem:s20+$0x9000] =	vst v0  }
0xb1: {  	[tilespmem:s20+$0x9010] =	vst v1  }
0xb2: {  	[tilespmem:s20+$0x9020] =	vst v2  }
0xb3: {  	[tilespmem:s20+$0x9030] =	vst v3  }
0xb4: {  	[tilespmem:s20+$0x9040] =	vst v4  }
0xb5: {  	[tilespmem:s20+$0x9050] =	vst v5  }
0xb6: {  	[tilespmem:s20+$0x9060] =	vst v6;
	s20 =	simm.s32 $0x0;
	s21 =	simm.s32 $0x200  }
0xb7: {  	[tilespmem:s0], [sflag:$0x6] =	stream.indirect.gather.add.f32 [hbm:s1], $0x80, s23, s25, $0xb8;
	[tilespmem:$0x11400] =	vst v63  }
.LBB2_12:
0xb8: {  	p0 =	sne.s32 s21, $0x7E00;
	[tilespmem:s20+$0xB070] =	vst v7  }
0xb9: {  	[tilespmem:s20+$0xB000] =	vst v0  }
0xba: {  	[tilespmem:s20+$0xB010] =	vst v1  }
.Ltmp5:
0xbb: {  	[tilespmem:s20+$0xB020] =	vst v2;
	(pc) =	sbr.rel @p0 .LBB2_12-.Ltmp5, $4  }
0xbc: {  	[tilespmem:s20+$0xB030] =	vst v3  }
0xbd: {  	[tilespmem:s20+$0xB040] =	vst v4  }
0xbe: {  	[tilespmem:s20+$0xB050] =	vst v5  }
0xbf: {  	[tilespmem:s20+$0xB060] =	vst v6;
	s20 =	sshra.s32 s21, $0x2;
	s21 =	sadd.s32 $0x200, s21  }
0xc0: {  	[tilespmem:s20+$0xB070] =	vst v7  }
0xc1: {  	[tilespmem:s20+$0xB000] =	vst v0  }
0xc2: {  	[tilespmem:s20+$0xB010] =	vst v1  }
0xc3: {  	[tilespmem:s20+$0xB020] =	vst v2  }
0xc4: {  	[tilespmem:s20+$0xB030] =	vst v3  }
0xc5: {  	[tilespmem:s20+$0xB040] =	vst v4  }
0xc6: {  	[tilespmem:s20+$0xB050] =	vst v5  }
0xc7: {  	[tilespmem:s20+$0xB060] =	vst v6;
	s21 =	simm.s32 $0x840  }
0xc8: {  	[tilespmem:s2], [sflag:$0x7] =	stream.indirect.gather.add.f32 [hbm:s1], $0x80, s21, s25, $0xb8;
	[tilespmem:$0x11400] =	vst v63  }
0xc9: {  	s20 =	simm.s32 $0x0;
	s21 =	simm.s32 $0x200  }
.LBB2_14:
0xca: {  	p0 =	sne.s32 s21, $0x7E00;
	[tilespmem:s20+$0xD070] =	vst v7  }
0xcb: {  	[tilespmem:s20+$0xD000] =	vst v0  }
0xcc: {  	[tilespmem:s20+$0xD010] =	vst v1  }
.Ltmp6:
0xcd: {  	[tilespmem:s20+$0xD020] =	vst v2;
	(pc) =	sbr.rel @p0 .LBB2_14-.Ltmp6, $4  }
0xce: {  	[tilespmem:s20+$0xD030] =	vst v3  }
0xcf: {  	[tilespmem:s20+$0xD040] =	vst v4  }
0xd0: {  	[tilespmem:s20+$0xD050] =	vst v5  }
0xd1: {  	[tilespmem:s20+$0xD060] =	vst v6;
	s20 =	sshra.s32 s21, $0x2;
	s21 =	sadd.s32 $0x200, s21  }
0xd2: {  	[tilespmem:s20+$0xD070] =	vst v7  }
0xd3: {  	[tilespmem:s20+$0xD000] =	vst v0  }
0xd4: {  	[tilespmem:s20+$0xD010] =	vst v1  }
0xd5: {  	[tilespmem:s20+$0xD020] =	vst v2  }
0xd6: {  	[tilespmem:s20+$0xD030] =	vst v3  }
0xd7: {  	[tilespmem:s20+$0xD040] =	vst v4  }
0xd8: {  	[tilespmem:s20+$0xD050] =	vst v5  }
0xd9: {  	[tilespmem:s20+$0xD060] =	vst v6;
	s21 =	simm.s32 $0xC00  }
0xda: {  	[tilespmem:s22], [sflag:$0x8] =	stream.indirect.gather.add.f32 [hbm:s1], $0x80, s21, s25, $0xb8;
	[tilespmem:$0x11400] =	vst v63  }
0xdb: {  	s20 =	simm.s32 $0x0;
	s21 =	simm.s32 $0x200  }
.LBB2_16:
0xdc: {  	p0 =	sne.s32 s21, $0x7E00;
	[tilespmem:s20+$0xF070] =	vst v7  }
0xdd: {  	[tilespmem:s20+$0xF000] =	vst v0  }
0xde: {  	[tilespmem:s20+$0xF010] =	vst v1  }
.Ltmp7:
0xdf: {  	[tilespmem:s20+$0xF020] =	vst v2;
	(pc) =	sbr.rel @p0 .LBB2_16-.Ltmp7, $4  }
0xe0: {  	[tilespmem:s20+$0xF030] =	vst v3  }
0xe1: {  	[tilespmem:s20+$0xF040] =	vst v4  }
0xe2: {  	[tilespmem:s20+$0xF050] =	vst v5  }
0xe3: {  	[tilespmem:s20+$0xF060] =	vst v6;
	s20 =	sshra.s32 s21, $0x2;
	s21 =	sadd.s32 $0x200, s21  }
0xe4: {  	[tilespmem:s20+$0xF070] =	vst v7  }
0xe5: {  	[tilespmem:s20+$0xF000] =	vst v0  }
0xe6: {  	[tilespmem:s20+$0xF010] =	vst v1  }
0xe7: {  	[tilespmem:s20+$0xF020] =	vst v2  }
0xe8: {  	[tilespmem:s20+$0xF030] =	vst v3  }
0xe9: {  	[tilespmem:s20+$0xF040] =	vst v4  }
0xea: {  	[tilespmem:s20+$0xF050] =	vst v5  }
0xeb: {  	[tilespmem:s20+$0xF060] =	vst v6;
	s21 =	simm.s32 $0xC40  }
0xec: {  	[tilespmem:s3], [sflag:$0x9] =	stream.indirect.gather.add.f32 [hbm:s1], $0x80, s21, s25, $0xb8;
	[tilespmem:$0x11400] =	vst v63  }
0xed: {  	_ =	swait.ge [sflag:s30], $0x2000  }
0xee: {  	[sflag:s30] =	ssyncset.done $0x0  }
0xef: {  	s21 =	simm.s32 $0x80;
	[sflag:s30] =	ssyncadd.s32 $0xFFFFE000  }
0xf0: {  	[tilespmem:s26], [sflag:$0x2] =	stream.indirect.gather.add.f32 [hbm:s1], $0x80, s21, s25, $0xb8;
	[tilespmem:$0x11400] =	vst v63  }
0xf1: {  	_ =	swait.ge [sflag:s10], $0x2000  }
0xf2: {  	[sflag:s10] =	ssyncset.done $0x0  }
0xf3: {  	s21 =	simm.s32 $0xC0;
	[sflag:s10] =	ssyncadd.s32 $0xFFFFE000  }
0xf4: {  	[tilespmem:s28], [sflag:$0x3] =	stream.indirect.gather.add.f32 [hbm:s1], $0x80, s21, s25, $0xb8;
	[tilespmem:$0x11400] =	vst v63  }
0xf5: {  	_ =	swait.ge [sflag:s11], $0x2000  }
0xf6: {  	[sflag:s11] =	ssyncset.done $0x0  }
0xf7: {  	s21 =	simm.s32 $0x480;
	[sflag:s11] =	ssyncadd.s32 $0xFFFFE000  }
0xf8: {  	[tilespmem:s29], [sflag:$0x4] =	stream.indirect.gather.add.f32 [hbm:s1], $0x80, s21, s25, $0xb8;
	[tilespmem:$0x11400] =	vst v63  }
0xf9: {  	_ =	swait.ge [sflag:s12], $0x2000  }
0xfa: {  	[sflag:s12] =	ssyncset.done $0x0  }
0xfb: {  	s21 =	simm.s32 $0x4C0;
	[sflag:s12] =	ssyncadd.s32 $0xFFFFE000  }
0xfc: {  	[tilespmem:s31], [sflag:$0x5] =	stream.indirect.gather.add.f32 [hbm:s1], $0x80, s21, s25, $0xb8;
	[tilespmem:$0x11400] =	vst v63  }
0xfd: {  	_ =	swait.ge [sflag:s13], $0x2000  }
0xfe: {  	[sflag:s13] =	ssyncset.done $0x0  }
0xff: {  	s21 =	simm.s32 $0x880;
	[sflag:s13] =	ssyncadd.s32 $0xFFFFE000  }
0x100: {  	[tilespmem:s0], [sflag:$0x6] =	stream.indirect.gather.add.f32 [hbm:s1], $0x80, s21, s25, $0xb8;
	[tilespmem:$0x11400] =	vst v63  }
0x101: {  	_ =	swait.ge [sflag:s14], $0x2000  }
0x102: {  	[sflag:s14] =	ssyncset.done $0x0  }
0x103: {  	s21 =	simm.s32 $0x8C0;
	[sflag:s14] =	ssyncadd.s32 $0xFFFFE000  }
0x104: {  	[tilespmem:s2], [sflag:$0x7] =	stream.indirect.gather.add.f32 [hbm:s1], $0x80, s21, s25, $0xb8;
	[tilespmem:$0x11400] =	vst v63  }
0x105: {  	_ =	swait.ge [sflag:s15], $0x2000  }
0x106: {  	[sflag:s15] =	ssyncset.done $0x0  }
0x107: {  	s21 =	simm.s32 $0xC80;
	[sflag:s15] =	ssyncadd.s32 $0xFFFFE000  }
0x108: {  	[tilespmem:s22], [sflag:$0x8] =	stream.indirect.gather.add.f32 [hbm:s1], $0x80, s21, s25, $0xb8;
	[tilespmem:$0x11400] =	vst v63  }
0x109: {  	_ =	swait.ge [sflag:s16], $0x2000  }
0x10a: {  	[sflag:s16] =	ssyncset.done $0x0  }
0x10b: {  	s21 =	simm.s32 $0xCC0;
	[sflag:s16] =	ssyncadd.s32 $0xFFFFE000  }
0x10c: {  	[tilespmem:s3], [sflag:$0x9] =	stream.indirect.gather.add.f32 [hbm:s1], $0x80, s21, s25, $0xb8;
	[tilespmem:$0x11400] =	vst v63  }
0x10d: {  	_ =	swait.ge [sflag:s30], $0x2000  }
0x10e: {  	[sflag:s30] =	ssyncset.done $0x0  }
0x10f: {  	s21 =	simm.s32 $0x100;
	[sflag:s30] =	ssyncadd.s32 $0xFFFFE000  }
0x110: {  	[tilespmem:s26], [sflag:$0x2] =	stream.indirect.gather.add.f32 [hbm:s1], $0x80, s21, s25, $0xb8;
	[tilespmem:$0x11400] =	vst v63  }
0x111: {  	_ =	swait.ge [sflag:s10], $0x2000  }
0x112: {  	[sflag:s10] =	ssyncset.done $0x0  }
0x113: {  	s21 =	simm.s32 $0x140;
	[sflag:s10] =	ssyncadd.s32 $0xFFFFE000  }
0x114: {  	[tilespmem:s28], [sflag:$0x3] =	stream.indirect.gather.add.f32 [hbm:s1], $0x80, s21, s25, $0xb8;
	[tilespmem:$0x11400] =	vst v63  }
0x115: {  	_ =	swait.ge [sflag:s11], $0x2000  }
0x116: {  	[sflag:s11] =	ssyncset.done $0x0  }
0x117: {  	s21 =	simm.s32 $0x500;
	[sflag:s11] =	ssyncadd.s32 $0xFFFFE000  }
0x118: {  	[tilespmem:s29], [sflag:$0x4] =	stream.indirect.gather.add.f32 [hbm:s1], $0x80, s21, s25, $0xb8;
	[tilespmem:$0x11400] =	vst v63  }
0x119: {  	_ =	swait.ge [sflag:s12], $0x2000  }
0x11a: {  	[sflag:s12] =	ssyncset.done $0x0  }
0x11b: {  	s21 =	simm.s32 $0x540;
	[sflag:s12] =	ssyncadd.s32 $0xFFFFE000  }
0x11c: {  	[tilespmem:s31], [sflag:$0x5] =	stream.indirect.gather.add.f32 [hbm:s1], $0x80, s21, s25, $0xb8;
	[tilespmem:$0x11400] =	vst v63  }
0x11d: {  	_ =	swait.ge [sflag:s13], $0x2000  }
0x11e: {  	[sflag:s13] =	ssyncset.done $0x0  }
0x11f: {  	s21 =	simm.s32 $0x900;
	[sflag:s13] =	ssyncadd.s32 $0xFFFFE000  }
0x120: {  	[tilespmem:s0], [sflag:$0x6] =	stream.indirect.gather.add.f32 [hbm:s1], $0x80, s21, s25, $0xb8;
	[tilespmem:$0x11400] =	vst v63  }
0x121: {  	_ =	swait.ge [sflag:s14], $0x2000  }
0x122: {  	[sflag:s14] =	ssyncset.done $0x0  }
0x123: {  	s21 =	simm.s32 $0x940;
	[sflag:s14] =	ssyncadd.s32 $0xFFFFE000  }
0x124: {  	[tilespmem:s2], [sflag:$0x7] =	stream.indirect.gather.add.f32 [hbm:s1], $0x80, s21, s25, $0xb8;
	[tilespmem:$0x11400] =	vst v63  }
0x125: {  	_ =	swait.ge [sflag:s15], $0x2000  }
0x126: {  	[sflag:s15] =	ssyncset.done $0x0  }
0x127: {  	s21 =	simm.s32 $0xD00;
	[sflag:s15] =	ssyncadd.s32 $0xFFFFE000  }
0x128: {  	[tilespmem:s22], [sflag:$0x8] =	stream.indirect.gather.add.f32 [hbm:s1], $0x80, s21, s25, $0xb8;
	[tilespmem:$0x11400] =	vst v63  }
0x129: {  	_ =	swait.ge [sflag:s16], $0x2000  }
0x12a: {  	[sflag:s16] =	ssyncset.done $0x0  }
0x12b: {  	s21 =	simm.s32 $0xD40;
	[sflag:s16] =	ssyncadd.s32 $0xFFFFE000  }
0x12c: {  	[tilespmem:s3], [sflag:$0x9] =	stream.indirect.gather.add.f32 [hbm:s1], $0x80, s21, s25, $0xb8;
	[tilespmem:$0x11400] =	vst v63  }
0x12d: {  	_ =	swait.ge [sflag:s30], $0x2000  }
0x12e: {  	[sflag:s30] =	ssyncset.done $0x0  }
0x12f: {  	s21 =	simm.s32 $0x180;
	[sflag:s30] =	ssyncadd.s32 $0xFFFFE000  }
0x130: {  	[tilespmem:s26], [sflag:$0x2] =	stream.indirect.gather.add.f32 [hbm:s1], $0x80, s21, s25, $0xb8;
	[tilespmem:$0x11400] =	vst v63  }
0x131: {  	_ =	swait.ge [sflag:s10], $0x2000  }
0x132: {  	[sflag:s10] =	ssyncset.done $0x0  }
0x133: {  	s21 =	simm.s32 $0x1C0;
	[sflag:s10] =	ssyncadd.s32 $0xFFFFE000  }
0x134: {  	[tilespmem:s28], [sflag:$0x3] =	stream.indirect.gather.add.f32 [hbm:s1], $0x80, s21, s25, $0xb8;
	[tilespmem:$0x11400] =	vst v63  }
0x135: {  	_ =	swait.ge [sflag:s11], $0x2000  }
0x136: {  	[sflag:s11] =	ssyncset.done $0x0  }
0x137: {  	s21 =	simm.s32 $0x580;
	[sflag:s11] =	ssyncadd.s32 $0xFFFFE000  }
0x138: {  	[tilespmem:s29], [sflag:$0x4] =	stream.indirect.gather.add.f32 [hbm:s1], $0x80, s21, s25, $0xb8;
	[tilespmem:$0x11400] =	vst v63  }
0x139: {  	_ =	swait.ge [sflag:s12], $0x2000  }
0x13a: {  	[sflag:s12] =	ssyncset.done $0x0  }
0x13b: {  	s21 =	simm.s32 $0x5C0;
	[sflag:s12] =	ssyncadd.s32 $0xFFFFE000  }
0x13c: {  	[tilespmem:s31], [sflag:$0x5] =	stream.indirect.gather.add.f32 [hbm:s1], $0x80, s21, s25, $0xb8;
	[tilespmem:$0x11400] =	vst v63  }
0x13d: {  	_ =	swait.ge [sflag:s13], $0x2000  }
0x13e: {  	[sflag:s13] =	ssyncset.done $0x0  }
0x13f: {  	s21 =	simm.s32 $0x980;
	[sflag:s13] =	ssyncadd.s32 $0xFFFFE000  }
0x140: {  	[tilespmem:s0], [sflag:$0x6] =	stream.indirect.gather.add.f32 [hbm:s1], $0x80, s21, s25, $0xb8;
	[tilespmem:$0x11400] =	vst v63  }
0x141: {  	_ =	swait.ge [sflag:s14], $0x2000  }
0x142: {  	[sflag:s14] =	ssyncset.done $0x0  }
0x143: {  	s21 =	simm.s32 $0x9C0;
	[sflag:s14] =	ssyncadd.s32 $0xFFFFE000  }
0x144: {  	[tilespmem:s2], [sflag:$0x7] =	stream.indirect.gather.add.f32 [hbm:s1], $0x80, s21, s25, $0xb8;
	[tilespmem:$0x11400] =	vst v63  }
0x145: {  	_ =	swait.ge [sflag:s15], $0x2000  }
0x146: {  	[sflag:s15] =	ssyncset.done $0x0  }
0x147: {  	s21 =	simm.s32 $0xD80;
	[sflag:s15] =	ssyncadd.s32 $0xFFFFE000  }
0x148: {  	[tilespmem:s22], [sflag:$0x8] =	stream.indirect.gather.add.f32 [hbm:s1], $0x80, s21, s25, $0xb8;
	[tilespmem:$0x11400] =	vst v63  }
0x149: {  	_ =	swait.ge [sflag:s16], $0x2000  }
0x14a: {  	[sflag:s16] =	ssyncset.done $0x0  }
0x14b: {  	s21 =	simm.s32 $0xDC0;
	[sflag:s16] =	ssyncadd.s32 $0xFFFFE000  }
0x14c: {  	[tilespmem:s3], [sflag:$0x9] =	stream.indirect.gather.add.f32 [hbm:s1], $0x80, s21, s25, $0xb8;
	[tilespmem:$0x11400] =	vst v63  }
0x14d: {  	_ =	swait.ge [sflag:s30], $0x2000  }
0x14e: {  	[sflag:s30] =	ssyncset.done $0x0  }
0x14f: {  	s21 =	simm.s32 $0x200;
	[sflag:s30] =	ssyncadd.s32 $0xFFFFE000  }
0x150: {  	[tilespmem:s26], [sflag:$0x2] =	stream.indirect.gather.add.f32 [hbm:s1], $0x80, s21, s25, $0xb8;
	[tilespmem:$0x11400] =	vst v63  }
0x151: {  	_ =	swait.ge [sflag:s10], $0x2000  }
0x152: {  	[sflag:s10] =	ssyncset.done $0x0  }
0x153: {  	s21 =	simm.s32 $0x240;
	[sflag:s10] =	ssyncadd.s32 $0xFFFFE000  }
0x154: {  	[tilespmem:s28], [sflag:$0x3] =	stream.indirect.gather.add.f32 [hbm:s1], $0x80, s21, s25, $0xb8;
	[tilespmem:$0x11400] =	vst v63  }
0x155: {  	_ =	swait.ge [sflag:s11], $0x2000  }
0x156: {  	[sflag:s11] =	ssyncset.done $0x0  }
0x157: {  	s21 =	simm.s32 $0x600;
	[sflag:s11] =	ssyncadd.s32 $0xFFFFE000  }
0x158: {  	[tilespmem:s29], [sflag:$0x4] =	stream.indirect.gather.add.f32 [hbm:s1], $0x80, s21, s25, $0xb8;
	[tilespmem:$0x11400] =	vst v63  }
0x159: {  	_ =	swait.ge [sflag:s12], $0x2000  }
0x15a: {  	[sflag:s12] =	ssyncset.done $0x0  }
0x15b: {  	s21 =	simm.s32 $0x640;
	[sflag:s12] =	ssyncadd.s32 $0xFFFFE000  }
0x15c: {  	[tilespmem:s31], [sflag:$0x5] =	stream.indirect.gather.add.f32 [hbm:s1], $0x80, s21, s25, $0xb8;
	[tilespmem:$0x11400] =	vst v63  }
0x15d: {  	_ =	swait.ge [sflag:s13], $0x2000  }
0x15e: {  	[sflag:s13] =	ssyncset.done $0x0  }
0x15f: {  	s21 =	simm.s32 $0xA00;
	[sflag:s13] =	ssyncadd.s32 $0xFFFFE000  }
0x160: {  	[tilespmem:s0], [sflag:$0x6] =	stream.indirect.gather.add.f32 [hbm:s1], $0x80, s21, s25, $0xb8;
	[tilespmem:$0x11400] =	vst v63  }
0x161: {  	_ =	swait.ge [sflag:s14], $0x2000  }
0x162: {  	[sflag:s14] =	ssyncset.done $0x0  }
0x163: {  	s21 =	simm.s32 $0xA40;
	[sflag:s14] =	ssyncadd.s32 $0xFFFFE000  }
0x164: {  	[tilespmem:s2], [sflag:$0x7] =	stream.indirect.gather.add.f32 [hbm:s1], $0x80, s21, s25, $0xb8;
	[tilespmem:$0x11400] =	vst v63  }
0x165: {  	_ =	swait.ge [sflag:s15], $0x2000  }
0x166: {  	[sflag:s15] =	ssyncset.done $0x0  }
0x167: {  	s21 =	simm.s32 $0xE00;
	[sflag:s15] =	ssyncadd.s32 $0xFFFFE000  }
0x168: {  	[tilespmem:s22], [sflag:$0x8] =	stream.indirect.gather.add.f32 [hbm:s1], $0x80, s21, s25, $0xb8;
	[tilespmem:$0x11400] =	vst v63  }
0x169: {  	_ =	swait.ge [sflag:s16], $0x2000  }
0x16a: {  	[sflag:s16] =	ssyncset.done $0x0  }
0x16b: {  	s21 =	simm.s32 $0xE40;
	[sflag:s16] =	ssyncadd.s32 $0xFFFFE000  }
0x16c: {  	[tilespmem:s3], [sflag:$0x9] =	stream.indirect.gather.add.f32 [hbm:s1], $0x80, s21, s25, $0xb8;
	[tilespmem:$0x11400] =	vst v63  }
0x16d: {  	_ =	swait.ge [sflag:s30], $0x2000  }
0x16e: {  	[sflag:s30] =	ssyncset.done $0x0  }
0x16f: {  	s21 =	rddreg [dreg:$0x5];
	[sflag:s30] =	ssyncadd.s32 $0xFFFFE000  }
0x170: {  	[hbm4b:s21+s4] =	stream.linear.scatter [tilespmem:s26], [sflag:$0xA], $0x2000, $0x38;
	[tilespmem:$0x11400] =	vst v63  }
0x171: {  	_ =	swait.ge [sflag:s10], $0x2000  }
0x172: {  	[sflag:s10] =	ssyncset.done $0x0  }
0x173: {  	s21 =	rddreg [dreg:$0x6];
	[sflag:s10] =	ssyncadd.s32 $0xFFFFE000  }
0x174: {  	[hbm4b:s21+s4] =	stream.linear.scatter [tilespmem:s28], [sflag:$0xA], $0x2000, $0x38;
	[tilespmem:$0x11400] =	vst v63  }
0x175: {  	_ =	swait.ge [sflag:s11], $0x2000  }
0x176: {  	[sflag:s11] =	ssyncset.done $0x0  }
0x177: {  	s21 =	rddreg [dreg:$0x7];
	[sflag:s11] =	ssyncadd.s32 $0xFFFFE000  }
0x178: {  	[hbm4b:s21+s4] =	stream.linear.scatter [tilespmem:s29], [sflag:$0xA], $0x2000, $0x38;
	[tilespmem:$0x11400] =	vst v63  }
0x179: {  	_ =	swait.ge [sflag:s12], $0x2000  }
0x17a: {  	[sflag:s12] =	ssyncset.done $0x0  }
0x17b: {  	s21 =	rddreg [dreg:$0x8];
	[sflag:s12] =	ssyncadd.s32 $0xFFFFE000  }
0x17c: {  	[hbm4b:s21+s4] =	stream.linear.scatter [tilespmem:s31], [sflag:$0xA], $0x2000, $0x38;
	[tilespmem:$0x11400] =	vst v63  }
0x17d: {  	_ =	swait.ge [sflag:s13], $0x2000  }
0x17e: {  	[sflag:s13] =	ssyncset.done $0x0  }
0x17f: {  	s21 =	rddreg [dreg:$0x9];
	[sflag:s13] =	ssyncadd.s32 $0xFFFFE000  }
0x180: {  	[hbm4b:s21+s4] =	stream.linear.scatter [tilespmem:s0], [sflag:$0xA], $0x2000, $0x38;
	[tilespmem:$0x11400] =	vst v63  }
0x181: {  	_ =	swait.ge [sflag:s14], $0x2000  }
0x182: {  	[sflag:s14] =	ssyncset.done $0x0  }
0x183: {  	s21 =	rddreg [dreg:$0xa];
	[sflag:s14] =	ssyncadd.s32 $0xFFFFE000  }
0x184: {  	[hbm4b:s21+s4] =	stream.linear.scatter [tilespmem:s2], [sflag:$0xA], $0x2000, $0x38;
	[tilespmem:$0x11400] =	vst v63  }
0x185: {  	_ =	swait.ge [sflag:s15], $0x2000  }
0x186: {  	[sflag:s15] =	ssyncset.done $0x0  }
0x187: {  	s21 =	rddreg [dreg:$0xb];
	[sflag:s15] =	ssyncadd.s32 $0xFFFFE000  }
0x188: {  	[hbm4b:s21+s4] =	stream.linear.scatter [tilespmem:s22], [sflag:$0xA], $0x2000, $0x38;
	[tilespmem:$0x11400] =	vst v63  }
0x189: {  	_ =	swait.ge [sflag:s16], $0x2000  }
0x18a: {  	[sflag:s16] =	ssyncset.done $0x0  }
0x18b: {  	s21 =	rddreg [dreg:$0xc];
	[sflag:s16] =	ssyncadd.s32 $0xFFFFE000  }
0x18c: {  	[hbm4b:s21+s4] =	stream.linear.scatter [tilespmem:s3], [sflag:$0xA], $0x2000, $0x38;
	[tilespmem:$0x11400] =	vst v63  }
0x18d: {  	_ =	swait.ge [sflag:s17], $0x2000  }
0x18e: {  	[sflag:s17] =	ssyncset.done $0x0  }
0x18f: {  	[sflag:s17] =	ssyncadd.s32 $0xFFFFE000  }
0x190: {  	_ =	swait.ge [sflag:s17], $0x2000  }
0x191: {  	[sflag:s17] =	ssyncset.done $0x0  }
0x192: {  	[sflag:s17] =	ssyncadd.s32 $0xFFFFE000  }
0x193: {  	_ =	swait.ge [sflag:s17], $0x2000  }
0x194: {  	[sflag:s17] =	ssyncset.done $0x0  }
0x195: {  	[sflag:s17] =	ssyncadd.s32 $0xFFFFE000  }
0x196: {  	_ =	swait.ge [sflag:s17], $0x2000  }
0x197: {  	[sflag:s17] =	ssyncset.done $0x0  }
0x198: {  	[sflag:s17] =	ssyncadd.s32 $0xFFFFE000  }
0x199: {  	_ =	swait.ge [sflag:s17], $0x2000  }
0x19a: {  	[sflag:s17] =	ssyncset.done $0x0  }
0x19b: {  	[sflag:s17] =	ssyncadd.s32 $0xFFFFE000  }
0x19c: {  	_ =	swait.ge [sflag:s17], $0x2000  }
0x19d: {  	[sflag:s17] =	ssyncset.done $0x0  }
0x19e: {  	[sflag:s17] =	ssyncadd.s32 $0xFFFFE000  }
0x19f: {  	_ =	swait.ge [sflag:s17], $0x2000  }
0x1a0: {  	[sflag:s17] =	ssyncset.done $0x0  }
0x1a1: {  	[sflag:s17] =	ssyncadd.s32 $0xFFFFE000  }
0x1a2: {  	_ =	swait.ge [sflag:s17], $0x2000  }
0x1a3: {  	s8 =	sadd.s32 $0x1, s8;
	s21 =	rddreg [dreg:$0xd]  }
0x1a4: {  	p0 =	sne.s32 s8, s21  }
.Ltmp8:
0x1a5: {  	_ = 	snop;
	(pc) =	sbr.rel @p0 .LBB2_1-.Ltmp8, $3  }
0x1a6: {  	_ =	sdelay $0x1  }
0x1a7: {  	[sflag:s17] =	ssyncset.done $0x0  }
0x1a8: {  	[sflag:s17] =	ssyncadd.s32 $0xFFFFE000  }
0x1a9: {  	_ =	sfence.sel $0x180000  }
0x1aa: {  	[bflag:$0x0] =	sbarrier.arrive $0xFFFF  }
0x1ab: {  	_ =	strace $0x90000047  }
0x1ac: {  	s0 =	stileid.u32;
	[bflag:$0x2] =	sbarrier.arrive $0xFFFF  }
0x1ad: {  	p0 =	sne.s32 s0, $0x0;
	s0 =	rddreg [dreg:$0x4]  }
0x1ae: {  	s0 =	sadd.s32 @!p0 $0x100000, s0  }
0x1af: {  	[sflag:s0] =	ssyncadd.tile.s32 @!p0 $0x1;
	_ =	shalt  }
.Lfunc_end2:
_tile_overlayer_lowered:
.L_overlay_start_2:
0x1b0: {  	(tag) =	ssettag $0x2  }
0x1b1: {  	s0 =	rddreg [dreg:$0x0];
	s2 =	stileid.u32  }
0x1b2: {  	s1 =	rddreg [dreg:$0x1];
	p0 =	sne.s32 s2, $0x0  }
0x1b3: {  	s3 =	rddreg [dreg:$0x2];
	[bflag:$0x3] =	sbarrier.arrive $0xFFFF;
	s2 =	simm.s32 @!p0 $0x1C0B  }
0x1b4: {  	[timem:s3], [sflag:s2] =	dma.local @!p0 [hbm:s0], s1  }
0x1b5: {  	s0 =	simm.s32 @!p0 $0xB  }
0x1b6: {  	_ =	swait.ge @!p0 [sflag:s0], s1  }
0x1b7: {  	s1 =	ssub.s32 @!p0 $0x0, s1;
	[sflag:s0] =	ssyncset.done @!p0 $0x0  }
0x1b8: {  	[sflag:s0] =	ssyncadd.s32 @!p0 s1  }
0x1b9: {  	[bflag:$0x3] =	sbarrier.arrive $0xFFFF  }
0x1ba: {  	_ =	shalt  }

</sc_bundles>
